<compile_context>
chip_gen: v7x
topology: tpu7x:2x2x1
jax: 0.10.2.dev20260603
libtpu: 0.0.44.dev20260713+nightly
codegen_flags: <defaults>
</compile_context>

<pallas_src>
import functools

import jax
import jax.numpy as jnp
from jax import lax
from jax.experimental import pallas as pl
from jax.experimental.pallas import tpu as pltpu
from jax.experimental.pallas import tpu_sc as plsc

N = 10000
NPAD = 10240
D = 128
E = 320000

NC = 2
NS = 16
NW = NC * NS
CHUNK = 128
NCHUNK = 81
EPW = NCHUNK * CHUNK
EPAD = NW * EPW
RPT = NPAD // NS
EPS = 1e-5


def _dis_body(deg_ref, o_ref):
    d = deg_ref[0:1, :] + deg_ref[1:2, :]
    o_ref[...] = lax.rsqrt(jnp.maximum(d, 1e-30))


def _k2b_dis(degs):
    return pl.pallas_call(
        _dis_body,
        out_shape=jax.ShapeDtypeStruct((1, NPAD), jnp.float32),
    )(degs)


def _mm_body(x_ref, w_ref, o_ref):
    o_ref[...] = jnp.dot(x_ref[...], w_ref[...],
                         preferred_element_type=jnp.float32)


def _k1_matmul(x_pad, W):
    return pl.pallas_call(
        _mm_body,
        grid=(NPAD // 512,),
        in_specs=[
            pl.BlockSpec((512, D), lambda i: (i, 0)),
            pl.BlockSpec((D, D), lambda i: (0, 0)),
        ],
        out_specs=pl.BlockSpec((512, D), lambda i: (i, 0)),
        out_shape=jax.ShapeDtypeStruct((NPAD, D), jnp.float32),
    )(x_pad, W)


def _k2_body(dst_hbm, w_hbm, deg_out, idx_v, w_v, zbuf, deg_sp, sem):
    c = lax.axis_index("c")
    s = lax.axis_index("s")
    wid = c * NS + s

    z = jnp.zeros((16,), jnp.float32)
    def zb(i, _):
        zbuf[pl.ds(i * 16, 16)] = z
        return 0
    lax.fori_loop(0, RPT // 16, zb, 0)
    pltpu.sync_copy(zbuf, deg_sp.at[pl.ds(s * RPT, RPT)])
    plsc.subcore_barrier()

    def chunk(k, _):
        base = wid * EPW + k * CHUNK
        pltpu.sync_copy(dst_hbm.at[pl.ds(base, CHUNK)], idx_v)
        pltpu.sync_copy(w_hbm.at[pl.ds(base, CHUNK)], w_v)
        pltpu.sync_copy(w_v, deg_sp.at[idx_v], add=True)
        return 0
    lax.fori_loop(0, NCHUNK, chunk, 0)
    plsc.subcore_barrier()

    pltpu.sync_copy(deg_sp.at[pl.ds(s * RPT, RPT)], zbuf)
    pltpu.sync_copy(zbuf, deg_out.at[c, pl.ds(s * RPT, RPT)])


def _k2_degree(dst_f, w_f):
    mesh = plsc.VectorSubcoreMesh(core_axis_name="c", subcore_axis_name="s")
    f = functools.partial(
        pl.kernel,
        out_type=jax.ShapeDtypeStruct((NC, NPAD), jnp.float32),
        mesh=mesh,
        compiler_params=pltpu.CompilerParams(needs_layout_passes=False),
        scratch_types=[
            pltpu.VMEM((CHUNK,), jnp.int32),
            pltpu.VMEM((CHUNK,), jnp.float32),
            pltpu.VMEM((RPT,), jnp.float32),
            pltpu.VMEM_SHARED((NPAD,), jnp.float32),
            pltpu.SemaphoreType.DMA,
        ],
    )(_k2_body)
    return f(dst_f, w_f)


def _k3_body(src_hbm, dst_hbm, w_hbm, dis_hbm, xw_hbm, part_out,
             dis_v, sidx_v, didx_v, w_v, norm_v, rows_v, acc_sp, sem):
    c = lax.axis_index("c")
    s = lax.axis_index("s")
    wid = c * NS + s

    pltpu.sync_copy(dis_hbm, dis_v)

    z = jnp.zeros((16,), jnp.float32)
    def zrow(i, _):
        r = i // 8
        f = i % 8
        rows_v[r, pl.ds(f * 16, 16)] = z
        return 0
    lax.fori_loop(0, CHUNK * 8, zrow, 0)
    for k in range(RPT // CHUNK):
        pltpu.sync_copy(rows_v, acc_sp.at[pl.ds(s * RPT + k * CHUNK, CHUNK)])
    plsc.subcore_barrier()

    def chunk(k, _):
        base = wid * EPW + k * CHUNK
        pltpu.sync_copy(src_hbm.at[pl.ds(base, CHUNK)], sidx_v)
        pltpu.sync_copy(dst_hbm.at[pl.ds(base, CHUNK)], didx_v)
        pltpu.sync_copy(w_hbm.at[pl.ds(base, CHUNK)], w_v)
        gat = pltpu.async_copy(xw_hbm.at[sidx_v], rows_v, sem)
        def nrm(i, _):
            si = sidx_v[pl.ds(i * 16, 16)]
            di = didx_v[pl.ds(i * 16, 16)]
            ds_ = plsc.load_gather(dis_v, [si])
            dd_ = plsc.load_gather(dis_v, [di])
            norm_v[pl.ds(i * 16, 16)] = ds_ * w_v[pl.ds(i * 16, 16)] * dd_
            return 0
        lax.fori_loop(0, CHUNK // 16, nrm, 0)
        gat.wait()
        def scale(j, _):
            nv = norm_v[pl.ds(j * 16, 16)]
            for lane in range(16):
                e = j * 16 + lane
                sc = nv[lane]
                for f in range(8):
                    rows_v[e, pl.ds(f * 16, 16)] = (
                        rows_v[e, pl.ds(f * 16, 16)] * sc)
            return 0
        lax.fori_loop(0, CHUNK // 16, scale, 0)
        pltpu.sync_copy(rows_v, acc_sp.at[didx_v], add=True)
        return 0
    lax.fori_loop(0, NCHUNK, chunk, 0)
    plsc.subcore_barrier()

    for k in range(RPT // CHUNK):
        row = s * RPT + k * CHUNK
        pltpu.sync_copy(acc_sp.at[pl.ds(row, CHUNK)], rows_v)
        pltpu.sync_copy(rows_v, part_out.at[c, pl.ds(row, CHUNK)])


def _k3_aggregate(src_f, dst_f, w_f, dis, xw):
    mesh = plsc.VectorSubcoreMesh(core_axis_name="c", subcore_axis_name="s")
    f = functools.partial(
        pl.kernel,
        out_type=jax.ShapeDtypeStruct((NC, NPAD, D), jnp.float32),
        mesh=mesh,
        compiler_params=pltpu.CompilerParams(needs_layout_passes=False),
        scratch_types=[
            pltpu.VMEM((NPAD,), jnp.float32),
            pltpu.VMEM((CHUNK,), jnp.int32),
            pltpu.VMEM((CHUNK,), jnp.int32),
            pltpu.VMEM((CHUNK,), jnp.float32),
            pltpu.VMEM((CHUNK,), jnp.float32),
            pltpu.VMEM((CHUNK, D), jnp.float32),
            pltpu.VMEM_SHARED((NPAD, D), jnp.float32),
            pltpu.SemaphoreType.DMA,
        ],
    )(_k3_body)
    return f(src_f, dst_f, w_f, dis, xw)


def _stats_body(p0_ref, p1_ref, b_ref, o_ref):
    i = pl.program_id(0)
    v = p0_ref[...] + p1_ref[...] + b_ref[...]
    rows = i * 512 + lax.broadcasted_iota(jnp.int32, (512, D), 0)
    v = jnp.where(rows < N, v, 0.0)
    blk = jnp.stack([jnp.sum(v, 0), jnp.sum(v * v, 0)])

    @pl.when(i == 0)
    def _():
        o_ref[...] = blk

    @pl.when(i > 0)
    def _():
        o_ref[...] = o_ref[...] + blk


def _k4a_stats(p0, p1, b2):
    return pl.pallas_call(
        _stats_body,
        grid=(NPAD // 512,),
        in_specs=[
            pl.BlockSpec((512, D), lambda i: (i, 0)),
            pl.BlockSpec((512, D), lambda i: (i, 0)),
            pl.BlockSpec((1, D), lambda i: (0, 0)),
        ],
        out_specs=pl.BlockSpec((2, D), lambda i: (0, 0)),
        out_shape=jax.ShapeDtypeStruct((2, D), jnp.float32),
    )(p0, p1, b2)


def _bn_body(p0_ref, p1_ref, b_ref, st_ref, g_ref, bt_ref, o_ref):
    v = p0_ref[...] + p1_ref[...] + b_ref[...]
    mean = st_ref[0:1, :] / N
    var = st_ref[1:2, :] / N - mean * mean
    inv = lax.rsqrt(var + EPS)
    h = (v - mean) * inv * g_ref[...] + bt_ref[...]
    o_ref[...] = jnp.maximum(h, 0.0)


def _k4b_bn(p0, p1, b2, stats, g2, bt2):
    return pl.pallas_call(
        _bn_body,
        grid=(N // 1000,),
        in_specs=[
            pl.BlockSpec((1000, D), lambda i: (i, 0)),
            pl.BlockSpec((1000, D), lambda i: (i, 0)),
            pl.BlockSpec((1, D), lambda i: (0, 0)),
            pl.BlockSpec((2, D), lambda i: (0, 0)),
            pl.BlockSpec((1, D), lambda i: (0, 0)),
            pl.BlockSpec((1, D), lambda i: (0, 0)),
        ],
        out_specs=pl.BlockSpec((1000, D), lambda i: (i, 0)),
        out_shape=jax.ShapeDtypeStruct((N, D), jnp.float32),
    )(p0, p1, b2, stats, g2, bt2)


def kernel(x, edge_index, edge_weight, W, b, gamma, beta):
    src = edge_index[0]
    dst = edge_index[1]
    loop = jnp.arange(N, dtype=jnp.int32)
    npad_e = EPAD - E - N
    pad_idx = jnp.arange(npad_e, dtype=jnp.int32)
    src_f = jnp.concatenate([src, loop, pad_idx])
    dst_f = jnp.concatenate([dst, loop, pad_idx])
    w_f = jnp.concatenate([edge_weight, jnp.ones((N,), jnp.float32),
                           jnp.zeros((npad_e,), jnp.float32)])
    x_pad = jnp.pad(x, ((0, NPAD - N), (0, 0)))

    xw = _k1_matmul(x_pad, W)
    degs = _k2_degree(dst_f, w_f)
    dis = _k2b_dis(degs).reshape(NPAD)
    parts = _k3_aggregate(src_f, dst_f, w_f, dis, xw)

    b2 = b.reshape(1, D)
    g2 = gamma.reshape(1, D)
    bt2 = beta.reshape(1, D)
    stats = _k4a_stats(parts[0], parts[1], b2)
    return _k4b_bn(parts[0], parts[1], b2, stats, g2, bt2)

# --- scband reference (transcript-rebuilt; emitter-appended) ---
"""Pipeline reference for scband-crypto-graph-conv-17059610099727 (READ-ONLY COPY).

The authoritative reference and input builder live on the scoring server;
editing this copy changes nothing except your own understanding.
"""

import jax, jax.numpy as jnp
import numpy as np

N = 10000
E = 320000
D_IN = 128
D_OUT = 128


def setup_inputs(seed: int = 0) -> dict:
    key = jax.random.key(seed)
    ks = jax.random.split(key, 7)
    x = jax.random.normal(ks[0], (N, D_IN), dtype=jnp.float32)
    edge_index = jax.random.randint(ks[1], (2, E), 0, N, dtype=jnp.int32)
    edge_weight = jax.random.uniform(ks[2], (E,), dtype=jnp.float32)
    # GCNConv linear weight (glorot-ish) and bias
    W = jax.random.normal(ks[3], (D_IN, D_OUT), dtype=jnp.float32) * (1.0 / np.sqrt(D_IN))
    b = jnp.zeros((D_OUT,), dtype=jnp.float32)
    # BatchNorm1d affine params
    gamma = jnp.ones((D_OUT,), dtype=jnp.float32)
    beta = jnp.zeros((D_OUT,), dtype=jnp.float32)
    return {"x": x, "edge_index": edge_index, "edge_weight": edge_weight,
            "W": W, "b": b, "gamma": gamma, "beta": beta}


def reference(x, edge_index, edge_weight, W, b, gamma, beta):
    n = x.shape[0]
    # Linear transform first (GCNConv applies lin before propagation)
    xw = x @ W
    src = edge_index[0]
    dst = edge_index[1]
    # add self-loops with weight 1.0 (PyG GCNConv default fill_value=1.0)
    loop = jnp.arange(n, dtype=src.dtype)
    src_f = jnp.concatenate([src, loop])
    dst_f = jnp.concatenate([dst, loop])
    w_f = jnp.concatenate([edge_weight, jnp.ones((n,), dtype=edge_weight.dtype)])
    # symmetric normalization deg^{-1/2} A deg^{-1/2}
    deg = jax.ops.segment_sum(w_f, dst_f, num_segments=n)
    deg_inv_sqrt = jnp.where(deg > 0, 1.0 / jnp.sqrt(jnp.where(deg > 0, deg, 1.0)), 0.0)
    norm = deg_inv_sqrt[src_f] * w_f * deg_inv_sqrt[dst_f]
    # gather messages from src, scale, scatter-add into dst
    msg = xw[src_f] * norm[:, None]
    out = jax.ops.segment_sum(msg, dst_f, num_segments=n) + b
    # BatchNorm1d (batch statistics, training-style forward) + ReLU
    mean = jnp.mean(out, axis=0)
    var = jnp.var(out, axis=0)
    h = (out - mean) / jnp.sqrt(var + 1e-5) * gamma + beta
    return jax.nn.relu(h)

if __name__ == "__main__":
    import jax
    _d = setup_inputs()
    print(jax.jit(kernel)(*tuple(_d.values())))

</pallas_src>

<mosaic_0001>
#map = affine_map<(d0, d1) -> (0)>
#map1 = affine_map<(d0, d1) -> (0, 0)>
module attributes {stable_mosaic.version = 14 : i64} {
  func.func @_k2_body(%arg0: i32, %arg1: i32, %arg2: memref<331776xi32, #tpu.memory_space<hbm>>, %arg3: memref<331776xf32, #tpu.memory_space<hbm>>, %arg4: memref<2x10240xf32, #tpu.memory_space<hbm>>, %arg5: memref<128xi32, #tpu.memory_space<vmem>>, %arg6: memref<128xf32, #tpu.memory_space<vmem>>, %arg7: memref<640xf32, #tpu.memory_space<vmem>>, %arg8: memref<10240xf32, #tpu.memory_space<vmem_shared>>, %arg9: memref<!tpu.dma_semaphore, #tpu.memory_space<semaphore_mem>>) attributes {dimension_semantics = [#tpu.dimension_semantics<core_parallel>, #tpu.dimension_semantics<subcore_parallel>], iteration_bounds = array<i64: 2, 16>, scalar_prefetch = 0 : i64, scratch_operands = 5 : i64, tpu.core_type = #tpu.core_type<sc_vector_subcore>, window_params = [{transform_indices = #map}, {transform_indices = #map}, {transform_indices = #map1}]} {
    %mul3A = arith.constant 16 : i32
    %mul3A_0 = arith.muli %arg0, %mul3A : i32
    %add3A = arith.addi %mul3A_0, %arg1 : i32
    %broadcast_in_dim3A = arith.constant 0.000000e+00 : f32
    %broadcast_in_dim3A_1 = vector.broadcast %broadcast_in_dim3A : f32 to vector<16xf32>
    %scan3A = arith.constant 0 : i32
    %scan3A_2 = arith.constant 0 : i32
    %scan3A_3 = arith.constant 40 : i32
    %scan3A_4 = arith.addi %scan3A_2, %scan3A_3 : i32
    %scan3A_5 = arith.constant 1 : i32
    %scan3A_6 = scf.for %scan3A_22 = %scan3A_2 to %scan3A_4 step %scan3A_5 iter_args(%scan3A_23 = %scan3A) -> (i32)  : i32 {
      %mul3A_24 = arith.constant 16 : i32
      %mul3A_25 = arith.muli %scan3A_22, %mul3A_24 : i32
      %swap3A = arith.index_cast %mul3A_25 : i32 to index
      %swap3A_26 = tpu.vector_load %arg7[%swap3A] {strides = array<i32>} : memref<640xf32, #tpu.memory_space<vmem>>, vector<16xf32>,
      tpu.vector_store %arg7[%swap3A], %broadcast_in_dim3A_1 {strides = array<i32>} : memref<640xf32, #tpu.memory_space<vmem>>, vector<16xf32>,
      %scan3A_27 = arith.constant 0 : i32
      scf.yield %scan3A_27 : i32
    }
    %scan3A_7 = arith.constant 40 : i32
    %mul3A_8 = arith.constant 640 : i32
    %mul3A_9 = arith.muli %arg1, %mul3A_8 : i32
    "tpu.region"() ({
      %run_scoped3A = tpu.sem_alloc : memref<!tpu.dma_semaphore, #tpu.memory_space<semaphore_mem>>
      %dma_start3A = tpu.memref_slice %arg8[%mul3A_9] : memref<10240xf32, #tpu.memory_space<vmem_shared>> -> memref<640xf32, #tpu.memory_space<vmem_shared>>
      %dma_start3A_22 = tpu.memref_slice %arg8[%mul3A_9] : memref<10240xf32, #tpu.memory_space<vmem_shared>> -> memref<640xf32, #tpu.memory_space<vmem_shared>>
      tpu.enqueue_dma source(%arg7 : memref<640xf32, #tpu.memory_space<vmem>>) target(%dma_start3A_22 : memref<640xf32, #tpu.memory_space<vmem_shared>>) target_semaphore(%run_scoped3A : memref<!tpu.dma_semaphore, #tpu.memory_space<semaphore_mem>>)
      %dma_wait3A = tpu.memref_slice %arg8[%mul3A_9] : memref<10240xf32, #tpu.memory_space<vmem_shared>> -> memref<640xf32, #tpu.memory_space<vmem_shared>>
      %dma_wait3A_23 = tpu.memref_slice %arg8[%mul3A_9] : memref<10240xf32, #tpu.memory_space<vmem_shared>> -> memref<640xf32, #tpu.memory_space<vmem_shared>>
      tpu.wait_dma2 semaphore(%run_scoped3A : memref<!tpu.dma_semaphore, #tpu.memory_space<semaphore_mem>>) src(%arg7 : memref<640xf32, #tpu.memory_space<vmem>>) dst(%dma_wait3A_23 : memref<640xf32, #tpu.memory_space<vmem_shared>>)
      tpu.yield
    }) : () -> ()
    %barrier3A = arith.constant 0 : index
    tpu.barrier barrier_id(%barrier3A)
    %scan3A_10 = arith.constant 0 : i32
    %scan3A_11 = arith.constant 0 : i32
    %scan3A_12 = arith.constant 81 : i32
    %scan3A_13 = arith.addi %scan3A_11, %scan3A_12 : i32
    %scan3A_14 = arith.constant 1 : i32
    %scan3A_15 = scf.for %scan3A_22 = %scan3A_11 to %scan3A_13 step %scan3A_14 iter_args(%scan3A_23 = %scan3A_10) -> (i32)  : i32 {
      %mul3A_24 = arith.constant 10368 : i32
      %mul3A_25 = arith.muli %add3A, %mul3A_24 : i32
      %mul3A_26 = arith.constant 128 : i32
      %mul3A_27 = arith.muli %scan3A_22, %mul3A_26 : i32
      %add3A_28 = arith.addi %mul3A_25, %mul3A_27 : i32
      "tpu.region"() ({
        %run_scoped3A = tpu.sem_alloc : memref<!tpu.dma_semaphore, #tpu.memory_space<semaphore_mem>>
        %dma_start3A = tpu.memref_slice %arg2[%add3A_28] : memref<331776xi32, #tpu.memory_space<hbm>> -> memref<128xi32, #tpu.memory_space<hbm>>
        %dma_start3A_30 = tpu.memref_slice %arg2[%add3A_28] : memref<331776xi32, #tpu.memory_space<hbm>> -> memref<128xi32, #tpu.memory_space<hbm>>
        tpu.enqueue_dma source(%dma_start3A_30 : memref<128xi32, #tpu.memory_space<hbm>>) target(%arg5 : memref<128xi32, #tpu.memory_space<vmem>>) target_semaphore(%run_scoped3A : memref<!tpu.dma_semaphore, #tpu.memory_space<semaphore_mem>>)
        %dma_wait3A = tpu.memref_slice %arg2[%add3A_28] : memref<331776xi32, #tpu.memory_space<hbm>> -> memref<128xi32, #tpu.memory_space<hbm>>
        %dma_wait3A_31 = tpu.memref_slice %arg2[%add3A_28] : memref<331776xi32, #tpu.memory_space<hbm>> -> memref<128xi32, #tpu.memory_space<hbm>>
        tpu.wait_dma2 semaphore(%run_scoped3A : memref<!tpu.dma_semaphore, #tpu.memory_space<semaphore_mem>>) src(%dma_wait3A_31 : memref<128xi32, #tpu.memory_space<hbm>>) dst(%arg5 : memref<128xi32, #tpu.memory_space<vmem>>)
        tpu.yield
      }) : () -> ()
      "tpu.region"() ({
        %run_scoped3A = tpu.sem_alloc : memref<!tpu.dma_semaphore, #tpu.memory_space<semaphore_mem>>
        %dma_start3A = tpu.memref_slice %arg3[%add3A_28] : memref<331776xf32, #tpu.memory_space<hbm>> -> memref<128xf32, #tpu.memory_space<hbm>>
        %dma_start3A_30 = tpu.memref_slice %arg3[%add3A_28] : memref<331776xf32, #tpu.memory_space<hbm>> -> memref<128xf32, #tpu.memory_space<hbm>>
        tpu.enqueue_dma source(%dma_start3A_30 : memref<128xf32, #tpu.memory_space<hbm>>) target(%arg6 : memref<128xf32, #tpu.memory_space<vmem>>) target_semaphore(%run_scoped3A : memref<!tpu.dma_semaphore, #tpu.memory_space<semaphore_mem>>)
        %dma_wait3A = tpu.memref_slice %arg3[%add3A_28] : memref<331776xf32, #tpu.memory_space<hbm>> -> memref<128xf32, #tpu.memory_space<hbm>>
        %dma_wait3A_31 = tpu.memref_slice %arg3[%add3A_28] : memref<331776xf32, #tpu.memory_space<hbm>> -> memref<128xf32, #tpu.memory_space<hbm>>
        tpu.wait_dma2 semaphore(%run_scoped3A : memref<!tpu.dma_semaphore, #tpu.memory_space<semaphore_mem>>) src(%dma_wait3A_31 : memref<128xf32, #tpu.memory_space<hbm>>) dst(%arg6 : memref<128xf32, #tpu.memory_space<vmem>>)
        tpu.yield
      }) : () -> ()
      "tpu.region"() ({
        %run_scoped3A = tpu.sem_alloc : memref<!tpu.dma_semaphore, #tpu.memory_space<semaphore_mem>>
        %dma_start3A = arith.constant 0 : i32
        %dma_start3A_30 = tpu.memref_slice %arg8[%dma_start3A] : memref<10240xf32, #tpu.memory_space<vmem_shared>> -> memref<10240xf32, #tpu.memory_space<vmem_shared>>
        tpu.enqueue_indirect_dma source(%arg6 : memref<128xf32, #tpu.memory_space<vmem>>) target(%dma_start3A_30 : memref<10240xf32, #tpu.memory_space<vmem_shared>>) offsets(%arg5 : memref<128xi32, #tpu.memory_space<vmem>>) semaphore(%run_scoped3A : memref<!tpu.dma_semaphore, #tpu.memory_space<semaphore_mem>>) {add = true}
        %dma_wait3A = arith.constant 0 : i32
        %dma_wait3A_31 = tpu.memref_slice %arg8[%dma_wait3A] : memref<10240xf32, #tpu.memory_space<vmem_shared>> -> memref<10240xf32, #tpu.memory_space<vmem_shared>>
        tpu.wait_indirect_dma semaphore(%run_scoped3A : memref<!tpu.dma_semaphore, #tpu.memory_space<semaphore_mem>>) src(%arg6 : memref<128xf32, #tpu.memory_space<vmem>>) dst(%dma_wait3A_31 : memref<10240xf32, #tpu.memory_space<vmem_shared>>)
        tpu.yield
      }) : () -> ()
      %scan3A_29 = arith.constant 0 : i32
      scf.yield %scan3A_29 : i32
    }
    %scan3A_16 = arith.constant 81 : i32
    %barrier3A_17 = arith.constant 0 : index
    tpu.barrier barrier_id(%barrier3A_17)
    %mul3A_18 = arith.constant 640 : i32
    %mul3A_19 = arith.muli %arg1, %mul3A_18 : i32
    "tpu.region"() ({
      %run_scoped3A = tpu.sem_alloc : memref<!tpu.dma_semaphore, #tpu.memory_space<semaphore_mem>>
      %dma_start3A = tpu.memref_slice %arg8[%mul3A_19] : memref<10240xf32, #tpu.memory_space<vmem_shared>> -> memref<640xf32, #tpu.memory_space<vmem_shared>>
      %dma_start3A_22 = tpu.memref_slice %arg8[%mul3A_19] : memref<10240xf32, #tpu.memory_space<vmem_shared>> -> memref<640xf32, #tpu.memory_space<vmem_shared>>
      tpu.enqueue_dma source(%dma_start3A_22 : memref<640xf32, #tpu.memory_space<vmem_shared>>) target(%arg7 : memref<640xf32, #tpu.memory_space<vmem>>) target_semaphore(%run_scoped3A : memref<!tpu.dma_semaphore, #tpu.memory_space<semaphore_mem>>)
      %dma_wait3A = tpu.memref_slice %arg8[%mul3A_19] : memref<10240xf32, #tpu.memory_space<vmem_shared>> -> memref<640xf32, #tpu.memory_space<vmem_shared>>
      %dma_wait3A_23 = tpu.memref_slice %arg8[%mul3A_19] : memref<10240xf32, #tpu.memory_space<vmem_shared>> -> memref<640xf32, #tpu.memory_space<vmem_shared>>
      tpu.wait_dma2 semaphore(%run_scoped3A : memref<!tpu.dma_semaphore, #tpu.memory_space<semaphore_mem>>) src(%dma_wait3A_23 : memref<640xf32, #tpu.memory_space<vmem_shared>>) dst(%arg7 : memref<640xf32, #tpu.memory_space<vmem>>)
      tpu.yield
    }) : () -> ()
    %mul3A_20 = arith.constant 640 : i32
    %mul3A_21 = arith.muli %arg1, %mul3A_20 : i32
    "tpu.region"() ({
      %run_scoped3A = tpu.sem_alloc : memref<!tpu.dma_semaphore, #tpu.memory_space<semaphore_mem>>
      %dma_start3A = tpu.memref_slice %arg4[%arg0, %mul3A_21] : memref<2x10240xf32, #tpu.memory_space<hbm>> -> memref<1x640xf32, #tpu.memory_space<hbm>>
      %dma_start3A_22 = tpu.memref_squeeze %dma_start3A : memref<1x640xf32, #tpu.memory_space<hbm>> -> memref<640xf32, #tpu.memory_space<hbm>>
      %dma_start3A_23 = tpu.memref_slice %arg4[%arg0, %mul3A_21] : memref<2x10240xf32, #tpu.memory_space<hbm>> -> memref<1x640xf32, #tpu.memory_space<hbm>>
      %dma_start3A_24 = tpu.memref_squeeze %dma_start3A_23 : memref<1x640xf32, #tpu.memory_space<hbm>> -> memref<640xf32, #tpu.memory_space<hbm>>
      tpu.enqueue_dma source(%arg7 : memref<640xf32, #tpu.memory_space<vmem>>) target(%dma_start3A_24 : memref<640xf32, #tpu.memory_space<hbm>>) target_semaphore(%run_scoped3A : memref<!tpu.dma_semaphore, #tpu.memory_space<semaphore_mem>>)
      %dma_wait3A = tpu.memref_slice %arg4[%arg0, %mul3A_21] : memref<2x10240xf32, #tpu.memory_space<hbm>> -> memref<1x640xf32, #tpu.memory_space<hbm>>
      %dma_wait3A_25 = tpu.memref_squeeze %dma_wait3A : memref<1x640xf32, #tpu.memory_space<hbm>> -> memref<640xf32, #tpu.memory_space<hbm>>
      %dma_wait3A_26 = tpu.memref_slice %arg4[%arg0, %mul3A_21] : memref<2x10240xf32, #tpu.memory_space<hbm>> -> memref<1x640xf32, #tpu.memory_space<hbm>>
      %dma_wait3A_27 = tpu.memref_squeeze %dma_wait3A_26 : memref<1x640xf32, #tpu.memory_space<hbm>> -> memref<640xf32, #tpu.memory_space<hbm>>
      tpu.wait_dma2 semaphore(%run_scoped3A : memref<!tpu.dma_semaphore, #tpu.memory_space<semaphore_mem>>) src(%arg7 : memref<640xf32, #tpu.memory_space<vmem>>) dst(%dma_wait3A_27 : memref<640xf32, #tpu.memory_space<hbm>>)
      tpu.yield
    }) : () -> ()
    return
  }
}

#map = affine_map<(d0, d1) -> (0)>
#map1 = affine_map<(d0, d1) -> (0, 0)>
#map2 = affine_map<(d0, d1) -> (0, 0, 0)>
module attributes {stable_mosaic.version = 14 : i64} {
  func.func @_k3_body(%arg0: i32, %arg1: i32, %arg2: memref<331776xi32, #tpu.memory_space<hbm>>, %arg3: memref<331776xi32, #tpu.memory_space<hbm>>, %arg4: memref<331776xf32, #tpu.memory_space<hbm>>, %arg5: memref<10240xf32, #tpu.memory_space<hbm>>, %arg6: memref<10240x128xf32, #tpu.memory_space<hbm>>, %arg7: memref<2x10240x128xf32, #tpu.memory_space<hbm>>, %arg8: memref<10240xf32, #tpu.memory_space<vmem>>, %arg9: memref<128xi32, #tpu.memory_space<vmem>>, %arg10: memref<128xi32, #tpu.memory_space<vmem>>, %arg11: memref<128xf32, #tpu.memory_space<vmem>>, %arg12: memref<128xf32, #tpu.memory_space<vmem>>, %arg13: memref<128x128xf32, #tpu.memory_space<vmem>>, %arg14: memref<10240x128xf32, #tpu.memory_space<vmem_shared>>, %arg15: memref<!tpu.dma_semaphore, #tpu.memory_space<semaphore_mem>>) attributes {dimension_semantics = [#tpu.dimension_semantics<core_parallel>, #tpu.dimension_semantics<subcore_parallel>], iteration_bounds = array<i64: 2, 16>, scalar_prefetch = 0 : i64, scratch_operands = 8 : i64, tpu.core_type = #tpu.core_type<sc_vector_subcore>, window_params = [{transform_indices = #map}, {transform_indices = #map}, {transform_indices = #map}, {transform_indices = #map}, {transform_indices = #map1}, {transform_indices = #map2}]} {
    %mul3A = arith.constant 16 : i32
    %mul3A_0 = arith.muli %arg0, %mul3A : i32
    %add3A = arith.addi %mul3A_0, %arg1 : i32
    "tpu.region"() ({
      %run_scoped3A = tpu.sem_alloc : memref<!tpu.dma_semaphore, #tpu.memory_space<semaphore_mem>>
      tpu.enqueue_dma source(%arg5 : memref<10240xf32, #tpu.memory_space<hbm>>) target(%arg8 : memref<10240xf32, #tpu.memory_space<vmem>>) target_semaphore(%run_scoped3A : memref<!tpu.dma_semaphore, #tpu.memory_space<semaphore_mem>>)
      tpu.wait_dma2 semaphore(%run_scoped3A : memref<!tpu.dma_semaphore, #tpu.memory_space<semaphore_mem>>) src(%arg5 : memref<10240xf32, #tpu.memory_space<hbm>>) dst(%arg8 : memref<10240xf32, #tpu.memory_space<vmem>>)
      tpu.yield
    }) : () -> ()
    %broadcast_in_dim3A = arith.constant 0.000000e+00 : f32
    %broadcast_in_dim3A_1 = vector.broadcast %broadcast_in_dim3A : f32 to vector<16xf32>
    %scan3A = arith.constant 0 : i32
    %scan3A_2 = arith.constant 0 : i32
    %scan3A_3 = arith.constant 1024 : i32
    %scan3A_4 = arith.addi %scan3A_2, %scan3A_3 : i32
    %scan3A_5 = arith.constant 1 : i32
    %scan3A_6 = scf.for %scan3A_56 = %scan3A_2 to %scan3A_4 step %scan3A_5 iter_args(%scan3A_57 = %scan3A) -> (i32)  : i32 {
      %jit3A = arith.constant 8 : i32
      %div3A = arith.divsi %scan3A_56, %jit3A : i32
      %sign3A = arith.constant 0 : i32
      %sign3A_58 = arith.cmpi sgt, %scan3A_56, %sign3A : i32
      %sign3A_59 = arith.extui %sign3A_58 : i1 to i32
      %sign3A_60 = arith.constant 0 : i32
      %sign3A_61 = arith.cmpi slt, %scan3A_56, %sign3A_60 : i32
      %sign3A_62 = arith.extui %sign3A_61 : i1 to i32
      %sign3A_63 = arith.subi %sign3A_59, %sign3A_62 : i32
      %sign3A_64 = arith.constant 0 : i32
      %sign3A_65 = arith.cmpi sgt, %jit3A, %sign3A_64 : i32
      %sign3A_66 = arith.extui %sign3A_65 : i1 to i32
      %sign3A_67 = arith.constant 0 : i32
      %sign3A_68 = arith.cmpi slt, %jit3A, %sign3A_67 : i32
      %sign3A_69 = arith.extui %sign3A_68 : i1 to i32
      %sign3A_70 = arith.subi %sign3A_66, %sign3A_69 : i32
      %ne3A = arith.cmpi ne, %sign3A_63, %sign3A_70 : i32
      %rem3A = arith.remsi %scan3A_56, %jit3A : i32
      %ne3A_71 = arith.constant 0 : i32
      %ne3A_72 = arith.cmpi ne, %rem3A, %ne3A_71 : i32
      %and3A = arith.andi %ne3A, %ne3A_72 : i1
      %sub3A = arith.constant 1 : i32
      %sub3A_73 = arith.subi %div3A, %sub3A : i32
      %select_n3A = arith.select %and3A, %sub3A_73, %div3A : i32
      %jit3A_74 = arith.constant 8 : i32
      %eq3A = arith.constant 0 : i32
      %eq3A_75 = arith.cmpi eq, %jit3A_74, %eq3A : i32
      %jit3A_76 = arith.constant 1 : i32
      %select_n3A_77 = arith.select %eq3A_75, %jit3A_76, %jit3A_74 : i32
      %rem3A_78 = arith.remsi %scan3A_56, %select_n3A_77 : i32
      %ne3A_79 = arith.constant 0 : i32
      %ne3A_80 = arith.cmpi ne, %rem3A_78, %ne3A_79 : i32
      %lt3A = arith.constant 0 : i32
      %lt3A_81 = arith.cmpi slt, %rem3A_78, %lt3A : i32
      %lt3A_82 = arith.constant 0 : i32
      %lt3A_83 = arith.cmpi slt, %select_n3A_77, %lt3A_82 : i32
      %ne3A_84 = arith.xori %lt3A_81, %lt3A_83 : i1
      %and3A_85 = arith.andi %ne3A_84, %ne3A_80 : i1
      %add3A_86 = arith.addi %rem3A_78, %select_n3A_77 : i32
      %select_n3A_87 = arith.select %and3A_85, %add3A_86, %rem3A_78 : i32
      %mul3A_88 = arith.constant 16 : i32
      %mul3A_89 = arith.muli %select_n3A_87, %mul3A_88 : i32
      %swap3A = arith.index_cast %select_n3A : i32 to index
      %swap3A_90 = arith.index_cast %mul3A_89 : i32 to index
      %swap3A_91 = tpu.vector_load %arg13[%swap3A, %swap3A_90] {strides = array<i32>} : memref<128x128xf32, #tpu.memory_space<vmem>>, vector<16xf32>,
      tpu.vector_store %arg13[%swap3A, %swap3A_90], %broadcast_in_dim3A_1 {strides = array<i32>} : memref<128x128xf32, #tpu.memory_space<vmem>>, vector<16xf32>,
      %scan3A_92 = arith.constant 0 : i32
      scf.yield %scan3A_92 : i32
    }
    %scan3A_7 = arith.constant 1024 : i32
    %mul3A_8 = arith.constant 640 : i32
    %mul3A_9 = arith.muli %arg1, %mul3A_8 : i32
    %add3A_10 = arith.constant 0 : i32
    %add3A_11 = arith.addi %mul3A_9, %add3A_10 : i32
    "tpu.region"() ({
      %run_scoped3A = tpu.sem_alloc : memref<!tpu.dma_semaphore, #tpu.memory_space<semaphore_mem>>
      %dma_start3A = arith.constant 0 : i32
      %dma_start3A_56 = tpu.memref_slice %arg14[%add3A_11, %dma_start3A] : memref<10240x128xf32, #tpu.memory_space<vmem_shared>> -> memref<128x128xf32, #tpu.memory_space<vmem_shared>>
      %dma_start3A_57 = arith.constant 0 : i32
      %dma_start3A_58 = tpu.memref_slice %arg14[%add3A_11, %dma_start3A_57] : memref<10240x128xf32, #tpu.memory_space<vmem_shared>> -> memref<128x128xf32, #tpu.memory_space<vmem_shared>>
      tpu.enqueue_dma source(%arg13 : memref<128x128xf32, #tpu.memory_space<vmem>>) target(%dma_start3A_58 : memref<128x128xf32, #tpu.memory_space<vmem_shared>>) target_semaphore(%run_scoped3A : memref<!tpu.dma_semaphore, #tpu.memory_space<semaphore_mem>>)
      %dma_wait3A = arith.constant 0 : i32
      %dma_wait3A_59 = tpu.memref_slice %arg14[%add3A_11, %dma_wait3A] : memref<10240x128xf32, #tpu.memory_space<vmem_shared>> -> memref<128x128xf32, #tpu.memory_space<vmem_shared>>
      %dma_wait3A_60 = arith.constant 0 : i32
      %dma_wait3A_61 = tpu.memref_slice %arg14[%add3A_11, %dma_wait3A_60] : memref<10240x128xf32, #tpu.memory_space<vmem_shared>> -> memref<128x128xf32, #tpu.memory_space<vmem_shared>>
      tpu.wait_dma2 semaphore(%run_scoped3A : memref<!tpu.dma_semaphore, #tpu.memory_space<semaphore_mem>>) src(%arg13 : memref<128x128xf32, #tpu.memory_space<vmem>>) dst(%dma_wait3A_61 : memref<128x128xf32, #tpu.memory_space<vmem_shared>>)
      tpu.yield
    }) : () -> ()
    %mul3A_12 = arith.constant 640 : i32
    %mul3A_13 = arith.muli %arg1, %mul3A_12 : i32
    %add3A_14 = arith.constant 128 : i32
    %add3A_15 = arith.addi %mul3A_13, %add3A_14 : i32
    "tpu.region"() ({
      %run_scoped3A = tpu.sem_alloc : memref<!tpu.dma_semaphore, #tpu.memory_space<semaphore_mem>>
      %dma_start3A = arith.constant 0 : i32
      %dma_start3A_56 = tpu.memref_slice %arg14[%add3A_15, %dma_start3A] : memref<10240x128xf32, #tpu.memory_space<vmem_shared>> -> memref<128x128xf32, #tpu.memory_space<vmem_shared>>
      %dma_start3A_57 = arith.constant 0 : i32
      %dma_start3A_58 = tpu.memref_slice %arg14[%add3A_15, %dma_start3A_57] : memref<10240x128xf32, #tpu.memory_space<vmem_shared>> -> memref<128x128xf32, #tpu.memory_space<vmem_shared>>
      tpu.enqueue_dma source(%arg13 : memref<128x128xf32, #tpu.memory_space<vmem>>) target(%dma_start3A_58 : memref<128x128xf32, #tpu.memory_space<vmem_shared>>) target_semaphore(%run_scoped3A : memref<!tpu.dma_semaphore, #tpu.memory_space<semaphore_mem>>)
      %dma_wait3A = arith.constant 0 : i32
      %dma_wait3A_59 = tpu.memref_slice %arg14[%add3A_15, %dma_wait3A] : memref<10240x128xf32, #tpu.memory_space<vmem_shared>> -> memref<128x128xf32, #tpu.memory_space<vmem_shared>>
      %dma_wait3A_60 = arith.constant 0 : i32
      %dma_wait3A_61 = tpu.memref_slice %arg14[%add3A_15, %dma_wait3A_60] : memref<10240x128xf32, #tpu.memory_space<vmem_shared>> -> memref<128x128xf32, #tpu.memory_space<vmem_shared>>
      tpu.wait_dma2 semaphore(%run_scoped3A : memref<!tpu.dma_semaphore, #tpu.memory_space<semaphore_mem>>) src(%arg13 : memref<128x128xf32, #tpu.memory_space<vmem>>) dst(%dma_wait3A_61 : memref<128x128xf32, #tpu.memory_space<vmem_shared>>)
      tpu.yield
    }) : () -> ()
    %mul3A_16 = arith.constant 640 : i32
    %mul3A_17 = arith.muli %arg1, %mul3A_16 : i32
    %add3A_18 = arith.constant 256 : i32
    %add3A_19 = arith.addi %mul3A_17, %add3A_18 : i32
    "tpu.region"() ({
      %run_scoped3A = tpu.sem_alloc : memref<!tpu.dma_semaphore, #tpu.memory_space<semaphore_mem>>
      %dma_start3A = arith.constant 0 : i32
      %dma_start3A_56 = tpu.memref_slice %arg14[%add3A_19, %dma_start3A] : memref<10240x128xf32, #tpu.memory_space<vmem_shared>> -> memref<128x128xf32, #tpu.memory_space<vmem_shared>>
      %dma_start3A_57 = arith.constant 0 : i32
      %dma_start3A_58 = tpu.memref_slice %arg14[%add3A_19, %dma_start3A_57] : memref<10240x128xf32, #tpu.memory_space<vmem_shared>> -> memref<128x128xf32, #tpu.memory_space<vmem_shared>>
      tpu.enqueue_dma source(%arg13 : memref<128x128xf32, #tpu.memory_space<vmem>>) target(%dma_start3A_58 : memref<128x128xf32, #tpu.memory_space<vmem_shared>>) target_semaphore(%run_scoped3A : memref<!tpu.dma_semaphore, #tpu.memory_space<semaphore_mem>>)
      %dma_wait3A = arith.constant 0 : i32
      %dma_wait3A_59 = tpu.memref_slice %arg14[%add3A_19, %dma_wait3A] : memref<10240x128xf32, #tpu.memory_space<vmem_shared>> -> memref<128x128xf32, #tpu.memory_space<vmem_shared>>
      %dma_wait3A_60 = arith.constant 0 : i32
      %dma_wait3A_61 = tpu.memref_slice %arg14[%add3A_19, %dma_wait3A_60] : memref<10240x128xf32, #tpu.memory_space<vmem_shared>> -> memref<128x128xf32, #tpu.memory_space<vmem_shared>>
      tpu.wait_dma2 semaphore(%run_scoped3A : memref<!tpu.dma_semaphore, #tpu.memory_space<semaphore_mem>>) src(%arg13 : memref<128x128xf32, #tpu.memory_space<vmem>>) dst(%dma_wait3A_61 : memref<128x128xf32, #tpu.memory_space<vmem_shared>>)
      tpu.yield
    }) : () -> ()
    %mul3A_20 = arith.constant 640 : i32
    %mul3A_21 = arith.muli %arg1, %mul3A_20 : i32
    %add3A_22 = arith.constant 384 : i32
    %add3A_23 = arith.addi %mul3A_21, %add3A_22 : i32
    "tpu.region"() ({
      %run_scoped3A = tpu.sem_alloc : memref<!tpu.dma_semaphore, #tpu.memory_space<semaphore_mem>>
      %dma_start3A = arith.constant 0 : i32
      %dma_start3A_56 = tpu.memref_slice %arg14[%add3A_23, %dma_start3A] : memref<10240x128xf32, #tpu.memory_space<vmem_shared>> -> memref<128x128xf32, #tpu.memory_space<vmem_shared>>
      %dma_start3A_57 = arith.constant 0 : i32
      %dma_start3A_58 = tpu.memref_slice %arg14[%add3A_23, %dma_start3A_57] : memref<10240x128xf32, #tpu.memory_space<vmem_shared>> -> memref<128x128xf32, #tpu.memory_space<vmem_shared>>
      tpu.enqueue_dma source(%arg13 : memref<128x128xf32, #tpu.memory_space<vmem>>) target(%dma_start3A_58 : memref<128x128xf32, #tpu.memory_space<vmem_shared>>) target_semaphore(%run_scoped3A : memref<!tpu.dma_semaphore, #tpu.memory_space<semaphore_mem>>)
      %dma_wait3A = arith.constant 0 : i32
      %dma_wait3A_59 = tpu.memref_slice %arg14[%add3A_23, %dma_wait3A] : memref<10240x128xf32, #tpu.memory_space<vmem_shared>> -> memref<128x128xf32, #tpu.memory_space<vmem_shared>>
      %dma_wait3A_60 = arith.constant 0 : i32
      %dma_wait3A_61 = tpu.memref_slice %arg14[%add3A_23, %dma_wait3A_60] : memref<10240x128xf32, #tpu.memory_space<vmem_shared>> -> memref<128x128xf32, #tpu.memory_space<vmem_shared>>
      tpu.wait_dma2 semaphore(%run_scoped3A : memref<!tpu.dma_semaphore, #tpu.memory_space<semaphore_mem>>) src(%arg13 : memref<128x128xf32, #tpu.memory_space<vmem>>) dst(%dma_wait3A_61 : memref<128x128xf32, #tpu.memory_space<vmem_shared>>)
      tpu.yield
    }) : () -> ()
    %mul3A_24 = arith.constant 640 : i32
    %mul3A_25 = arith.muli %arg1, %mul3A_24 : i32
    %add3A_26 = arith.constant 512 : i32
    %add3A_27 = arith.addi %mul3A_25, %add3A_26 : i32
    "tpu.region"() ({
      %run_scoped3A = tpu.sem_alloc : memref<!tpu.dma_semaphore, #tpu.memory_space<semaphore_mem>>
      %dma_start3A = arith.constant 0 : i32
      %dma_start3A_56 = tpu.memref_slice %arg14[%add3A_27, %dma_start3A] : memref<10240x128xf32, #tpu.memory_space<vmem_shared>> -> memref<128x128xf32, #tpu.memory_space<vmem_shared>>
      %dma_start3A_57 = arith.constant 0 : i32
      %dma_start3A_58 = tpu.memref_slice %arg14[%add3A_27, %dma_start3A_57] : memref<10240x128xf32, #tpu.memory_space<vmem_shared>> -> memref<128x128xf32, #tpu.memory_space<vmem_shared>>
      tpu.enqueue_dma source(%arg13 : memref<128x128xf32, #tpu.memory_space<vmem>>) target(%dma_start3A_58 : memref<128x128xf32, #tpu.memory_space<vmem_shared>>) target_semaphore(%run_scoped3A : memref<!tpu.dma_semaphore, #tpu.memory_space<semaphore_mem>>)
      %dma_wait3A = arith.constant 0 : i32
      %dma_wait3A_59 = tpu.memref_slice %arg14[%add3A_27, %dma_wait3A] : memref<10240x128xf32, #tpu.memory_space<vmem_shared>> -> memref<128x128xf32, #tpu.memory_space<vmem_shared>>
      %dma_wait3A_60 = arith.constant 0 : i32
      %dma_wait3A_61 = tpu.memref_slice %arg14[%add3A_27, %dma_wait3A_60] : memref<10240x128xf32, #tpu.memory_space<vmem_shared>> -> memref<128x128xf32, #tpu.memory_space<vmem_shared>>
      tpu.wait_dma2 semaphore(%run_scoped3A : memref<!tpu.dma_semaphore, #tpu.memory_space<semaphore_mem>>) src(%arg13 : memref<128x128xf32, #tpu.memory_space<vmem>>) dst(%dma_wait3A_61 : memref<128x128xf32, #tpu.memory_space<vmem_shared>>)
      tpu.yield
    }) : () -> ()
    %barrier3A = arith.constant 0 : index
    tpu.barrier barrier_id(%barrier3A)
    %scan3A_28 = arith.constant 0 : i32
    %scan3A_29 = arith.constant 0 : i32
    %scan3A_30 = arith.constant 81 : i32
    %scan3A_31 = arith.addi %scan3A_29, %scan3A_30 : i32
    %scan3A_32 = arith.constant 1 : i32
    %scan3A_33 = scf.for %scan3A_56 = %scan3A_29 to %scan3A_31 step %scan3A_32 iter_args(%scan3A_57 = %scan3A_28) -> (i32)  : i32 {
      %mul3A_58 = arith.constant 10368 : i32
      %mul3A_59 = arith.muli %add3A, %mul3A_58 : i32
      %mul3A_60 = arith.constant 128 : i32
      %mul3A_61 = arith.muli %scan3A_56, %mul3A_60 : i32
      %add3A_62 = arith.addi %mul3A_59, %mul3A_61 : i32
      "tpu.region"() ({
        %run_scoped3A = tpu.sem_alloc : memref<!tpu.dma_semaphore, #tpu.memory_space<semaphore_mem>>
        %dma_start3A_82 = tpu.memref_slice %arg2[%add3A_62] : memref<331776xi32, #tpu.memory_space<hbm>> -> memref<128xi32, #tpu.memory_space<hbm>>
        %dma_start3A_83 = tpu.memref_slice %arg2[%add3A_62] : memref<331776xi32, #tpu.memory_space<hbm>> -> memref<128xi32, #tpu.memory_space<hbm>>
        tpu.enqueue_dma source(%dma_start3A_83 : memref<128xi32, #tpu.memory_space<hbm>>) target(%arg9 : memref<128xi32, #tpu.memory_space<vmem>>) target_semaphore(%run_scoped3A : memref<!tpu.dma_semaphore, #tpu.memory_space<semaphore_mem>>)
        %dma_wait3A_84 = tpu.memref_slice %arg2[%add3A_62] : memref<331776xi32, #tpu.memory_space<hbm>> -> memref<128xi32, #tpu.memory_space<hbm>>
        %dma_wait3A_85 = tpu.memref_slice %arg2[%add3A_62] : memref<331776xi32, #tpu.memory_space<hbm>> -> memref<128xi32, #tpu.memory_space<hbm>>
        tpu.wait_dma2 semaphore(%run_scoped3A : memref<!tpu.dma_semaphore, #tpu.memory_space<semaphore_mem>>) src(%dma_wait3A_85 : memref<128xi32, #tpu.memory_space<hbm>>) dst(%arg9 : memref<128xi32, #tpu.memory_space<vmem>>)
        tpu.yield
      }) : () -> ()
      "tpu.region"() ({
        %run_scoped3A = tpu.sem_alloc : memref<!tpu.dma_semaphore, #tpu.memory_space<semaphore_mem>>
        %dma_start3A_82 = tpu.memref_slice %arg3[%add3A_62] : memref<331776xi32, #tpu.memory_space<hbm>> -> memref<128xi32, #tpu.memory_space<hbm>>
        %dma_start3A_83 = tpu.memref_slice %arg3[%add3A_62] : memref<331776xi32, #tpu.memory_space<hbm>> -> memref<128xi32, #tpu.memory_space<hbm>>
        tpu.enqueue_dma source(%dma_start3A_83 : memref<128xi32, #tpu.memory_space<hbm>>) target(%arg10 : memref<128xi32, #tpu.memory_space<vmem>>) target_semaphore(%run_scoped3A : memref<!tpu.dma_semaphore, #tpu.memory_space<semaphore_mem>>)
        %dma_wait3A_84 = tpu.memref_slice %arg3[%add3A_62] : memref<331776xi32, #tpu.memory_space<hbm>> -> memref<128xi32, #tpu.memory_space<hbm>>
        %dma_wait3A_85 = tpu.memref_slice %arg3[%add3A_62] : memref<331776xi32, #tpu.memory_space<hbm>> -> memref<128xi32, #tpu.memory_space<hbm>>
        tpu.wait_dma2 semaphore(%run_scoped3A : memref<!tpu.dma_semaphore, #tpu.memory_space<semaphore_mem>>) src(%dma_wait3A_85 : memref<128xi32, #tpu.memory_space<hbm>>) dst(%arg10 : memref<128xi32, #tpu.memory_space<vmem>>)
        tpu.yield
      }) : () -> ()
      "tpu.region"() ({
        %run_scoped3A = tpu.sem_alloc : memref<!tpu.dma_semaphore, #tpu.memory_space<semaphore_mem>>
        %dma_start3A_82 = tpu.memref_slice %arg4[%add3A_62] : memref<331776xf32, #tpu.memory_space<hbm>> -> memref<128xf32, #tpu.memory_space<hbm>>
        %dma_start3A_83 = tpu.memref_slice %arg4[%add3A_62] : memref<331776xf32, #tpu.memory_space<hbm>> -> memref<128xf32, #tpu.memory_space<hbm>>
        tpu.enqueue_dma source(%dma_start3A_83 : memref<128xf32, #tpu.memory_space<hbm>>) target(%arg11 : memref<128xf32, #tpu.memory_space<vmem>>) target_semaphore(%run_scoped3A : memref<!tpu.dma_semaphore, #tpu.memory_space<semaphore_mem>>)
        %dma_wait3A_84 = tpu.memref_slice %arg4[%add3A_62] : memref<331776xf32, #tpu.memory_space<hbm>> -> memref<128xf32, #tpu.memory_space<hbm>>
        %dma_wait3A_85 = tpu.memref_slice %arg4[%add3A_62] : memref<331776xf32, #tpu.memory_space<hbm>> -> memref<128xf32, #tpu.memory_space<hbm>>
        tpu.wait_dma2 semaphore(%run_scoped3A : memref<!tpu.dma_semaphore, #tpu.memory_space<semaphore_mem>>) src(%dma_wait3A_85 : memref<128xf32, #tpu.memory_space<hbm>>) dst(%arg11 : memref<128xf32, #tpu.memory_space<vmem>>)
        tpu.yield
      }) : () -> ()
      %dma_start3A = arith.constant 0 : i32
      %dma_start3A_63 = arith.constant 0 : i32
      %dma_start3A_64 = tpu.memref_slice %arg6[%dma_start3A, %dma_start3A_63] : memref<10240x128xf32, #tpu.memory_space<hbm>> -> memref<10240x128xf32, #tpu.memory_space<hbm>>
      tpu.enqueue_indirect_dma source(%dma_start3A_64 : memref<10240x128xf32, #tpu.memory_space<hbm>>) target(%arg13 : memref<128x128xf32, #tpu.memory_space<vmem>>) offsets(%arg9 : memref<128xi32, #tpu.memory_space<vmem>>) semaphore(%arg15 : memref<!tpu.dma_semaphore, #tpu.memory_space<semaphore_mem>>)
      %scan3A_65 = arith.constant 0 : i32
      %scan3A_66 = arith.constant 0 : i32
      %scan3A_67 = arith.constant 8 : i32
      %scan3A_68 = arith.addi %scan3A_66, %scan3A_67 : i32
      %scan3A_69 = arith.constant 1 : i32
      %scan3A_70 = scf.for %scan3A_82 = %scan3A_66 to %scan3A_68 step %scan3A_69 iter_args(%scan3A_83 = %scan3A_65) -> (i32)  : i32 {
        %mul3A_84 = arith.constant 16 : i32
        %mul3A_85 = arith.muli %scan3A_82, %mul3A_84 : i32
        %get3A = arith.index_cast %mul3A_85 : i32 to index
        %get3A_86 = tpu.vector_load %arg9[%get3A] {strides = array<i32>} : memref<128xi32, #tpu.memory_space<vmem>>, vector<16xi32>,
        %mul3A_87 = arith.constant 16 : i32
        %mul3A_88 = arith.muli %scan3A_82, %mul3A_87 : i32
        %get3A_89 = arith.index_cast %mul3A_88 : i32 to index
        %get3A_90 = tpu.vector_load %arg10[%get3A_89] {strides = array<i32>} : memref<128xi32, #tpu.memory_space<vmem>>, vector<16xi32>,
        %gather3A = tpu.vector_load_idx %arg8[%get3A_86] : memref<10240xf32, #tpu.memory_space<vmem>>[vector<16xi32>], vector<16xf32>,
        %gather3A_91 = tpu.vector_load_idx %arg8[%get3A_90] : memref<10240xf32, #tpu.memory_space<vmem>>[vector<16xi32>], vector<16xf32>,
        %mul3A_92 = arith.constant 16 : i32
        %mul3A_93 = arith.muli %scan3A_82, %mul3A_92 : i32
        %get3A_94 = arith.index_cast %mul3A_93 : i32 to index
        %get3A_95 = tpu.vector_load %arg11[%get3A_94] {strides = array<i32>} : memref<128xf32, #tpu.memory_space<vmem>>, vector<16xf32>,
        %mul3A_96 = arith.mulf %gather3A, %get3A_95 : vector<16xf32>
        %mul3A_97 = arith.mulf %mul3A_96, %gather3A_91 : vector<16xf32>
        %mul3A_98 = arith.constant 16 : i32
        %mul3A_99 = arith.muli %scan3A_82, %mul3A_98 : i32
        %swap3A = arith.index_cast %mul3A_99 : i32 to index
        %swap3A_100 = tpu.vector_load %arg12[%swap3A] {strides = array<i32>} : memref<128xf32, #tpu.memory_space<vmem>>, vector<16xf32>,
        tpu.vector_store %arg12[%swap3A], %mul3A_97 {strides = array<i32>} : memref<128xf32, #tpu.memory_space<vmem>>, vector<16xf32>,
        %scan3A_101 = arith.constant 0 : i32
        scf.yield %scan3A_101 : i32
      }
      %scan3A_71 = arith.constant 8 : i32
      %dma_wait3A = arith.constant 0 : i32
      %dma_wait3A_72 = arith.constant 0 : i32
      %dma_wait3A_73 = tpu.memref_slice %arg6[%dma_wait3A, %dma_wait3A_72] : memref<10240x128xf32, #tpu.memory_space<hbm>> -> memref<10240x128xf32, #tpu.memory_space<hbm>>
      tpu.wait_indirect_dma semaphore(%arg15 : memref<!tpu.dma_semaphore, #tpu.memory_space<semaphore_mem>>) src(%dma_wait3A_73 : memref<10240x128xf32, #tpu.memory_space<hbm>>) dst(%arg13 : memref<128x128xf32, #tpu.memory_space<vmem>>)
      %scan3A_74 = arith.constant 0 : i32
      %scan3A_75 = arith.constant 0 : i32
      %scan3A_76 = arith.constant 8 : i32
      %scan3A_77 = arith.addi %scan3A_75, %scan3A_76 : i32
      %scan3A_78 = arith.constant 1 : i32
      %scan3A_79 = scf.for %scan3A_82 = %scan3A_75 to %scan3A_77 step %scan3A_78 iter_args(%scan3A_83 = %scan3A_74) -> (i32)  : i32 {
        %mul3A_84 = arith.constant 16 : i32
        %mul3A_85 = arith.muli %scan3A_82, %mul3A_84 : i32
        %get3A = arith.index_cast %mul3A_85 : i32 to index
        %get3A_86 = tpu.vector_load %arg12[%get3A] {strides = array<i32>} : memref<128xf32, #tpu.memory_space<vmem>>, vector<16xf32>,
        %mul3A_87 = arith.constant 16 : i32
        %mul3A_88 = arith.muli %scan3A_82, %mul3A_87 : i32
        %add3A_89 = arith.constant 0 : i32
        %add3A_90 = arith.addi %mul3A_88, %add3A_89 : i32
        %slice3A = vector.extract_strided_slice %get3A_86 {offsets = [0], sizes = [1], strides = [1]} : vector<16xf32> to vector<1xf32>
        %squeeze3A = vector.extract %slice3A[0] : f32 from vector<1xf32>
        %get3A_91 = arith.index_cast %add3A_90 : i32 to index
        %get3A_92 = arith.constant 0 : index
        %get3A_93 = tpu.vector_load %arg13[%get3A_91, %get3A_92] {strides = array<i32>} : memref<128x128xf32, #tpu.memory_space<vmem>>, vector<16xf32>,
        %mul3A_94 = vector.broadcast %squeeze3A : f32 to vector<16xf32>
        %mul3A_95 = arith.mulf %get3A_93, %mul3A_94 : vector<16xf32>
        %swap3A = arith.index_cast %add3A_90 : i32 to index
        %swap3A_96 = arith.constant 0 : index
        %swap3A_97 = tpu.vector_load %arg13[%swap3A, %swap3A_96] {strides = array<i32>} : memref<128x128xf32, #tpu.memory_space<vmem>>, vector<16xf32>,
        tpu.vector_store %arg13[%swap3A, %swap3A_96], %mul3A_95 {strides = array<i32>} : memref<128x128xf32, #tpu.memory_space<vmem>>, vector<16xf32>,
        %get3A_98 = arith.index_cast %add3A_90 : i32 to index
        %get3A_99 = arith.constant 16 : index
        %get3A_100 = tpu.vector_load %arg13[%get3A_98, %get3A_99] {strides = array<i32>} : memref<128x128xf32, #tpu.memory_space<vmem>>, vector<16xf32>,
        %mul3A_101 = vector.broadcast %squeeze3A : f32 to vector<16xf32>
        %mul3A_102 = arith.mulf %get3A_100, %mul3A_101 : vector<16xf32>
        %swap3A_103 = arith.index_cast %add3A_90 : i32 to index
        %swap3A_104 = arith.constant 16 : index
        %swap3A_105 = tpu.vector_load %arg13[%swap3A_103, %swap3A_104] {strides = array<i32>} : memref<128x128xf32, #tpu.memory_space<vmem>>, vector<16xf32>,
        tpu.vector_store %arg13[%swap3A_103, %swap3A_104], %mul3A_102 {strides = array<i32>} : memref<128x128xf32, #tpu.memory_space<vmem>>, vector<16xf32>,
        %get3A_106 = arith.index_cast %add3A_90 : i32 to index
        %get3A_107 = arith.constant 32 : index
        %get3A_108 = tpu.vector_load %arg13[%get3A_106, %get3A_107] {strides = array<i32>} : memref<128x128xf32, #tpu.memory_space<vmem>>, vector<16xf32>,
        %mul3A_109 = vector.broadcast %squeeze3A : f32 to vector<16xf32>
        %mul3A_110 = arith.mulf %get3A_108, %mul3A_109 : vector<16xf32>
        %swap3A_111 = arith.index_cast %add3A_90 : i32 to index
        %swap3A_112 = arith.constant 32 : index
        %swap3A_113 = tpu.vector_load %arg13[%swap3A_111, %swap3A_112] {strides = array<i32>} : memref<128x128xf32, #tpu.memory_space<vmem>>, vector<16xf32>,
        tpu.vector_store %arg13[%swap3A_111, %swap3A_112], %mul3A_110 {strides = array<i32>} : memref<128x128xf32, #tpu.memory_space<vmem>>, vector<16xf32>,
        %get3A_114 = arith.index_cast %add3A_90 : i32 to index
        %get3A_115 = arith.constant 48 : index
        %get3A_116 = tpu.vector_load %arg13[%get3A_114, %get3A_115] {strides = array<i32>} : memref<128x128xf32, #tpu.memory_space<vmem>>, vector<16xf32>,
        %mul3A_117 = vector.broadcast %squeeze3A : f32 to vector<16xf32>
        %mul3A_118 = arith.mulf %get3A_116, %mul3A_117 : vector<16xf32>
        %swap3A_119 = arith.index_cast %add3A_90 : i32 to index
        %swap3A_120 = arith.constant 48 : index
        %swap3A_121 = tpu.vector_load %arg13[%swap3A_119, %swap3A_120] {strides = array<i32>} : memref<128x128xf32, #tpu.memory_space<vmem>>, vector<16xf32>,
        tpu.vector_store %arg13[%swap3A_119, %swap3A_120], %mul3A_118 {strides = array<i32>} : memref<128x128xf32, #tpu.memory_space<vmem>>, vector<16xf32>,
        %get3A_122 = arith.index_cast %add3A_90 : i32 to index
        %get3A_123 = arith.constant 64 : index
        %get3A_124 = tpu.vector_load %arg13[%get3A_122, %get3A_123] {strides = array<i32>} : memref<128x128xf32, #tpu.memory_space<vmem>>, vector<16xf32>,
        %mul3A_125 = vector.broadcast %squeeze3A : f32 to vector<16xf32>
        %mul3A_126 = arith.mulf %get3A_124, %mul3A_125 : vector<16xf32>
        %swap3A_127 = arith.index_cast %add3A_90 : i32 to index
        %swap3A_128 = arith.constant 64 : index
        %swap3A_129 = tpu.vector_load %arg13[%swap3A_127, %swap3A_128] {strides = array<i32>} : memref<128x128xf32, #tpu.memory_space<vmem>>, vector<16xf32>,
        tpu.vector_store %arg13[%swap3A_127, %swap3A_128], %mul3A_126 {strides = array<i32>} : memref<128x128xf32, #tpu.memory_space<vmem>>, vector<16xf32>,
        %get3A_130 = arith.index_cast %add3A_90 : i32 to index
        %get3A_131 = arith.constant 80 : index
        %get3A_132 = tpu.vector_load %arg13[%get3A_130, %get3A_131] {strides = array<i32>} : memref<128x128xf32, #tpu.memory_space<vmem>>, vector<16xf32>,
        %mul3A_133 = vector.broadcast %squeeze3A : f32 to vector<16xf32>
        %mul3A_134 = arith.mulf %get3A_132, %mul3A_133 : vector<16xf32>
        %swap3A_135 = arith.index_cast %add3A_90 : i32 to index
        %swap3A_136 = arith.constant 80 : index
        %swap3A_137 = tpu.vector_load %arg13[%swap3A_135, %swap3A_136] {strides = array<i32>} : memref<128x128xf32, #tpu.memory_space<vmem>>, vector<16xf32>,
        tpu.vector_store %arg13[%swap3A_135, %swap3A_136], %mul3A_134 {strides = array<i32>} : memref<128x128xf32, #tpu.memory_space<vmem>>, vector<16xf32>,
        %get3A_138 = arith.index_cast %add3A_90 : i32 to index
        %get3A_139 = arith.constant 96 : index
        %get3A_140 = tpu.vector_load %arg13[%get3A_138, %get3A_139] {strides = array<i32>} : memref<128x128xf32, #tpu.memory_space<vmem>>, vector<16xf32>,
        %mul3A_141 = vector.broadcast %squeeze3A : f32 to vector<16xf32>
        %mul3A_142 = arith.mulf %get3A_140, %mul3A_141 : vector<16xf32>
        %swap3A_143 = arith.index_cast %add3A_90 : i32 to index
        %swap3A_144 = arith.constant 96 : index
        %swap3A_145 = tpu.vector_load %arg13[%swap3A_143, %swap3A_144] {strides = array<i32>} : memref<128x128xf32, #tpu.memory_space<vmem>>, vector<16xf32>,
        tpu.vector_store %arg13[%swap3A_143, %swap3A_144], %mul3A_142 {strides = array<i32>} : memref<128x128xf32, #tpu.memory_space<vmem>>, vector<16xf32>,
        %get3A_146 = arith.index_cast %add3A_90 : i32 to index
        %get3A_147 = arith.constant 112 : index
        %get3A_148 = tpu.vector_load %arg13[%get3A_146, %get3A_147] {strides = array<i32>} : memref<128x128xf32, #tpu.memory_space<vmem>>, vector<16xf32>,
        %mul3A_149 = vector.broadcast %squeeze3A : f32 to vector<16xf32>
        %mul3A_150 = arith.mulf %get3A_148, %mul3A_149 : vector<16xf32>
        %swap3A_151 = arith.index_cast %add3A_90 : i32 to index
        %swap3A_152 = arith.constant 112 : index
        %swap3A_153 = tpu.vector_load %arg13[%swap3A_151, %swap3A_152] {strides = array<i32>} : memref<128x128xf32, #tpu.memory_space<vmem>>, vector<16xf32>,
        tpu.vector_store %arg13[%swap3A_151, %swap3A_152], %mul3A_150 {strides = array<i32>} : memref<128x128xf32, #tpu.memory_space<vmem>>, vector<16xf32>,
        %mul3A_154 = arith.constant 16 : i32
        %mul3A_155 = arith.muli %scan3A_82, %mul3A_154 : i32
        %add3A_156 = arith.constant 1 : i32
        %add3A_157 = arith.addi %mul3A_155, %add3A_156 : i32
        %slice3A_158 = vector.extract_strided_slice %get3A_86 {offsets = [1], sizes = [1], strides = [1]} : vector<16xf32> to vector<1xf32>
        %squeeze3A_159 = vector.extract %slice3A_158[0] : f32 from vector<1xf32>
        %get3A_160 = arith.index_cast %add3A_157 : i32 to index
        %get3A_161 = arith.constant 0 : index
        %get3A_162 = tpu.vector_load %arg13[%get3A_160, %get3A_161] {strides = array<i32>} : memref<128x128xf32, #tpu.memory_space<vmem>>, vector<16xf32>,
        %mul3A_163 = vector.broadcast %squeeze3A_159 : f32 to vector<16xf32>
        %mul3A_164 = arith.mulf %get3A_162, %mul3A_163 : vector<16xf32>
        %swap3A_165 = arith.index_cast %add3A_157 : i32 to index
        %swap3A_166 = arith.constant 0 : index
        %swap3A_167 = tpu.vector_load %arg13[%swap3A_165, %swap3A_166] {strides = array<i32>} : memref<128x128xf32, #tpu.memory_space<vmem>>, vector<16xf32>,
        tpu.vector_store %arg13[%swap3A_165, %swap3A_166], %mul3A_164 {strides = array<i32>} : memref<128x128xf32, #tpu.memory_space<vmem>>, vector<16xf32>,
        %get3A_168 = arith.index_cast %add3A_157 : i32 to index
        %get3A_169 = arith.constant 16 : index
        %get3A_170 = tpu.vector_load %arg13[%get3A_168, %get3A_169] {strides = array<i32>} : memref<128x128xf32, #tpu.memory_space<vmem>>, vector<16xf32>,
        %mul3A_171 = vector.broadcast %squeeze3A_159 : f32 to vector<16xf32>
        %mul3A_172 = arith.mulf %get3A_170, %mul3A_171 : vector<16xf32>
        %swap3A_173 = arith.index_cast %add3A_157 : i32 to index
        %swap3A_174 = arith.constant 16 : index
        %swap3A_175 = tpu.vector_load %arg13[%swap3A_173, %swap3A_174] {strides = array<i32>} : memref<128x128xf32, #tpu.memory_space<vmem>>, vector<16xf32>,
        tpu.vector_store %arg13[%swap3A_173, %swap3A_174], %mul3A_172 {strides = array<i32>} : memref<128x128xf32, #tpu.memory_space<vmem>>, vector<16xf32>,
        %get3A_176 = arith.index_cast %add3A_157 : i32 to index
        %get3A_177 = arith.constant 32 : index
        %get3A_178 = tpu.vector_load %arg13[%get3A_176, %get3A_177] {strides = array<i32>} : memref<128x128xf32, #tpu.memory_space<vmem>>, vector<16xf32>,
        %mul3A_179 = vector.broadcast %squeeze3A_159 : f32 to vector<16xf32>
        %mul3A_180 = arith.mulf %get3A_178, %mul3A_179 : vector<16xf32>
        %swap3A_181 = arith.index_cast %add3A_157 : i32 to index
        %swap3A_182 = arith.constant 32 : index
        %swap3A_183 = tpu.vector_load %arg13[%swap3A_181, %swap3A_182] {strides = array<i32>} : memref<128x128xf32, #tpu.memory_space<vmem>>, vector<16xf32>,
        tpu.vector_store %arg13[%swap3A_181, %swap3A_182], %mul3A_180 {strides = array<i32>} : memref<128x128xf32, #tpu.memory_space<vmem>>, vector<16xf32>,
        %get3A_184 = arith.index_cast %add3A_157 : i32 to index
        %get3A_185 = arith.constant 48 : index
        %get3A_186 = tpu.vector_load %arg13[%get3A_184, %get3A_185] {strides = array<i32>} : memref<128x128xf32, #tpu.memory_space<vmem>>, vector<16xf32>,
        %mul3A_187 = vector.broadcast %squeeze3A_159 : f32 to vector<16xf32>
        %mul3A_188 = arith.mulf %get3A_186, %mul3A_187 : vector<16xf32>
        %swap3A_189 = arith.index_cast %add3A_157 : i32 to index
        %swap3A_190 = arith.constant 48 : index
        %swap3A_191 = tpu.vector_load %arg13[%swap3A_189, %swap3A_190] {strides = array<i32>} : memref<128x128xf32, #tpu.memory_space<vmem>>, vector<16xf32>,
        tpu.vector_store %arg13[%swap3A_189, %swap3A_190], %mul3A_188 {strides = array<i32>} : memref<128x128xf32, #tpu.memory_space<vmem>>, vector<16xf32>,
        %get3A_192 = arith.index_cast %add3A_157 : i32 to index
        %get3A_193 = arith.constant 64 : index
        %get3A_194 = tpu.vector_load %arg13[%get3A_192, %get3A_193] {strides = array<i32>} : memref<128x128xf32, #tpu.memory_space<vmem>>, vector<16xf32>,
        %mul3A_195 = vector.broadcast %squeeze3A_159 : f32 to vector<16xf32>
        %mul3A_196 = arith.mulf %get3A_194, %mul3A_195 : vector<16xf32>
        %swap3A_197 = arith.index_cast %add3A_157 : i32 to index
        %swap3A_198 = arith.constant 64 : index
        %swap3A_199 = tpu.vector_load %arg13[%swap3A_197, %swap3A_198] {strides = array<i32>} : memref<128x128xf32, #tpu.memory_space<vmem>>, vector<16xf32>,
        tpu.vector_store %arg13[%swap3A_197, %swap3A_198], %mul3A_196 {strides = array<i32>} : memref<128x128xf32, #tpu.memory_space<vmem>>, vector<16xf32>,
        %get3A_200 = arith.index_cast %add3A_157 : i32 to index
        %get3A_201 = arith.constant 80 : index
        %get3A_202 = tpu.vector_load %arg13[%get3A_200, %get3A_201] {strides = array<i32>} : memref<128x128xf32, #tpu.memory_space<vmem>>, vector<16xf32>,
        %mul3A_203 = vector.broadcast %squeeze3A_159 : f32 to vector<16xf32>
        %mul3A_204 = arith.mulf %get3A_202, %mul3A_203 : vector<16xf32>
        %swap3A_205 = arith.index_cast %add3A_157 : i32 to index
        %swap3A_206 = arith.constant 80 : index
        %swap3A_207 = tpu.vector_load %arg13[%swap3A_205, %swap3A_206] {strides = array<i32>} : memref<128x128xf32, #tpu.memory_space<vmem>>, vector<16xf32>,
        tpu.vector_store %arg13[%swap3A_205, %swap3A_206], %mul3A_204 {strides = array<i32>} : memref<128x128xf32, #tpu.memory_space<vmem>>, vector<16xf32>,
        %get3A_208 = arith.index_cast %add3A_157 : i32 to index
        %get3A_209 = arith.constant 96 : index
        %get3A_210 = tpu.vector_load %arg13[%get3A_208, %get3A_209] {strides = array<i32>} : memref<128x128xf32, #tpu.memory_space<vmem>>, vector<16xf32>,
        %mul3A_211 = vector.broadcast %squeeze3A_159 : f32 to vector<16xf32>
        %mul3A_212 = arith.mulf %get3A_210, %mul3A_211 : vector<16xf32>
        %swap3A_213 = arith.index_cast %add3A_157 : i32 to index
        %swap3A_214 = arith.constant 96 : index
        %swap3A_215 = tpu.vector_load %arg13[%swap3A_213, %swap3A_214] {strides = array<i32>} : memref<128x128xf32, #tpu.memory_space<vmem>>, vector<16xf32>,
        tpu.vector_store %arg13[%swap3A_213, %swap3A_214], %mul3A_212 {strides = array<i32>} : memref<128x128xf32, #tpu.memory_space<vmem>>, vector<16xf32>,
        %get3A_216 = arith.index_cast %add3A_157 : i32 to index
        %get3A_217 = arith.constant 112 : index
        %get3A_218 = tpu.vector_load %arg13[%get3A_216, %get3A_217] {strides = array<i32>} : memref<128x128xf32, #tpu.memory_space<vmem>>, vector<16xf32>,
        %mul3A_219 = vector.broadcast %squeeze3A_159 : f32 to vector<16xf32>
        %mul3A_220 = arith.mulf %get3A_218, %mul3A_219 : vector<16xf32>
        %swap3A_221 = arith.index_cast %add3A_157 : i32 to index
        %swap3A_222 = arith.constant 112 : index
        %swap3A_223 = tpu.vector_load %arg13[%swap3A_221, %swap3A_222] {strides = array<i32>} : memref<128x128xf32, #tpu.memory_space<vmem>>, vector<16xf32>,
        tpu.vector_store %arg13[%swap3A_221, %swap3A_222], %mul3A_220 {strides = array<i32>} : memref<128x128xf32, #tpu.memory_space<vmem>>, vector<16xf32>,
        %mul3A_224 = arith.constant 16 : i32
        %mul3A_225 = arith.muli %scan3A_82, %mul3A_224 : i32
        %add3A_226 = arith.constant 2 : i32
        %add3A_227 = arith.addi %mul3A_225, %add3A_226 : i32
        %slice3A_228 = vector.extract_strided_slice %get3A_86 {offsets = [2], sizes = [1], strides = [1]} : vector<16xf32> to vector<1xf32>
        %squeeze3A_229 = vector.extract %slice3A_228[0] : f32 from vector<1xf32>
        %get3A_230 = arith.index_cast %add3A_227 : i32 to index
        %get3A_231 = arith.constant 0 : index
        %get3A_232 = tpu.vector_load %arg13[%get3A_230, %get3A_231] {strides = array<i32>} : memref<128x128xf32, #tpu.memory_space<vmem>>, vector<16xf32>,
        %mul3A_233 = vector.broadcast %squeeze3A_229 : f32 to vector<16xf32>
        %mul3A_234 = arith.mulf %get3A_232, %mul3A_233 : vector<16xf32>
        %swap3A_235 = arith.index_cast %add3A_227 : i32 to index
        %swap3A_236 = arith.constant 0 : index
        %swap3A_237 = tpu.vector_load %arg13[%swap3A_235, %swap3A_236] {strides = array<i32>} : memref<128x128xf32, #tpu.memory_space<vmem>>, vector<16xf32>,
        tpu.vector_store %arg13[%swap3A_235, %swap3A_236], %mul3A_234 {strides = array<i32>} : memref<128x128xf32, #tpu.memory_space<vmem>>, vector<16xf32>,
        %get3A_238 = arith.index_cast %add3A_227 : i32 to index
        %get3A_239 = arith.constant 16 : index
        %get3A_240 = tpu.vector_load %arg13[%get3A_238, %get3A_239] {strides = array<i32>} : memref<128x128xf32, #tpu.memory_space<vmem>>, vector<16xf32>,
        %mul3A_241 = vector.broadcast %squeeze3A_229 : f32 to vector<16xf32>
        %mul3A_242 = arith.mulf %get3A_240, %mul3A_241 : vector<16xf32>
        %swap3A_243 = arith.index_cast %add3A_227 : i32 to index
        %swap3A_244 = arith.constant 16 : index
        %swap3A_245 = tpu.vector_load %arg13[%swap3A_243, %swap3A_244] {strides = array<i32>} : memref<128x128xf32, #tpu.memory_space<vmem>>, vector<16xf32>,
        tpu.vector_store %arg13[%swap3A_243, %swap3A_244], %mul3A_242 {strides = array<i32>} : memref<128x128xf32, #tpu.memory_space<vmem>>, vector<16xf32>,
        %get3A_246 = arith.index_cast %add3A_227 : i32 to index
        %get3A_247 = arith.constant 32 : index
        %get3A_248 = tpu.vector_load %arg13[%get3A_246, %get3A_247] {strides = array<i32>} : memref<128x128xf32, #tpu.memory_space<vmem>>, vector<16xf32>,
        %mul3A_249 = vector.broadcast %squeeze3A_229 : f32 to vector<16xf32>
        %mul3A_250 = arith.mulf %get3A_248, %mul3A_249 : vector<16xf32>
        %swap3A_251 = arith.index_cast %add3A_227 : i32 to index
        %swap3A_252 = arith.constant 32 : index
        %swap3A_253 = tpu.vector_load %arg13[%swap3A_251, %swap3A_252] {strides = array<i32>} : memref<128x128xf32, #tpu.memory_space<vmem>>, vector<16xf32>,
        tpu.vector_store %arg13[%swap3A_251, %swap3A_252], %mul3A_250 {strides = array<i32>} : memref<128x128xf32, #tpu.memory_space<vmem>>, vector<16xf32>,
        %get3A_254 = arith.index_cast %add3A_227 : i32 to index
        %get3A_255 = arith.constant 48 : index
        %get3A_256 = tpu.vector_load %arg13[%get3A_254, %get3A_255] {strides = array<i32>} : memref<128x128xf32, #tpu.memory_space<vmem>>, vector<16xf32>,
        %mul3A_257 = vector.broadcast %squeeze3A_229 : f32 to vector<16xf32>
        %mul3A_258 = arith.mulf %get3A_256, %mul3A_257 : vector<16xf32>
        %swap3A_259 = arith.index_cast %add3A_227 : i32 to index
        %swap3A_260 = arith.constant 48 : index
        %swap3A_261 = tpu.vector_load %arg13[%swap3A_259, %swap3A_260] {strides = array<i32>} : memref<128x128xf32, #tpu.memory_space<vmem>>, vector<16xf32>,
        tpu.vector_store %arg13[%swap3A_259, %swap3A_260], %mul3A_258 {strides = array<i32>} : memref<128x128xf32, #tpu.memory_space<vmem>>, vector<16xf32>,
        %get3A_262 = arith.index_cast %add3A_227 : i32 to index
        %get3A_263 = arith.constant 64 : index
        %get3A_264 = tpu.vector_load %arg13[%get3A_262, %get3A_263] {strides = array<i32>} : memref<128x128xf32, #tpu.memory_space<vmem>>, vector<16xf32>,
        %mul3A_265 = vector.broadcast %squeeze3A_229 : f32 to vector<16xf32>
        %mul3A_266 = arith.mulf %get3A_264, %mul3A_265 : vector<16xf32>
        %swap3A_267 = arith.index_cast %add3A_227 : i32 to index
        %swap3A_268 = arith.constant 64 : index
        %swap3A_269 = tpu.vector_load %arg13[%swap3A_267, %swap3A_268] {strides = array<i32>} : memref<128x128xf32, #tpu.memory_space<vmem>>, vector<16xf32>,
        tpu.vector_store %arg13[%swap3A_267, %swap3A_268], %mul3A_266 {strides = array<i32>} : memref<128x128xf32, #tpu.memory_space<vmem>>, vector<16xf32>,
        %get3A_270 = arith.index_cast %add3A_227 : i32 to index
        %get3A_271 = arith.constant 80 : index
        %get3A_272 = tpu.vector_load %arg13[%get3A_270, %get3A_271] {strides = array<i32>} : memref<128x128xf32, #tpu.memory_space<vmem>>, vector<16xf32>,
        %mul3A_273 = vector.broadcast %squeeze3A_229 : f32 to vector<16xf32>
        %mul3A_274 = arith.mulf %get3A_272, %mul3A_273 : vector<16xf32>
        %swap3A_275 = arith.index_cast %add3A_227 : i32 to index
        %swap3A_276 = arith.constant 80 : index
        %swap3A_277 = tpu.vector_load %arg13[%swap3A_275, %swap3A_276] {strides = array<i32>} : memref<128x128xf32, #tpu.memory_space<vmem>>, vector<16xf32>,
        tpu.vector_store %arg13[%swap3A_275, %swap3A_276], %mul3A_274 {strides = array<i32>} : memref<128x128xf32, #tpu.memory_space<vmem>>, vector<16xf32>,
        %get3A_278 = arith.index_cast %add3A_227 : i32 to index
        %get3A_279 = arith.constant 96 : index
        %get3A_280 = tpu.vector_load %arg13[%get3A_278, %get3A_279] {strides = array<i32>} : memref<128x128xf32, #tpu.memory_space<vmem>>, vector<16xf32>,
        %mul3A_281 = vector.broadcast %squeeze3A_229 : f32 to vector<16xf32>
        %mul3A_282 = arith.mulf %get3A_280, %mul3A_281 : vector<16xf32>
        %swap3A_283 = arith.index_cast %add3A_227 : i32 to index
        %swap3A_284 = arith.constant 96 : index
        %swap3A_285 = tpu.vector_load %arg13[%swap3A_283, %swap3A_284] {strides = array<i32>} : memref<128x128xf32, #tpu.memory_space<vmem>>, vector<16xf32>,
        tpu.vector_store %arg13[%swap3A_283, %swap3A_284], %mul3A_282 {strides = array<i32>} : memref<128x128xf32, #tpu.memory_space<vmem>>, vector<16xf32>,
        %get3A_286 = arith.index_cast %add3A_227 : i32 to index
        %get3A_287 = arith.constant 112 : index
        %get3A_288 = tpu.vector_load %arg13[%get3A_286, %get3A_287] {strides = array<i32>} : memref<128x128xf32, #tpu.memory_space<vmem>>, vector<16xf32>,
        %mul3A_289 = vector.broadcast %squeeze3A_229 : f32 to vector<16xf32>
        %mul3A_290 = arith.mulf %get3A_288, %mul3A_289 : vector<16xf32>
        %swap3A_291 = arith.index_cast %add3A_227 : i32 to index
        %swap3A_292 = arith.constant 112 : index
        %swap3A_293 = tpu.vector_load %arg13[%swap3A_291, %swap3A_292] {strides = array<i32>} : memref<128x128xf32, #tpu.memory_space<vmem>>, vector<16xf32>,
        tpu.vector_store %arg13[%swap3A_291, %swap3A_292], %mul3A_290 {strides = array<i32>} : memref<128x128xf32, #tpu.memory_space<vmem>>, vector<16xf32>,
        %mul3A_294 = arith.constant 16 : i32
        %mul3A_295 = arith.muli %scan3A_82, %mul3A_294 : i32
        %add3A_296 = arith.constant 3 : i32
        %add3A_297 = arith.addi %mul3A_295, %add3A_296 : i32
        %slice3A_298 = vector.extract_strided_slice %get3A_86 {offsets = [3], sizes = [1], strides = [1]} : vector<16xf32> to vector<1xf32>
        %squeeze3A_299 = vector.extract %slice3A_298[0] : f32 from vector<1xf32>
        %get3A_300 = arith.index_cast %add3A_297 : i32 to index
        %get3A_301 = arith.constant 0 : index
        %get3A_302 = tpu.vector_load %arg13[%get3A_300, %get3A_301] {strides = array<i32>} : memref<128x128xf32, #tpu.memory_space<vmem>>, vector<16xf32>,
        %mul3A_303 = vector.broadcast %squeeze3A_299 : f32 to vector<16xf32>
        %mul3A_304 = arith.mulf %get3A_302, %mul3A_303 : vector<16xf32>
        %swap3A_305 = arith.index_cast %add3A_297 : i32 to index
        %swap3A_306 = arith.constant 0 : index
        %swap3A_307 = tpu.vector_load %arg13[%swap3A_305, %swap3A_306] {strides = array<i32>} : memref<128x128xf32, #tpu.memory_space<vmem>>, vector<16xf32>,
        tpu.vector_store %arg13[%swap3A_305, %swap3A_306], %mul3A_304 {strides = array<i32>} : memref<128x128xf32, #tpu.memory_space<vmem>>, vector<16xf32>,
        %get3A_308 = arith.index_cast %add3A_297 : i32 to index
        %get3A_309 = arith.constant 16 : index
        %get3A_310 = tpu.vector_load %arg13[%get3A_308, %get3A_309] {strides = array<i32>} : memref<128x128xf32, #tpu.memory_space<vmem>>, vector<16xf32>,
        %mul3A_311 = vector.broadcast %squeeze3A_299 : f32 to vector<16xf32>
        %mul3A_312 = arith.mulf %get3A_310, %mul3A_311 : vector<16xf32>
        %swap3A_313 = arith.index_cast %add3A_297 : i32 to index
        %swap3A_314 = arith.constant 16 : index
        %swap3A_315 = tpu.vector_load %arg13[%swap3A_313, %swap3A_314] {strides = array<i32>} : memref<128x128xf32, #tpu.memory_space<vmem>>, vector<16xf32>,
        tpu.vector_store %arg13[%swap3A_313, %swap3A_314], %mul3A_312 {strides = array<i32>} : memref<128x128xf32, #tpu.memory_space<vmem>>, vector<16xf32>,
        %get3A_316 = arith.index_cast %add3A_297 : i32 to index
        %get3A_317 = arith.constant 32 : index
        %get3A_318 = tpu.vector_load %arg13[%get3A_316, %get3A_317] {strides = array<i32>} : memref<128x128xf32, #tpu.memory_space<vmem>>, vector<16xf32>,
        %mul3A_319 = vector.broadcast %squeeze3A_299 : f32 to vector<16xf32>
        %mul3A_320 = arith.mulf %get3A_318, %mul3A_319 : vector<16xf32>
        %swap3A_321 = arith.index_cast %add3A_297 : i32 to index
        %swap3A_322 = arith.constant 32 : index
        %swap3A_323 = tpu.vector_load %arg13[%swap3A_321, %swap3A_322] {strides = array<i32>} : memref<128x128xf32, #tpu.memory_space<vmem>>, vector<16xf32>,
        tpu.vector_store %arg13[%swap3A_321, %swap3A_322], %mul3A_320 {strides = array<i32>} : memref<128x128xf32, #tpu.memory_space<vmem>>, vector<16xf32>,
        %get3A_324 = arith.index_cast %add3A_297 : i32 to index
        %get3A_325 = arith.constant 48 : index
        %get3A_326 = tpu.vector_load %arg13[%get3A_324, %get3A_325] {strides = array<i32>} : memref<128x128xf32, #tpu.memory_space<vmem>>, vector<16xf32>,
        %mul3A_327 = vector.broadcast %squeeze3A_299 : f32 to vector<16xf32>
        %mul3A_328 = arith.mulf %get3A_326, %mul3A_327 : vector<16xf32>
        %swap3A_329 = arith.index_cast %add3A_297 : i32 to index
        %swap3A_330 = arith.constant 48 : index
        %swap3A_331 = tpu.vector_load %arg13[%swap3A_329, %swap3A_330] {strides = array<i32>} : memref<128x128xf32, #tpu.memory_space<vmem>>, vector<16xf32>,
        tpu.vector_store %arg13[%swap3A_329, %swap3A_330], %mul3A_328 {strides = array<i32>} : memref<128x128xf32, #tpu.memory_space<vmem>>, vector<16xf32>,
        %get3A_332 = arith.index_cast %add3A_297 : i32 to index
        %get3A_333 = arith.constant 64 : index
        %get3A_334 = tpu.vector_load %arg13[%get3A_332, %get3A_333] {strides = array<i32>} : memref<128x128xf32, #tpu.memory_space<vmem>>, vector<16xf32>,
        %mul3A_335 = vector.broadcast %squeeze3A_299 : f32 to vector<16xf32>
        %mul3A_336 = arith.mulf %get3A_334, %mul3A_335 : vector<16xf32>
        %swap3A_337 = arith.index_cast %add3A_297 : i32 to index
        %swap3A_338 = arith.constant 64 : index
        %swap3A_339 = tpu.vector_load %arg13[%swap3A_337, %swap3A_338] {strides = array<i32>} : memref<128x128xf32, #tpu.memory_space<vmem>>, vector<16xf32>,
        tpu.vector_store %arg13[%swap3A_337, %swap3A_338], %mul3A_336 {strides = array<i32>} : memref<128x128xf32, #tpu.memory_space<vmem>>, vector<16xf32>,
        %get3A_340 = arith.index_cast %add3A_297 : i32 to index
        %get3A_341 = arith.constant 80 : index
        %get3A_342 = tpu.vector_load %arg13[%get3A_340, %get3A_341] {strides = array<i32>} : memref<128x128xf32, #tpu.memory_space<vmem>>, vector<16xf32>,
        %mul3A_343 = vector.broadcast %squeeze3A_299 : f32 to vector<16xf32>
        %mul3A_344 = arith.mulf %get3A_342, %mul3A_343 : vector<16xf32>
        %swap3A_345 = arith.index_cast %add3A_297 : i32 to index
        %swap3A_346 = arith.constant 80 : index
        %swap3A_347 = tpu.vector_load %arg13[%swap3A_345, %swap3A_346] {strides = array<i32>} : memref<128x128xf32, #tpu.memory_space<vmem>>, vector<16xf32>,
        tpu.vector_store %arg13[%swap3A_345, %swap3A_346], %mul3A_344 {strides = array<i32>} : memref<128x128xf32, #tpu.memory_space<vmem>>, vector<16xf32>,
        %get3A_348 = arith.index_cast %add3A_297 : i32 to index
        %get3A_349 = arith.constant 96 : index
        %get3A_350 = tpu.vector_load %arg13[%get3A_348, %get3A_349] {strides = array<i32>} : memref<128x128xf32, #tpu.memory_space<vmem>>, vector<16xf32>,
        %mul3A_351 = vector.broadcast %squeeze3A_299 : f32 to vector<16xf32>
        %mul3A_352 = arith.mulf %get3A_350, %mul3A_351 : vector<16xf32>
        %swap3A_353 = arith.index_cast %add3A_297 : i32 to index
        %swap3A_354 = arith.constant 96 : index
        %swap3A_355 = tpu.vector_load %arg13[%swap3A_353, %swap3A_354] {strides = array<i32>} : memref<128x128xf32, #tpu.memory_space<vmem>>, vector<16xf32>,
        tpu.vector_store %arg13[%swap3A_353, %swap3A_354], %mul3A_352 {strides = array<i32>} : memref<128x128xf32, #tpu.memory_space<vmem>>, vector<16xf32>,
        %get3A_356 = arith.index_cast %add3A_297 : i32 to index
        %get3A_357 = arith.constant 112 : index
        %get3A_358 = tpu.vector_load %arg13[%get3A_356, %get3A_357] {strides = array<i32>} : memref<128x128xf32, #tpu.memory_space<vmem>>, vector<16xf32>,
        %mul3A_359 = vector.broadcast %squeeze3A_299 : f32 to vector<16xf32>
        %mul3A_360 = arith.mulf %get3A_358, %mul3A_359 : vector<16xf32>
        %swap3A_361 = arith.index_cast %add3A_297 : i32 to index
        %swap3A_362 = arith.constant 112 : index
        %swap3A_363 = tpu.vector_load %arg13[%swap3A_361, %swap3A_362] {strides = array<i32>} : memref<128x128xf32, #tpu.memory_space<vmem>>, vector<16xf32>,
        tpu.vector_store %arg13[%swap3A_361, %swap3A_362], %mul3A_360 {strides = array<i32>} : memref<128x128xf32, #tpu.memory_space<vmem>>, vector<16xf32>,
        %mul3A_364 = arith.constant 16 : i32
        %mul3A_365 = arith.muli %scan3A_82, %mul3A_364 : i32
        %add3A_366 = arith.constant 4 : i32
        %add3A_367 = arith.addi %mul3A_365, %add3A_366 : i32
        %slice3A_368 = vector.extract_strided_slice %get3A_86 {offsets = [4], sizes = [1], strides = [1]} : vector<16xf32> to vector<1xf32>
        %squeeze3A_369 = vector.extract %slice3A_368[0] : f32 from vector<1xf32>
        %get3A_370 = arith.index_cast %add3A_367 : i32 to index
        %get3A_371 = arith.constant 0 : index
        %get3A_372 = tpu.vector_load %arg13[%get3A_370, %get3A_371] {strides = array<i32>} : memref<128x128xf32, #tpu.memory_space<vmem>>, vector<16xf32>,
        %mul3A_373 = vector.broadcast %squeeze3A_369 : f32 to vector<16xf32>
        %mul3A_374 = arith.mulf %get3A_372, %mul3A_373 : vector<16xf32>
        %swap3A_375 = arith.index_cast %add3A_367 : i32 to index
        %swap3A_376 = arith.constant 0 : index
        %swap3A_377 = tpu.vector_load %arg13[%swap3A_375, %swap3A_376] {strides = array<i32>} : memref<128x128xf32, #tpu.memory_space<vmem>>, vector<16xf32>,
        tpu.vector_store %arg13[%swap3A_375, %swap3A_376], %mul3A_374 {strides = array<i32>} : memref<128x128xf32, #tpu.memory_space<vmem>>, vector<16xf32>,
        %get3A_378 = arith.index_cast %add3A_367 : i32 to index
        %get3A_379 = arith.constant 16 : index
        %get3A_380 = tpu.vector_load %arg13[%get3A_378, %get3A_379] {strides = array<i32>} : memref<128x128xf32, #tpu.memory_space<vmem>>, vector<16xf32>,
        %mul3A_381 = vector.broadcast %squeeze3A_369 : f32 to vector<16xf32>
        %mul3A_382 = arith.mulf %get3A_380, %mul3A_381 : vector<16xf32>
        %swap3A_383 = arith.index_cast %add3A_367 : i32 to index
        %swap3A_384 = arith.constant 16 : index
        %swap3A_385 = tpu.vector_load %arg13[%swap3A_383, %swap3A_384] {strides = array<i32>} : memref<128x128xf32, #tpu.memory_space<vmem>>, vector<16xf32>,
        tpu.vector_store %arg13[%swap3A_383, %swap3A_384], %mul3A_382 {strides = array<i32>} : memref<128x128xf32, #tpu.memory_space<vmem>>, vector<16xf32>,
        %get3A_386 = arith.index_cast %add3A_367 : i32 to index
        %get3A_387 = arith.constant 32 : index
        %get3A_388 = tpu.vector_load %arg13[%get3A_386, %get3A_387] {strides = array<i32>} : memref<128x128xf32, #tpu.memory_space<vmem>>, vector<16xf32>,
        %mul3A_389 = vector.broadcast %squeeze3A_369 : f32 to vector<16xf32>
        %mul3A_390 = arith.mulf %get3A_388, %mul3A_389 : vector<16xf32>
        %swap3A_391 = arith.index_cast %add3A_367 : i32 to index
        %swap3A_392 = arith.constant 32 : index
        %swap3A_393 = tpu.vector_load %arg13[%swap3A_391, %swap3A_392] {strides = array<i32>} : memref<128x128xf32, #tpu.memory_space<vmem>>, vector<16xf32>,
        tpu.vector_store %arg13[%swap3A_391, %swap3A_392], %mul3A_390 {strides = array<i32>} : memref<128x128xf32, #tpu.memory_space<vmem>>, vector<16xf32>,
        %get3A_394 = arith.index_cast %add3A_367 : i32 to index
        %get3A_395 = arith.constant 48 : index
        %get3A_396 = tpu.vector_load %arg13[%get3A_394, %get3A_395] {strides = array<i32>} : memref<128x128xf32, #tpu.memory_space<vmem>>, vector<16xf32>,
        %mul3A_397 = vector.broadcast %squeeze3A_369 : f32 to vector<16xf32>
        %mul3A_398 = arith.mulf %get3A_396, %mul3A_397 : vector<16xf32>
        %swap3A_399 = arith.index_cast %add3A_367 : i32 to index
        %swap3A_400 = arith.constant 48 : index
        %swap3A_401 = tpu.vector_load %arg13[%swap3A_399, %swap3A_400] {strides = array<i32>} : memref<128x128xf32, #tpu.memory_space<vmem>>, vector<16xf32>,
        tpu.vector_store %arg13[%swap3A_399, %swap3A_400], %mul3A_398 {strides = array<i32>} : memref<128x128xf32, #tpu.memory_space<vmem>>, vector<16xf32>,
        %get3A_402 = arith.index_cast %add3A_367 : i32 to index
        %get3A_403 = arith.constant 64 : index
        %get3A_404 = tpu.vector_load %arg13[%get3A_402, %get3A_403] {strides = array<i32>} : memref<128x128xf32, #tpu.memory_space<vmem>>, vector<16xf32>,
        %mul3A_405 = vector.broadcast %squeeze3A_369 : f32 to vector<16xf32>
        %mul3A_406 = arith.mulf %get3A_404, %mul3A_405 : vector<16xf32>
        %swap3A_407 = arith.index_cast %add3A_367 : i32 to index
        %swap3A_408 = arith.constant 64 : index
        %swap3A_409 = tpu.vector_load %arg13[%swap3A_407, %swap3A_408] {strides = array<i32>} : memref<128x128xf32, #tpu.memory_space<vmem>>, vector<16xf32>,
        tpu.vector_store %arg13[%swap3A_407, %swap3A_408], %mul3A_406 {strides = array<i32>} : memref<128x128xf32, #tpu.memory_space<vmem>>, vector<16xf32>,
        %get3A_410 = arith.index_cast %add3A_367 : i32 to index
        %get3A_411 = arith.constant 80 : index
        %get3A_412 = tpu.vector_load %arg13[%get3A_410, %get3A_411] {strides = array<i32>} : memref<128x128xf32, #tpu.memory_space<vmem>>, vector<16xf32>,
        %mul3A_413 = vector.broadcast %squeeze3A_369 : f32 to vector<16xf32>
        %mul3A_414 = arith.mulf %get3A_412, %mul3A_413 : vector<16xf32>
        %swap3A_415 = arith.index_cast %add3A_367 : i32 to index
        %swap3A_416 = arith.constant 80 : index
        %swap3A_417 = tpu.vector_load %arg13[%swap3A_415, %swap3A_416] {strides = array<i32>} : memref<128x128xf32, #tpu.memory_space<vmem>>, vector<16xf32>,
        tpu.vector_store %arg13[%swap3A_415, %swap3A_416], %mul3A_414 {strides = array<i32>} : memref<128x128xf32, #tpu.memory_space<vmem>>, vector<16xf32>,
        %get3A_418 = arith.index_cast %add3A_367 : i32 to index
        %get3A_419 = arith.constant 96 : index
        %get3A_420 = tpu.vector_load %arg13[%get3A_418, %get3A_419] {strides = array<i32>} : memref<128x128xf32, #tpu.memory_space<vmem>>, vector<16xf32>,
        %mul3A_421 = vector.broadcast %squeeze3A_369 : f32 to vector<16xf32>
        %mul3A_422 = arith.mulf %get3A_420, %mul3A_421 : vector<16xf32>
        %swap3A_423 = arith.index_cast %add3A_367 : i32 to index
        %swap3A_424 = arith.constant 96 : index
        %swap3A_425 = tpu.vector_load %arg13[%swap3A_423, %swap3A_424] {strides = array<i32>} : memref<128x128xf32, #tpu.memory_space<vmem>>, vector<16xf32>,
        tpu.vector_store %arg13[%swap3A_423, %swap3A_424], %mul3A_422 {strides = array<i32>} : memref<128x128xf32, #tpu.memory_space<vmem>>, vector<16xf32>,
        %get3A_426 = arith.index_cast %add3A_367 : i32 to index
        %get3A_427 = arith.constant 112 : index
        %get3A_428 = tpu.vector_load %arg13[%get3A_426, %get3A_427] {strides = array<i32>} : memref<128x128xf32, #tpu.memory_space<vmem>>, vector<16xf32>,
        %mul3A_429 = vector.broadcast %squeeze3A_369 : f32 to vector<16xf32>
        %mul3A_430 = arith.mulf %get3A_428, %mul3A_429 : vector<16xf32>
        %swap3A_431 = arith.index_cast %add3A_367 : i32 to index
        %swap3A_432 = arith.constant 112 : index
        %swap3A_433 = tpu.vector_load %arg13[%swap3A_431, %swap3A_432] {strides = array<i32>} : memref<128x128xf32, #tpu.memory_space<vmem>>, vector<16xf32>,
        tpu.vector_store %arg13[%swap3A_431, %swap3A_432], %mul3A_430 {strides = array<i32>} : memref<128x128xf32, #tpu.memory_space<vmem>>, vector<16xf32>,
        %mul3A_434 = arith.constant 16 : i32
        %mul3A_435 = arith.muli %scan3A_82, %mul3A_434 : i32
        %add3A_436 = arith.constant 5 : i32
        %add3A_437 = arith.addi %mul3A_435, %add3A_436 : i32
        %slice3A_438 = vector.extract_strided_slice %get3A_86 {offsets = [5], sizes = [1], strides = [1]} : vector<16xf32> to vector<1xf32>
        %squeeze3A_439 = vector.extract %slice3A_438[0] : f32 from vector<1xf32>
        %get3A_440 = arith.index_cast %add3A_437 : i32 to index
        %get3A_441 = arith.constant 0 : index
        %get3A_442 = tpu.vector_load %arg13[%get3A_440, %get3A_441] {strides = array<i32>} : memref<128x128xf32, #tpu.memory_space<vmem>>, vector<16xf32>,
        %mul3A_443 = vector.broadcast %squeeze3A_439 : f32 to vector<16xf32>
        %mul3A_444 = arith.mulf %get3A_442, %mul3A_443 : vector<16xf32>
        %swap3A_445 = arith.index_cast %add3A_437 : i32 to index
        %swap3A_446 = arith.constant 0 : index
        %swap3A_447 = tpu.vector_load %arg13[%swap3A_445, %swap3A_446] {strides = array<i32>} : memref<128x128xf32, #tpu.memory_space<vmem>>, vector<16xf32>,
        tpu.vector_store %arg13[%swap3A_445, %swap3A_446], %mul3A_444 {strides = array<i32>} : memref<128x128xf32, #tpu.memory_space<vmem>>, vector<16xf32>,
        %get3A_448 = arith.index_cast %add3A_437 : i32 to index
        %get3A_449 = arith.constant 16 : index
        %get3A_450 = tpu.vector_load %arg13[%get3A_448, %get3A_449] {strides = array<i32>} : memref<128x128xf32, #tpu.memory_space<vmem>>, vector<16xf32>,
        %mul3A_451 = vector.broadcast %squeeze3A_439 : f32 to vector<16xf32>
        %mul3A_452 = arith.mulf %get3A_450, %mul3A_451 : vector<16xf32>
        %swap3A_453 = arith.index_cast %add3A_437 : i32 to index
        %swap3A_454 = arith.constant 16 : index
        %swap3A_455 = tpu.vector_load %arg13[%swap3A_453, %swap3A_454] {strides = array<i32>} : memref<128x128xf32, #tpu.memory_space<vmem>>, vector<16xf32>,
        tpu.vector_store %arg13[%swap3A_453, %swap3A_454], %mul3A_452 {strides = array<i32>} : memref<128x128xf32, #tpu.memory_space<vmem>>, vector<16xf32>,
        %get3A_456 = arith.index_cast %add3A_437 : i32 to index
        %get3A_457 = arith.constant 32 : index
        %get3A_458 = tpu.vector_load %arg13[%get3A_456, %get3A_457] {strides = array<i32>} : memref<128x128xf32, #tpu.memory_space<vmem>>, vector<16xf32>,
        %mul3A_459 = vector.broadcast %squeeze3A_439 : f32 to vector<16xf32>
        %mul3A_460 = arith.mulf %get3A_458, %mul3A_459 : vector<16xf32>
        %swap3A_461 = arith.index_cast %add3A_437 : i32 to index
        %swap3A_462 = arith.constant 32 : index
        %swap3A_463 = tpu.vector_load %arg13[%swap3A_461, %swap3A_462] {strides = array<i32>} : memref<128x128xf32, #tpu.memory_space<vmem>>, vector<16xf32>,
        tpu.vector_store %arg13[%swap3A_461, %swap3A_462], %mul3A_460 {strides = array<i32>} : memref<128x128xf32, #tpu.memory_space<vmem>>, vector<16xf32>,
        %get3A_464 = arith.index_cast %add3A_437 : i32 to index
        %get3A_465 = arith.constant 48 : index
        %get3A_466 = tpu.vector_load %arg13[%get3A_464, %get3A_465] {strides = array<i32>} : memref<128x128xf32, #tpu.memory_space<vmem>>, vector<16xf32>,
        %mul3A_467 = vector.broadcast %squeeze3A_439 : f32 to vector<16xf32>
        %mul3A_468 = arith.mulf %get3A_466, %mul3A_467 : vector<16xf32>
        %swap3A_469 = arith.index_cast %add3A_437 : i32 to index
        %swap3A_470 = arith.constant 48 : index
        %swap3A_471 = tpu.vector_load %arg13[%swap3A_469, %swap3A_470] {strides = array<i32>} : memref<128x128xf32, #tpu.memory_space<vmem>>, vector<16xf32>,
        tpu.vector_store %arg13[%swap3A_469, %swap3A_470], %mul3A_468 {strides = array<i32>} : memref<128x128xf32, #tpu.memory_space<vmem>>, vector<16xf32>,
        %get3A_472 = arith.index_cast %add3A_437 : i32 to index
        %get3A_473 = arith.constant 64 : index
        %get3A_474 = tpu.vector_load %arg13[%get3A_472, %get3A_473] {strides = array<i32>} : memref<128x128xf32, #tpu.memory_space<vmem>>, vector<16xf32>,
        %mul3A_475 = vector.broadcast %squeeze3A_439 : f32 to vector<16xf32>
        %mul3A_476 = arith.mulf %get3A_474, %mul3A_475 : vector<16xf32>
        %swap3A_477 = arith.index_cast %add3A_437 : i32 to index
        %swap3A_478 = arith.constant 64 : index
        %swap3A_479 = tpu.vector_load %arg13[%swap3A_477, %swap3A_478] {strides = array<i32>} : memref<128x128xf32, #tpu.memory_space<vmem>>, vector<16xf32>,
        tpu.vector_store %arg13[%swap3A_477, %swap3A_478], %mul3A_476 {strides = array<i32>} : memref<128x128xf32, #tpu.memory_space<vmem>>, vector<16xf32>,
        %get3A_480 = arith.index_cast %add3A_437 : i32 to index
        %get3A_481 = arith.constant 80 : index
        %get3A_482 = tpu.vector_load %arg13[%get3A_480, %get3A_481] {strides = array<i32>} : memref<128x128xf32, #tpu.memory_space<vmem>>, vector<16xf32>,
        %mul3A_483 = vector.broadcast %squeeze3A_439 : f32 to vector<16xf32>
        %mul3A_484 = arith.mulf %get3A_482, %mul3A_483 : vector<16xf32>
        %swap3A_485 = arith.index_cast %add3A_437 : i32 to index
        %swap3A_486 = arith.constant 80 : index
        %swap3A_487 = tpu.vector_load %arg13[%swap3A_485, %swap3A_486] {strides = array<i32>} : memref<128x128xf32, #tpu.memory_space<vmem>>, vector<16xf32>,
        tpu.vector_store %arg13[%swap3A_485, %swap3A_486], %mul3A_484 {strides = array<i32>} : memref<128x128xf32, #tpu.memory_space<vmem>>, vector<16xf32>,
        %get3A_488 = arith.index_cast %add3A_437 : i32 to index
        %get3A_489 = arith.constant 96 : index
        %get3A_490 = tpu.vector_load %arg13[%get3A_488, %get3A_489] {strides = array<i32>} : memref<128x128xf32, #tpu.memory_space<vmem>>, vector<16xf32>,
        %mul3A_491 = vector.broadcast %squeeze3A_439 : f32 to vector<16xf32>
        %mul3A_492 = arith.mulf %get3A_490, %mul3A_491 : vector<16xf32>
        %swap3A_493 = arith.index_cast %add3A_437 : i32 to index
        %swap3A_494 = arith.constant 96 : index
        %swap3A_495 = tpu.vector_load %arg13[%swap3A_493, %swap3A_494] {strides = array<i32>} : memref<128x128xf32, #tpu.memory_space<vmem>>, vector<16xf32>,
        tpu.vector_store %arg13[%swap3A_493, %swap3A_494], %mul3A_492 {strides = array<i32>} : memref<128x128xf32, #tpu.memory_space<vmem>>, vector<16xf32>,
        %get3A_496 = arith.index_cast %add3A_437 : i32 to index
        %get3A_497 = arith.constant 112 : index
        %get3A_498 = tpu.vector_load %arg13[%get3A_496, %get3A_497] {strides = array<i32>} : memref<128x128xf32, #tpu.memory_space<vmem>>, vector<16xf32>,
        %mul3A_499 = vector.broadcast %squeeze3A_439 : f32 to vector<16xf32>
        %mul3A_500 = arith.mulf %get3A_498, %mul3A_499 : vector<16xf32>
        %swap3A_501 = arith.index_cast %add3A_437 : i32 to index
        %swap3A_502 = arith.constant 112 : index
        %swap3A_503 = tpu.vector_load %arg13[%swap3A_501, %swap3A_502] {strides = array<i32>} : memref<128x128xf32, #tpu.memory_space<vmem>>, vector<16xf32>,
        tpu.vector_store %arg13[%swap3A_501, %swap3A_502], %mul3A_500 {strides = array<i32>} : memref<128x128xf32, #tpu.memory_space<vmem>>, vector<16xf32>,
        %mul3A_504 = arith.constant 16 : i32
        %mul3A_505 = arith.muli %scan3A_82, %mul3A_504 : i32
        %add3A_506 = arith.constant 6 : i32
        %add3A_507 = arith.addi %mul3A_505, %add3A_506 : i32
        %slice3A_508 = vector.extract_strided_slice %get3A_86 {offsets = [6], sizes = [1], strides = [1]} : vector<16xf32> to vector<1xf32>
        %squeeze3A_509 = vector.extract %slice3A_508[0] : f32 from vector<1xf32>
        %get3A_510 = arith.index_cast %add3A_507 : i32 to index
        %get3A_511 = arith.constant 0 : index
        %get3A_512 = tpu.vector_load %arg13[%get3A_510, %get3A_511] {strides = array<i32>} : memref<128x128xf32, #tpu.memory_space<vmem>>, vector<16xf32>,
        %mul3A_513 = vector.broadcast %squeeze3A_509 : f32 to vector<16xf32>
        %mul3A_514 = arith.mulf %get3A_512, %mul3A_513 : vector<16xf32>
        %swap3A_515 = arith.index_cast %add3A_507 : i32 to index
        %swap3A_516 = arith.constant 0 : index
        %swap3A_517 = tpu.vector_load %arg13[%swap3A_515, %swap3A_516] {strides = array<i32>} : memref<128x128xf32, #tpu.memory_space<vmem>>, vector<16xf32>,
        tpu.vector_store %arg13[%swap3A_515, %swap3A_516], %mul3A_514 {strides = array<i32>} : memref<128x128xf32, #tpu.memory_space<vmem>>, vector<16xf32>,
        %get3A_518 = arith.index_cast %add3A_507 : i32 to index
        %get3A_519 = arith.constant 16 : index
        %get3A_520 = tpu.vector_load %arg13[%get3A_518, %get3A_519] {strides = array<i32>} : memref<128x128xf32, #tpu.memory_space<vmem>>, vector<16xf32>,
        %mul3A_521 = vector.broadcast %squeeze3A_509 : f32 to vector<16xf32>
        %mul3A_522 = arith.mulf %get3A_520, %mul3A_521 : vector<16xf32>
        %swap3A_523 = arith.index_cast %add3A_507 : i32 to index
        %swap3A_524 = arith.constant 16 : index
        %swap3A_525 = tpu.vector_load %arg13[%swap3A_523, %swap3A_524] {strides = array<i32>} : memref<128x128xf32, #tpu.memory_space<vmem>>, vector<16xf32>,
        tpu.vector_store %arg13[%swap3A_523, %swap3A_524], %mul3A_522 {strides = array<i32>} : memref<128x128xf32, #tpu.memory_space<vmem>>, vector<16xf32>,
        %get3A_526 = arith.index_cast %add3A_507 : i32 to index
        %get3A_527 = arith.constant 32 : index
        %get3A_528 = tpu.vector_load %arg13[%get3A_526, %get3A_527] {strides = array<i32>} : memref<128x128xf32, #tpu.memory_space<vmem>>, vector<16xf32>,
        %mul3A_529 = vector.broadcast %squeeze3A_509 : f32 to vector<16xf32>
        %mul3A_530 = arith.mulf %get3A_528, %mul3A_529 : vector<16xf32>
        %swap3A_531 = arith.index_cast %add3A_507 : i32 to index
        %swap3A_532 = arith.constant 32 : index
        %swap3A_533 = tpu.vector_load %arg13[%swap3A_531, %swap3A_532] {strides = array<i32>} : memref<128x128xf32, #tpu.memory_space<vmem>>, vector<16xf32>,
        tpu.vector_store %arg13[%swap3A_531, %swap3A_532], %mul3A_530 {strides = array<i32>} : memref<128x128xf32, #tpu.memory_space<vmem>>, vector<16xf32>,
        %get3A_534 = arith.index_cast %add3A_507 : i32 to index
        %get3A_535 = arith.constant 48 : index
        %get3A_536 = tpu.vector_load %arg13[%get3A_534, %get3A_535] {strides = array<i32>} : memref<128x128xf32, #tpu.memory_space<vmem>>, vector<16xf32>,
        %mul3A_537 = vector.broadcast %squeeze3A_509 : f32 to vector<16xf32>
        %mul3A_538 = arith.mulf %get3A_536, %mul3A_537 : vector<16xf32>
        %swap3A_539 = arith.index_cast %add3A_507 : i32 to index
        %swap3A_540 = arith.constant 48 : index
        %swap3A_541 = tpu.vector_load %arg13[%swap3A_539, %swap3A_540] {strides = array<i32>} : memref<128x128xf32, #tpu.memory_space<vmem>>, vector<16xf32>,
        tpu.vector_store %arg13[%swap3A_539, %swap3A_540], %mul3A_538 {strides = array<i32>} : memref<128x128xf32, #tpu.memory_space<vmem>>, vector<16xf32>,
        %get3A_542 = arith.index_cast %add3A_507 : i32 to index
        %get3A_543 = arith.constant 64 : index
        %get3A_544 = tpu.vector_load %arg13[%get3A_542, %get3A_543] {strides = array<i32>} : memref<128x128xf32, #tpu.memory_space<vmem>>, vector<16xf32>,
        %mul3A_545 = vector.broadcast %squeeze3A_509 : f32 to vector<16xf32>
        %mul3A_546 = arith.mulf %get3A_544, %mul3A_545 : vector<16xf32>
        %swap3A_547 = arith.index_cast %add3A_507 : i32 to index
        %swap3A_548 = arith.constant 64 : index
        %swap3A_549 = tpu.vector_load %arg13[%swap3A_547, %swap3A_548] {strides = array<i32>} : memref<128x128xf32, #tpu.memory_space<vmem>>, vector<16xf32>,
        tpu.vector_store %arg13[%swap3A_547, %swap3A_548], %mul3A_546 {strides = array<i32>} : memref<128x128xf32, #tpu.memory_space<vmem>>, vector<16xf32>,
        %get3A_550 = arith.index_cast %add3A_507 : i32 to index
        %get3A_551 = arith.constant 80 : index
        %get3A_552 = tpu.vector_load %arg13[%get3A_550, %get3A_551] {strides = array<i32>} : memref<128x128xf32, #tpu.memory_space<vmem>>, vector<16xf32>,
        %mul3A_553 = vector.broadcast %squeeze3A_509 : f32 to vector<16xf32>
        %mul3A_554 = arith.mulf %get3A_552, %mul3A_553 : vector<16xf32>
        %swap3A_555 = arith.index_cast %add3A_507 : i32 to index
        %swap3A_556 = arith.constant 80 : index
        %swap3A_557 = tpu.vector_load %arg13[%swap3A_555, %swap3A_556] {strides = array<i32>} : memref<128x128xf32, #tpu.memory_space<vmem>>, vector<16xf32>,
        tpu.vector_store %arg13[%swap3A_555, %swap3A_556], %mul3A_554 {strides = array<i32>} : memref<128x128xf32, #tpu.memory_space<vmem>>, vector<16xf32>,
        %get3A_558 = arith.index_cast %add3A_507 : i32 to index
        %get3A_559 = arith.constant 96 : index
        %get3A_560 = tpu.vector_load %arg13[%get3A_558, %get3A_559] {strides = array<i32>} : memref<128x128xf32, #tpu.memory_space<vmem>>, vector<16xf32>,
        %mul3A_561 = vector.broadcast %squeeze3A_509 : f32 to vector<16xf32>
        %mul3A_562 = arith.mulf %get3A_560, %mul3A_561 : vector<16xf32>
        %swap3A_563 = arith.index_cast %add3A_507 : i32 to index
        %swap3A_564 = arith.constant 96 : index
        %swap3A_565 = tpu.vector_load %arg13[%swap3A_563, %swap3A_564] {strides = array<i32>} : memref<128x128xf32, #tpu.memory_space<vmem>>, vector<16xf32>,
        tpu.vector_store %arg13[%swap3A_563, %swap3A_564], %mul3A_562 {strides = array<i32>} : memref<128x128xf32, #tpu.memory_space<vmem>>, vector<16xf32>,
        %get3A_566 = arith.index_cast %add3A_507 : i32 to index
        %get3A_567 = arith.constant 112 : index
        %get3A_568 = tpu.vector_load %arg13[%get3A_566, %get3A_567] {strides = array<i32>} : memref<128x128xf32, #tpu.memory_space<vmem>>, vector<16xf32>,
        %mul3A_569 = vector.broadcast %squeeze3A_509 : f32 to vector<16xf32>
        %mul3A_570 = arith.mulf %get3A_568, %mul3A_569 : vector<16xf32>
        %swap3A_571 = arith.index_cast %add3A_507 : i32 to index
        %swap3A_572 = arith.constant 112 : index
        %swap3A_573 = tpu.vector_load %arg13[%swap3A_571, %swap3A_572] {strides = array<i32>} : memref<128x128xf32, #tpu.memory_space<vmem>>, vector<16xf32>,
        tpu.vector_store %arg13[%swap3A_571, %swap3A_572], %mul3A_570 {strides = array<i32>} : memref<128x128xf32, #tpu.memory_space<vmem>>, vector<16xf32>,
        %mul3A_574 = arith.constant 16 : i32
        %mul3A_575 = arith.muli %scan3A_82, %mul3A_574 : i32
        %add3A_576 = arith.constant 7 : i32
        %add3A_577 = arith.addi %mul3A_575, %add3A_576 : i32
        %slice3A_578 = vector.extract_strided_slice %get3A_86 {offsets = [7], sizes = [1], strides = [1]} : vector<16xf32> to vector<1xf32>
        %squeeze3A_579 = vector.extract %slice3A_578[0] : f32 from vector<1xf32>
        %get3A_580 = arith.index_cast %add3A_577 : i32 to index
        %get3A_581 = arith.constant 0 : index
        %get3A_582 = tpu.vector_load %arg13[%get3A_580, %get3A_581] {strides = array<i32>} : memref<128x128xf32, #tpu.memory_space<vmem>>, vector<16xf32>,
        %mul3A_583 = vector.broadcast %squeeze3A_579 : f32 to vector<16xf32>
        %mul3A_584 = arith.mulf %get3A_582, %mul3A_583 : vector<16xf32>
        %swap3A_585 = arith.index_cast %add3A_577 : i32 to index
        %swap3A_586 = arith.constant 0 : index
        %swap3A_587 = tpu.vector_load %arg13[%swap3A_585, %swap3A_586] {strides = array<i32>} : memref<128x128xf32, #tpu.memory_space<vmem>>, vector<16xf32>,
        tpu.vector_store %arg13[%swap3A_585, %swap3A_586], %mul3A_584 {strides = array<i32>} : memref<128x128xf32, #tpu.memory_space<vmem>>, vector<16xf32>,
        %get3A_588 = arith.index_cast %add3A_577 : i32 to index
        %get3A_589 = arith.constant 16 : index
        %get3A_590 = tpu.vector_load %arg13[%get3A_588, %get3A_589] {strides = array<i32>} : memref<128x128xf32, #tpu.memory_space<vmem>>, vector<16xf32>,
        %mul3A_591 = vector.broadcast %squeeze3A_579 : f32 to vector<16xf32>
        %mul3A_592 = arith.mulf %get3A_590, %mul3A_591 : vector<16xf32>
        %swap3A_593 = arith.index_cast %add3A_577 : i32 to index
        %swap3A_594 = arith.constant 16 : index
        %swap3A_595 = tpu.vector_load %arg13[%swap3A_593, %swap3A_594] {strides = array<i32>} : memref<128x128xf32, #tpu.memory_space<vmem>>, vector<16xf32>,
        tpu.vector_store %arg13[%swap3A_593, %swap3A_594], %mul3A_592 {strides = array<i32>} : memref<128x128xf32, #tpu.memory_space<vmem>>, vector<16xf32>,
        %get3A_596 = arith.index_cast %add3A_577 : i32 to index
        %get3A_597 = arith.constant 32 : index
        %get3A_598 = tpu.vector_load %arg13[%get3A_596, %get3A_597] {strides = array<i32>} : memref<128x128xf32, #tpu.memory_space<vmem>>, vector<16xf32>,
        %mul3A_599 = vector.broadcast %squeeze3A_579 : f32 to vector<16xf32>
        %mul3A_600 = arith.mulf %get3A_598, %mul3A_599 : vector<16xf32>
        %swap3A_601 = arith.index_cast %add3A_577 : i32 to index
        %swap3A_602 = arith.constant 32 : index
        %swap3A_603 = tpu.vector_load %arg13[%swap3A_601, %swap3A_602] {strides = array<i32>} : memref<128x128xf32, #tpu.memory_space<vmem>>, vector<16xf32>,
        tpu.vector_store %arg13[%swap3A_601, %swap3A_602], %mul3A_600 {strides = array<i32>} : memref<128x128xf32, #tpu.memory_space<vmem>>, vector<16xf32>,
        %get3A_604 = arith.index_cast %add3A_577 : i32 to index
        %get3A_605 = arith.constant 48 : index
        %get3A_606 = tpu.vector_load %arg13[%get3A_604, %get3A_605] {strides = array<i32>} : memref<128x128xf32, #tpu.memory_space<vmem>>, vector<16xf32>,
        %mul3A_607 = vector.broadcast %squeeze3A_579 : f32 to vector<16xf32>
        %mul3A_608 = arith.mulf %get3A_606, %mul3A_607 : vector<16xf32>
        %swap3A_609 = arith.index_cast %add3A_577 : i32 to index
        %swap3A_610 = arith.constant 48 : index
        %swap3A_611 = tpu.vector_load %arg13[%swap3A_609, %swap3A_610] {strides = array<i32>} : memref<128x128xf32, #tpu.memory_space<vmem>>, vector<16xf32>,
        tpu.vector_store %arg13[%swap3A_609, %swap3A_610], %mul3A_608 {strides = array<i32>} : memref<128x128xf32, #tpu.memory_space<vmem>>, vector<16xf32>,
        %get3A_612 = arith.index_cast %add3A_577 : i32 to index
        %get3A_613 = arith.constant 64 : index
        %get3A_614 = tpu.vector_load %arg13[%get3A_612, %get3A_613] {strides = array<i32>} : memref<128x128xf32, #tpu.memory_space<vmem>>, vector<16xf32>,
        %mul3A_615 = vector.broadcast %squeeze3A_579 : f32 to vector<16xf32>
        %mul3A_616 = arith.mulf %get3A_614, %mul3A_615 : vector<16xf32>
        %swap3A_617 = arith.index_cast %add3A_577 : i32 to index
        %swap3A_618 = arith.constant 64 : index
        %swap3A_619 = tpu.vector_load %arg13[%swap3A_617, %swap3A_618] {strides = array<i32>} : memref<128x128xf32, #tpu.memory_space<vmem>>, vector<16xf32>,
        tpu.vector_store %arg13[%swap3A_617, %swap3A_618], %mul3A_616 {strides = array<i32>} : memref<128x128xf32, #tpu.memory_space<vmem>>, vector<16xf32>,
        %get3A_620 = arith.index_cast %add3A_577 : i32 to index
        %get3A_621 = arith.constant 80 : index
        %get3A_622 = tpu.vector_load %arg13[%get3A_620, %get3A_621] {strides = array<i32>} : memref<128x128xf32, #tpu.memory_space<vmem>>, vector<16xf32>,
        %mul3A_623 = vector.broadcast %squeeze3A_579 : f32 to vector<16xf32>
        %mul3A_624 = arith.mulf %get3A_622, %mul3A_623 : vector<16xf32>
        %swap3A_625 = arith.index_cast %add3A_577 : i32 to index
        %swap3A_626 = arith.constant 80 : index
        %swap3A_627 = tpu.vector_load %arg13[%swap3A_625, %swap3A_626] {strides = array<i32>} : memref<128x128xf32, #tpu.memory_space<vmem>>, vector<16xf32>,
        tpu.vector_store %arg13[%swap3A_625, %swap3A_626], %mul3A_624 {strides = array<i32>} : memref<128x128xf32, #tpu.memory_space<vmem>>, vector<16xf32>,
        %get3A_628 = arith.index_cast %add3A_577 : i32 to index
        %get3A_629 = arith.constant 96 : index
        %get3A_630 = tpu.vector_load %arg13[%get3A_628, %get3A_629] {strides = array<i32>} : memref<128x128xf32, #tpu.memory_space<vmem>>, vector<16xf32>,
        %mul3A_631 = vector.broadcast %squeeze3A_579 : f32 to vector<16xf32>
        %mul3A_632 = arith.mulf %get3A_630, %mul3A_631 : vector<16xf32>
        %swap3A_633 = arith.index_cast %add3A_577 : i32 to index
        %swap3A_634 = arith.constant 96 : index
        %swap3A_635 = tpu.vector_load %arg13[%swap3A_633, %swap3A_634] {strides = array<i32>} : memref<128x128xf32, #tpu.memory_space<vmem>>, vector<16xf32>,
        tpu.vector_store %arg13[%swap3A_633, %swap3A_634], %mul3A_632 {strides = array<i32>} : memref<128x128xf32, #tpu.memory_space<vmem>>, vector<16xf32>,
        %get3A_636 = arith.index_cast %add3A_577 : i32 to index
        %get3A_637 = arith.constant 112 : index
        %get3A_638 = tpu.vector_load %arg13[%get3A_636, %get3A_637] {strides = array<i32>} : memref<128x128xf32, #tpu.memory_space<vmem>>, vector<16xf32>,
        %mul3A_639 = vector.broadcast %squeeze3A_579 : f32 to vector<16xf32>
        %mul3A_640 = arith.mulf %get3A_638, %mul3A_639 : vector<16xf32>
        %swap3A_641 = arith.index_cast %add3A_577 : i32 to index
        %swap3A_642 = arith.constant 112 : index
        %swap3A_643 = tpu.vector_load %arg13[%swap3A_641, %swap3A_642] {strides = array<i32>} : memref<128x128xf32, #tpu.memory_space<vmem>>, vector<16xf32>,
        tpu.vector_store %arg13[%swap3A_641, %swap3A_642], %mul3A_640 {strides = array<i32>} : memref<128x128xf32, #tpu.memory_space<vmem>>, vector<16xf32>,
        %mul3A_644 = arith.constant 16 : i32
        %mul3A_645 = arith.muli %scan3A_82, %mul3A_644 : i32
        %add3A_646 = arith.constant 8 : i32
        %add3A_647 = arith.addi %mul3A_645, %add3A_646 : i32
        %slice3A_648 = vector.extract_strided_slice %get3A_86 {offsets = [8], sizes = [1], strides = [1]} : vector<16xf32> to vector<1xf32>
        %squeeze3A_649 = vector.extract %slice3A_648[0] : f32 from vector<1xf32>
        %get3A_650 = arith.index_cast %add3A_647 : i32 to index
        %get3A_651 = arith.constant 0 : index
        %get3A_652 = tpu.vector_load %arg13[%get3A_650, %get3A_651] {strides = array<i32>} : memref<128x128xf32, #tpu.memory_space<vmem>>, vector<16xf32>,
        %mul3A_653 = vector.broadcast %squeeze3A_649 : f32 to vector<16xf32>
        %mul3A_654 = arith.mulf %get3A_652, %mul3A_653 : vector<16xf32>
        %swap3A_655 = arith.index_cast %add3A_647 : i32 to index
        %swap3A_656 = arith.constant 0 : index
        %swap3A_657 = tpu.vector_load %arg13[%swap3A_655, %swap3A_656] {strides = array<i32>} : memref<128x128xf32, #tpu.memory_space<vmem>>, vector<16xf32>,
        tpu.vector_store %arg13[%swap3A_655, %swap3A_656], %mul3A_654 {strides = array<i32>} : memref<128x128xf32, #tpu.memory_space<vmem>>, vector<16xf32>,
        %get3A_658 = arith.index_cast %add3A_647 : i32 to index
        %get3A_659 = arith.constant 16 : index
        %get3A_660 = tpu.vector_load %arg13[%get3A_658, %get3A_659] {strides = array<i32>} : memref<128x128xf32, #tpu.memory_space<vmem>>, vector<16xf32>,
        %mul3A_661 = vector.broadcast %squeeze3A_649 : f32 to vector<16xf32>
        %mul3A_662 = arith.mulf %get3A_660, %mul3A_661 : vector<16xf32>
        %swap3A_663 = arith.index_cast %add3A_647 : i32 to index
        %swap3A_664 = arith.constant 16 : index
        %swap3A_665 = tpu.vector_load %arg13[%swap3A_663, %swap3A_664] {strides = array<i32>} : memref<128x128xf32, #tpu.memory_space<vmem>>, vector<16xf32>,
        tpu.vector_store %arg13[%swap3A_663, %swap3A_664], %mul3A_662 {strides = array<i32>} : memref<128x128xf32, #tpu.memory_space<vmem>>, vector<16xf32>,
        %get3A_666 = arith.index_cast %add3A_647 : i32 to index
        %get3A_667 = arith.constant 32 : index
        %get3A_668 = tpu.vector_load %arg13[%get3A_666, %get3A_667] {strides = array<i32>} : memref<128x128xf32, #tpu.memory_space<vmem>>, vector<16xf32>,
        %mul3A_669 = vector.broadcast %squeeze3A_649 : f32 to vector<16xf32>
        %mul3A_670 = arith.mulf %get3A_668, %mul3A_669 : vector<16xf32>
        %swap3A_671 = arith.index_cast %add3A_647 : i32 to index
        %swap3A_672 = arith.constant 32 : index
        %swap3A_673 = tpu.vector_load %arg13[%swap3A_671, %swap3A_672] {strides = array<i32>} : memref<128x128xf32, #tpu.memory_space<vmem>>, vector<16xf32>,
        tpu.vector_store %arg13[%swap3A_671, %swap3A_672], %mul3A_670 {strides = array<i32>} : memref<128x128xf32, #tpu.memory_space<vmem>>, vector<16xf32>,
        %get3A_674 = arith.index_cast %add3A_647 : i32 to index
        %get3A_675 = arith.constant 48 : index
        %get3A_676 = tpu.vector_load %arg13[%get3A_674, %get3A_675] {strides = array<i32>} : memref<128x128xf32, #tpu.memory_space<vmem>>, vector<16xf32>,
        %mul3A_677 = vector.broadcast %squeeze3A_649 : f32 to vector<16xf32>
        %mul3A_678 = arith.mulf %get3A_676, %mul3A_677 : vector<16xf32>
        %swap3A_679 = arith.index_cast %add3A_647 : i32 to index
        %swap3A_680 = arith.constant 48 : index
        %swap3A_681 = tpu.vector_load %arg13[%swap3A_679, %swap3A_680] {strides = array<i32>} : memref<128x128xf32, #tpu.memory_space<vmem>>, vector<16xf32>,
        tpu.vector_store %arg13[%swap3A_679, %swap3A_680], %mul3A_678 {strides = array<i32>} : memref<128x128xf32, #tpu.memory_space<vmem>>, vector<16xf32>,
        %get3A_682 = arith.index_cast %add3A_647 : i32 to index
        %get3A_683 = arith.constant 64 : index
        %get3A_684 = tpu.vector_load %arg13[%get3A_682, %get3A_683] {strides = array<i32>} : memref<128x128xf32, #tpu.memory_space<vmem>>, vector<16xf32>,
        %mul3A_685 = vector.broadcast %squeeze3A_649 : f32 to vector<16xf32>
        %mul3A_686 = arith.mulf %get3A_684, %mul3A_685 : vector<16xf32>
        %swap3A_687 = arith.index_cast %add3A_647 : i32 to index
        %swap3A_688 = arith.constant 64 : index
        %swap3A_689 = tpu.vector_load %arg13[%swap3A_687, %swap3A_688] {strides = array<i32>} : memref<128x128xf32, #tpu.memory_space<vmem>>, vector<16xf32>,
        tpu.vector_store %arg13[%swap3A_687, %swap3A_688], %mul3A_686 {strides = array<i32>} : memref<128x128xf32, #tpu.memory_space<vmem>>, vector<16xf32>,
        %get3A_690 = arith.index_cast %add3A_647 : i32 to index
        %get3A_691 = arith.constant 80 : index
        %get3A_692 = tpu.vector_load %arg13[%get3A_690, %get3A_691] {strides = array<i32>} : memref<128x128xf32, #tpu.memory_space<vmem>>, vector<16xf32>,
        %mul3A_693 = vector.broadcast %squeeze3A_649 : f32 to vector<16xf32>
        %mul3A_694 = arith.mulf %get3A_692, %mul3A_693 : vector<16xf32>
        %swap3A_695 = arith.index_cast %add3A_647 : i32 to index
        %swap3A_696 = arith.constant 80 : index
        %swap3A_697 = tpu.vector_load %arg13[%swap3A_695, %swap3A_696] {strides = array<i32>} : memref<128x128xf32, #tpu.memory_space<vmem>>, vector<16xf32>,
        tpu.vector_store %arg13[%swap3A_695, %swap3A_696], %mul3A_694 {strides = array<i32>} : memref<128x128xf32, #tpu.memory_space<vmem>>, vector<16xf32>,
        %get3A_698 = arith.index_cast %add3A_647 : i32 to index
        %get3A_699 = arith.constant 96 : index
        %get3A_700 = tpu.vector_load %arg13[%get3A_698, %get3A_699] {strides = array<i32>} : memref<128x128xf32, #tpu.memory_space<vmem>>, vector<16xf32>,
        %mul3A_701 = vector.broadcast %squeeze3A_649 : f32 to vector<16xf32>
        %mul3A_702 = arith.mulf %get3A_700, %mul3A_701 : vector<16xf32>
        %swap3A_703 = arith.index_cast %add3A_647 : i32 to index
        %swap3A_704 = arith.constant 96 : index
        %swap3A_705 = tpu.vector_load %arg13[%swap3A_703, %swap3A_704] {strides = array<i32>} : memref<128x128xf32, #tpu.memory_space<vmem>>, vector<16xf32>,
        tpu.vector_store %arg13[%swap3A_703, %swap3A_704], %mul3A_702 {strides = array<i32>} : memref<128x128xf32, #tpu.memory_space<vmem>>, vector<16xf32>,
        %get3A_706 = arith.index_cast %add3A_647 : i32 to index
        %get3A_707 = arith.constant 112 : index
        %get3A_708 = tpu.vector_load %arg13[%get3A_706, %get3A_707] {strides = array<i32>} : memref<128x128xf32, #tpu.memory_space<vmem>>, vector<16xf32>,
        %mul3A_709 = vector.broadcast %squeeze3A_649 : f32 to vector<16xf32>
        %mul3A_710 = arith.mulf %get3A_708, %mul3A_709 : vector<16xf32>
        %swap3A_711 = arith.index_cast %add3A_647 : i32 to index
        %swap3A_712 = arith.constant 112 : index
        %swap3A_713 = tpu.vector_load %arg13[%swap3A_711, %swap3A_712] {strides = array<i32>} : memref<128x128xf32, #tpu.memory_space<vmem>>, vector<16xf32>,
        tpu.vector_store %arg13[%swap3A_711, %swap3A_712], %mul3A_710 {strides = array<i32>} : memref<128x128xf32, #tpu.memory_space<vmem>>, vector<16xf32>,
        %mul3A_714 = arith.constant 16 : i32
        %mul3A_715 = arith.muli %scan3A_82, %mul3A_714 : i32
        %add3A_716 = arith.constant 9 : i32
        %add3A_717 = arith.addi %mul3A_715, %add3A_716 : i32
        %slice3A_718 = vector.extract_strided_slice %get3A_86 {offsets = [9], sizes = [1], strides = [1]} : vector<16xf32> to vector<1xf32>
        %squeeze3A_719 = vector.extract %slice3A_718[0] : f32 from vector<1xf32>
        %get3A_720 = arith.index_cast %add3A_717 : i32 to index
        %get3A_721 = arith.constant 0 : index
        %get3A_722 = tpu.vector_load %arg13[%get3A_720, %get3A_721] {strides = array<i32>} : memref<128x128xf32, #tpu.memory_space<vmem>>, vector<16xf32>,
        %mul3A_723 = vector.broadcast %squeeze3A_719 : f32 to vector<16xf32>
        %mul3A_724 = arith.mulf %get3A_722, %mul3A_723 : vector<16xf32>
        %swap3A_725 = arith.index_cast %add3A_717 : i32 to index
        %swap3A_726 = arith.constant 0 : index
        %swap3A_727 = tpu.vector_load %arg13[%swap3A_725, %swap3A_726] {strides = array<i32>} : memref<128x128xf32, #tpu.memory_space<vmem>>, vector<16xf32>,
        tpu.vector_store %arg13[%swap3A_725, %swap3A_726], %mul3A_724 {strides = array<i32>} : memref<128x128xf32, #tpu.memory_space<vmem>>, vector<16xf32>,
        %get3A_728 = arith.index_cast %add3A_717 : i32 to index
        %get3A_729 = arith.constant 16 : index
        %get3A_730 = tpu.vector_load %arg13[%get3A_728, %get3A_729] {strides = array<i32>} : memref<128x128xf32, #tpu.memory_space<vmem>>, vector<16xf32>,
        %mul3A_731 = vector.broadcast %squeeze3A_719 : f32 to vector<16xf32>
        %mul3A_732 = arith.mulf %get3A_730, %mul3A_731 : vector<16xf32>
        %swap3A_733 = arith.index_cast %add3A_717 : i32 to index
        %swap3A_734 = arith.constant 16 : index
        %swap3A_735 = tpu.vector_load %arg13[%swap3A_733, %swap3A_734] {strides = array<i32>} : memref<128x128xf32, #tpu.memory_space<vmem>>, vector<16xf32>,
        tpu.vector_store %arg13[%swap3A_733, %swap3A_734], %mul3A_732 {strides = array<i32>} : memref<128x128xf32, #tpu.memory_space<vmem>>, vector<16xf32>,
        %get3A_736 = arith.index_cast %add3A_717 : i32 to index
        %get3A_737 = arith.constant 32 : index
        %get3A_738 = tpu.vector_load %arg13[%get3A_736, %get3A_737] {strides = array<i32>} : memref<128x128xf32, #tpu.memory_space<vmem>>, vector<16xf32>,
        %mul3A_739 = vector.broadcast %squeeze3A_719 : f32 to vector<16xf32>
        %mul3A_740 = arith.mulf %get3A_738, %mul3A_739 : vector<16xf32>
        %swap3A_741 = arith.index_cast %add3A_717 : i32 to index
        %swap3A_742 = arith.constant 32 : index
        %swap3A_743 = tpu.vector_load %arg13[%swap3A_741, %swap3A_742] {strides = array<i32>} : memref<128x128xf32, #tpu.memory_space<vmem>>, vector<16xf32>,
        tpu.vector_store %arg13[%swap3A_741, %swap3A_742], %mul3A_740 {strides = array<i32>} : memref<128x128xf32, #tpu.memory_space<vmem>>, vector<16xf32>,
        %get3A_744 = arith.index_cast %add3A_717 : i32 to index
        %get3A_745 = arith.constant 48 : index
        %get3A_746 = tpu.vector_load %arg13[%get3A_744, %get3A_745] {strides = array<i32>} : memref<128x128xf32, #tpu.memory_space<vmem>>, vector<16xf32>,
        %mul3A_747 = vector.broadcast %squeeze3A_719 : f32 to vector<16xf32>
        %mul3A_748 = arith.mulf %get3A_746, %mul3A_747 : vector<16xf32>
        %swap3A_749 = arith.index_cast %add3A_717 : i32 to index
        %swap3A_750 = arith.constant 48 : index
        %swap3A_751 = tpu.vector_load %arg13[%swap3A_749, %swap3A_750] {strides = array<i32>} : memref<128x128xf32, #tpu.memory_space<vmem>>, vector<16xf32>,
        tpu.vector_store %arg13[%swap3A_749, %swap3A_750], %mul3A_748 {strides = array<i32>} : memref<128x128xf32, #tpu.memory_space<vmem>>, vector<16xf32>,
        %get3A_752 = arith.index_cast %add3A_717 : i32 to index
        %get3A_753 = arith.constant 64 : index
        %get3A_754 = tpu.vector_load %arg13[%get3A_752, %get3A_753] {strides = array<i32>} : memref<128x128xf32, #tpu.memory_space<vmem>>, vector<16xf32>,
        %mul3A_755 = vector.broadcast %squeeze3A_719 : f32 to vector<16xf32>
        %mul3A_756 = arith.mulf %get3A_754, %mul3A_755 : vector<16xf32>
        %swap3A_757 = arith.index_cast %add3A_717 : i32 to index
        %swap3A_758 = arith.constant 64 : index
        %swap3A_759 = tpu.vector_load %arg13[%swap3A_757, %swap3A_758] {strides = array<i32>} : memref<128x128xf32, #tpu.memory_space<vmem>>, vector<16xf32>,
        tpu.vector_store %arg13[%swap3A_757, %swap3A_758], %mul3A_756 {strides = array<i32>} : memref<128x128xf32, #tpu.memory_space<vmem>>, vector<16xf32>,
        %get3A_760 = arith.index_cast %add3A_717 : i32 to index
        %get3A_761 = arith.constant 80 : index
        %get3A_762 = tpu.vector_load %arg13[%get3A_760, %get3A_761] {strides = array<i32>} : memref<128x128xf32, #tpu.memory_space<vmem>>, vector<16xf32>,
        %mul3A_763 = vector.broadcast %squeeze3A_719 : f32 to vector<16xf32>
        %mul3A_764 = arith.mulf %get3A_762, %mul3A_763 : vector<16xf32>
        %swap3A_765 = arith.index_cast %add3A_717 : i32 to index
        %swap3A_766 = arith.constant 80 : index
        %swap3A_767 = tpu.vector_load %arg13[%swap3A_765, %swap3A_766] {strides = array<i32>} : memref<128x128xf32, #tpu.memory_space<vmem>>, vector<16xf32>,
        tpu.vector_store %arg13[%swap3A_765, %swap3A_766], %mul3A_764 {strides = array<i32>} : memref<128x128xf32, #tpu.memory_space<vmem>>, vector<16xf32>,
        %get3A_768 = arith.index_cast %add3A_717 : i32 to index
        %get3A_769 = arith.constant 96 : index
        %get3A_770 = tpu.vector_load %arg13[%get3A_768, %get3A_769] {strides = array<i32>} : memref<128x128xf32, #tpu.memory_space<vmem>>, vector<16xf32>,
        %mul3A_771 = vector.broadcast %squeeze3A_719 : f32 to vector<16xf32>
        %mul3A_772 = arith.mulf %get3A_770, %mul3A_771 : vector<16xf32>
        %swap3A_773 = arith.index_cast %add3A_717 : i32 to index
        %swap3A_774 = arith.constant 96 : index
        %swap3A_775 = tpu.vector_load %arg13[%swap3A_773, %swap3A_774] {strides = array<i32>} : memref<128x128xf32, #tpu.memory_space<vmem>>, vector<16xf32>,
        tpu.vector_store %arg13[%swap3A_773, %swap3A_774], %mul3A_772 {strides = array<i32>} : memref<128x128xf32, #tpu.memory_space<vmem>>, vector<16xf32>,
        %get3A_776 = arith.index_cast %add3A_717 : i32 to index
        %get3A_777 = arith.constant 112 : index
        %get3A_778 = tpu.vector_load %arg13[%get3A_776, %get3A_777] {strides = array<i32>} : memref<128x128xf32, #tpu.memory_space<vmem>>, vector<16xf32>,
        %mul3A_779 = vector.broadcast %squeeze3A_719 : f32 to vector<16xf32>
        %mul3A_780 = arith.mulf %get3A_778, %mul3A_779 : vector<16xf32>
        %swap3A_781 = arith.index_cast %add3A_717 : i32 to index
        %swap3A_782 = arith.constant 112 : index
        %swap3A_783 = tpu.vector_load %arg13[%swap3A_781, %swap3A_782] {strides = array<i32>} : memref<128x128xf32, #tpu.memory_space<vmem>>, vector<16xf32>,
        tpu.vector_store %arg13[%swap3A_781, %swap3A_782], %mul3A_780 {strides = array<i32>} : memref<128x128xf32, #tpu.memory_space<vmem>>, vector<16xf32>,
        %mul3A_784 = arith.constant 16 : i32
        %mul3A_785 = arith.muli %scan3A_82, %mul3A_784 : i32
        %add3A_786 = arith.constant 10 : i32
        %add3A_787 = arith.addi %mul3A_785, %add3A_786 : i32
        %slice3A_788 = vector.extract_strided_slice %get3A_86 {offsets = [10], sizes = [1], strides = [1]} : vector<16xf32> to vector<1xf32>
        %squeeze3A_789 = vector.extract %slice3A_788[0] : f32 from vector<1xf32>
        %get3A_790 = arith.index_cast %add3A_787 : i32 to index
        %get3A_791 = arith.constant 0 : index
        %get3A_792 = tpu.vector_load %arg13[%get3A_790, %get3A_791] {strides = array<i32>} : memref<128x128xf32, #tpu.memory_space<vmem>>, vector<16xf32>,
        %mul3A_793 = vector.broadcast %squeeze3A_789 : f32 to vector<16xf32>
        %mul3A_794 = arith.mulf %get3A_792, %mul3A_793 : vector<16xf32>
        %swap3A_795 = arith.index_cast %add3A_787 : i32 to index
        %swap3A_796 = arith.constant 0 : index
        %swap3A_797 = tpu.vector_load %arg13[%swap3A_795, %swap3A_796] {strides = array<i32>} : memref<128x128xf32, #tpu.memory_space<vmem>>, vector<16xf32>,
        tpu.vector_store %arg13[%swap3A_795, %swap3A_796], %mul3A_794 {strides = array<i32>} : memref<128x128xf32, #tpu.memory_space<vmem>>, vector<16xf32>,
        %get3A_798 = arith.index_cast %add3A_787 : i32 to index
        %get3A_799 = arith.constant 16 : index
        %get3A_800 = tpu.vector_load %arg13[%get3A_798, %get3A_799] {strides = array<i32>} : memref<128x128xf32, #tpu.memory_space<vmem>>, vector<16xf32>,
        %mul3A_801 = vector.broadcast %squeeze3A_789 : f32 to vector<16xf32>
        %mul3A_802 = arith.mulf %get3A_800, %mul3A_801 : vector<16xf32>
        %swap3A_803 = arith.index_cast %add3A_787 : i32 to index
        %swap3A_804 = arith.constant 16 : index
        %swap3A_805 = tpu.vector_load %arg13[%swap3A_803, %swap3A_804] {strides = array<i32>} : memref<128x128xf32, #tpu.memory_space<vmem>>, vector<16xf32>,
        tpu.vector_store %arg13[%swap3A_803, %swap3A_804], %mul3A_802 {strides = array<i32>} : memref<128x128xf32, #tpu.memory_space<vmem>>, vector<16xf32>,
        %get3A_806 = arith.index_cast %add3A_787 : i32 to index
        %get3A_807 = arith.constant 32 : index
        %get3A_808 = tpu.vector_load %arg13[%get3A_806, %get3A_807] {strides = array<i32>} : memref<128x128xf32, #tpu.memory_space<vmem>>, vector<16xf32>,
        %mul3A_809 = vector.broadcast %squeeze3A_789 : f32 to vector<16xf32>
        %mul3A_810 = arith.mulf %get3A_808, %mul3A_809 : vector<16xf32>
        %swap3A_811 = arith.index_cast %add3A_787 : i32 to index
        %swap3A_812 = arith.constant 32 : index
        %swap3A_813 = tpu.vector_load %arg13[%swap3A_811, %swap3A_812] {strides = array<i32>} : memref<128x128xf32, #tpu.memory_space<vmem>>, vector<16xf32>,
        tpu.vector_store %arg13[%swap3A_811, %swap3A_812], %mul3A_810 {strides = array<i32>} : memref<128x128xf32, #tpu.memory_space<vmem>>, vector<16xf32>,
        %get3A_814 = arith.index_cast %add3A_787 : i32 to index
        %get3A_815 = arith.constant 48 : index
        %get3A_816 = tpu.vector_load %arg13[%get3A_814, %get3A_815] {strides = array<i32>} : memref<128x128xf32, #tpu.memory_space<vmem>>, vector<16xf32>,
        %mul3A_817 = vector.broadcast %squeeze3A_789 : f32 to vector<16xf32>
        %mul3A_818 = arith.mulf %get3A_816, %mul3A_817 : vector<16xf32>
        %swap3A_819 = arith.index_cast %add3A_787 : i32 to index
        %swap3A_820 = arith.constant 48 : index
        %swap3A_821 = tpu.vector_load %arg13[%swap3A_819, %swap3A_820] {strides = array<i32>} : memref<128x128xf32, #tpu.memory_space<vmem>>, vector<16xf32>,
        tpu.vector_store %arg13[%swap3A_819, %swap3A_820], %mul3A_818 {strides = array<i32>} : memref<128x128xf32, #tpu.memory_space<vmem>>, vector<16xf32>,
        %get3A_822 = arith.index_cast %add3A_787 : i32 to index
        %get3A_823 = arith.constant 64 : index
        %get3A_824 = tpu.vector_load %arg13[%get3A_822, %get3A_823] {strides = array<i32>} : memref<128x128xf32, #tpu.memory_space<vmem>>, vector<16xf32>,
        %mul3A_825 = vector.broadcast %squeeze3A_789 : f32 to vector<16xf32>
        %mul3A_826 = arith.mulf %get3A_824, %mul3A_825 : vector<16xf32>
        %swap3A_827 = arith.index_cast %add3A_787 : i32 to index
        %swap3A_828 = arith.constant 64 : index
        %swap3A_829 = tpu.vector_load %arg13[%swap3A_827, %swap3A_828] {strides = array<i32>} : memref<128x128xf32, #tpu.memory_space<vmem>>, vector<16xf32>,
        tpu.vector_store %arg13[%swap3A_827, %swap3A_828], %mul3A_826 {strides = array<i32>} : memref<128x128xf32, #tpu.memory_space<vmem>>, vector<16xf32>,
        %get3A_830 = arith.index_cast %add3A_787 : i32 to index
        %get3A_831 = arith.constant 80 : index
        %get3A_832 = tpu.vector_load %arg13[%get3A_830, %get3A_831] {strides = array<i32>} : memref<128x128xf32, #tpu.memory_space<vmem>>, vector<16xf32>,
        %mul3A_833 = vector.broadcast %squeeze3A_789 : f32 to vector<16xf32>
        %mul3A_834 = arith.mulf %get3A_832, %mul3A_833 : vector<16xf32>
        %swap3A_835 = arith.index_cast %add3A_787 : i32 to index
        %swap3A_836 = arith.constant 80 : index
        %swap3A_837 = tpu.vector_load %arg13[%swap3A_835, %swap3A_836] {strides = array<i32>} : memref<128x128xf32, #tpu.memory_space<vmem>>, vector<16xf32>,
        tpu.vector_store %arg13[%swap3A_835, %swap3A_836], %mul3A_834 {strides = array<i32>} : memref<128x128xf32, #tpu.memory_space<vmem>>, vector<16xf32>,
        %get3A_838 = arith.index_cast %add3A_787 : i32 to index
        %get3A_839 = arith.constant 96 : index
        %get3A_840 = tpu.vector_load %arg13[%get3A_838, %get3A_839] {strides = array<i32>} : memref<128x128xf32, #tpu.memory_space<vmem>>, vector<16xf32>,
        %mul3A_841 = vector.broadcast %squeeze3A_789 : f32 to vector<16xf32>
        %mul3A_842 = arith.mulf %get3A_840, %mul3A_841 : vector<16xf32>
        %swap3A_843 = arith.index_cast %add3A_787 : i32 to index
        %swap3A_844 = arith.constant 96 : index
        %swap3A_845 = tpu.vector_load %arg13[%swap3A_843, %swap3A_844] {strides = array<i32>} : memref<128x128xf32, #tpu.memory_space<vmem>>, vector<16xf32>,
        tpu.vector_store %arg13[%swap3A_843, %swap3A_844], %mul3A_842 {strides = array<i32>} : memref<128x128xf32, #tpu.memory_space<vmem>>, vector<16xf32>,
        %get3A_846 = arith.index_cast %add3A_787 : i32 to index
        %get3A_847 = arith.constant 112 : index
        %get3A_848 = tpu.vector_load %arg13[%get3A_846, %get3A_847] {strides = array<i32>} : memref<128x128xf32, #tpu.memory_space<vmem>>, vector<16xf32>,
        %mul3A_849 = vector.broadcast %squeeze3A_789 : f32 to vector<16xf32>
        %mul3A_850 = arith.mulf %get3A_848, %mul3A_849 : vector<16xf32>
        %swap3A_851 = arith.index_cast %add3A_787 : i32 to index
        %swap3A_852 = arith.constant 112 : index
        %swap3A_853 = tpu.vector_load %arg13[%swap3A_851, %swap3A_852] {strides = array<i32>} : memref<128x128xf32, #tpu.memory_space<vmem>>, vector<16xf32>,
        tpu.vector_store %arg13[%swap3A_851, %swap3A_852], %mul3A_850 {strides = array<i32>} : memref<128x128xf32, #tpu.memory_space<vmem>>, vector<16xf32>,
        %mul3A_854 = arith.constant 16 : i32
        %mul3A_855 = arith.muli %scan3A_82, %mul3A_854 : i32
        %add3A_856 = arith.constant 11 : i32
        %add3A_857 = arith.addi %mul3A_855, %add3A_856 : i32
        %slice3A_858 = vector.extract_strided_slice %get3A_86 {offsets = [11], sizes = [1], strides = [1]} : vector<16xf32> to vector<1xf32>
        %squeeze3A_859 = vector.extract %slice3A_858[0] : f32 from vector<1xf32>
        %get3A_860 = arith.index_cast %add3A_857 : i32 to index
        %get3A_861 = arith.constant 0 : index
        %get3A_862 = tpu.vector_load %arg13[%get3A_860, %get3A_861] {strides = array<i32>} : memref<128x128xf32, #tpu.memory_space<vmem>>, vector<16xf32>,
        %mul3A_863 = vector.broadcast %squeeze3A_859 : f32 to vector<16xf32>
        %mul3A_864 = arith.mulf %get3A_862, %mul3A_863 : vector<16xf32>
        %swap3A_865 = arith.index_cast %add3A_857 : i32 to index
        %swap3A_866 = arith.constant 0 : index
        %swap3A_867 = tpu.vector_load %arg13[%swap3A_865, %swap3A_866] {strides = array<i32>} : memref<128x128xf32, #tpu.memory_space<vmem>>, vector<16xf32>,
        tpu.vector_store %arg13[%swap3A_865, %swap3A_866], %mul3A_864 {strides = array<i32>} : memref<128x128xf32, #tpu.memory_space<vmem>>, vector<16xf32>,
        %get3A_868 = arith.index_cast %add3A_857 : i32 to index
        %get3A_869 = arith.constant 16 : index
        %get3A_870 = tpu.vector_load %arg13[%get3A_868, %get3A_869] {strides = array<i32>} : memref<128x128xf32, #tpu.memory_space<vmem>>, vector<16xf32>,
        %mul3A_871 = vector.broadcast %squeeze3A_859 : f32 to vector<16xf32>
        %mul3A_872 = arith.mulf %get3A_870, %mul3A_871 : vector<16xf32>
        %swap3A_873 = arith.index_cast %add3A_857 : i32 to index
        %swap3A_874 = arith.constant 16 : index
        %swap3A_875 = tpu.vector_load %arg13[%swap3A_873, %swap3A_874] {strides = array<i32>} : memref<128x128xf32, #tpu.memory_space<vmem>>, vector<16xf32>,
        tpu.vector_store %arg13[%swap3A_873, %swap3A_874], %mul3A_872 {strides = array<i32>} : memref<128x128xf32, #tpu.memory_space<vmem>>, vector<16xf32>,
        %get3A_876 = arith.index_cast %add3A_857 : i32 to index
        %get3A_877 = arith.constant 32 : index
        %get3A_878 = tpu.vector_load %arg13[%get3A_876, %get3A_877] {strides = array<i32>} : memref<128x128xf32, #tpu.memory_space<vmem>>, vector<16xf32>,
        %mul3A_879 = vector.broadcast %squeeze3A_859 : f32 to vector<16xf32>
        %mul3A_880 = arith.mulf %get3A_878, %mul3A_879 : vector<16xf32>
        %swap3A_881 = arith.index_cast %add3A_857 : i32 to index
        %swap3A_882 = arith.constant 32 : index
        %swap3A_883 = tpu.vector_load %arg13[%swap3A_881, %swap3A_882] {strides = array<i32>} : memref<128x128xf32, #tpu.memory_space<vmem>>, vector<16xf32>,
        tpu.vector_store %arg13[%swap3A_881, %swap3A_882], %mul3A_880 {strides = array<i32>} : memref<128x128xf32, #tpu.memory_space<vmem>>, vector<16xf32>,
        %get3A_884 = arith.index_cast %add3A_857 : i32 to index
        %get3A_885 = arith.constant 48 : index
        %get3A_886 = tpu.vector_load %arg13[%get3A_884, %get3A_885] {strides = array<i32>} : memref<128x128xf32, #tpu.memory_space<vmem>>, vector<16xf32>,
        %mul3A_887 = vector.broadcast %squeeze3A_859 : f32 to vector<16xf32>
        %mul3A_888 = arith.mulf %get3A_886, %mul3A_887 : vector<16xf32>
        %swap3A_889 = arith.index_cast %add3A_857 : i32 to index
        %swap3A_890 = arith.constant 48 : index
        %swap3A_891 = tpu.vector_load %arg13[%swap3A_889, %swap3A_890] {strides = array<i32>} : memref<128x128xf32, #tpu.memory_space<vmem>>, vector<16xf32>,
        tpu.vector_store %arg13[%swap3A_889, %swap3A_890], %mul3A_888 {strides = array<i32>} : memref<128x128xf32, #tpu.memory_space<vmem>>, vector<16xf32>,
        %get3A_892 = arith.index_cast %add3A_857 : i32 to index
        %get3A_893 = arith.constant 64 : index
        %get3A_894 = tpu.vector_load %arg13[%get3A_892, %get3A_893] {strides = array<i32>} : memref<128x128xf32, #tpu.memory_space<vmem>>, vector<16xf32>,
        %mul3A_895 = vector.broadcast %squeeze3A_859 : f32 to vector<16xf32>
        %mul3A_896 = arith.mulf %get3A_894, %mul3A_895 : vector<16xf32>
        %swap3A_897 = arith.index_cast %add3A_857 : i32 to index
        %swap3A_898 = arith.constant 64 : index
        %swap3A_899 = tpu.vector_load %arg13[%swap3A_897, %swap3A_898] {strides = array<i32>} : memref<128x128xf32, #tpu.memory_space<vmem>>, vector<16xf32>,
        tpu.vector_store %arg13[%swap3A_897, %swap3A_898], %mul3A_896 {strides = array<i32>} : memref<128x128xf32, #tpu.memory_space<vmem>>, vector<16xf32>,
        %get3A_900 = arith.index_cast %add3A_857 : i32 to index
        %get3A_901 = arith.constant 80 : index
        %get3A_902 = tpu.vector_load %arg13[%get3A_900, %get3A_901] {strides = array<i32>} : memref<128x128xf32, #tpu.memory_space<vmem>>, vector<16xf32>,
        %mul3A_903 = vector.broadcast %squeeze3A_859 : f32 to vector<16xf32>
        %mul3A_904 = arith.mulf %get3A_902, %mul3A_903 : vector<16xf32>
        %swap3A_905 = arith.index_cast %add3A_857 : i32 to index
        %swap3A_906 = arith.constant 80 : index
        %swap3A_907 = tpu.vector_load %arg13[%swap3A_905, %swap3A_906] {strides = array<i32>} : memref<128x128xf32, #tpu.memory_space<vmem>>, vector<16xf32>,
        tpu.vector_store %arg13[%swap3A_905, %swap3A_906], %mul3A_904 {strides = array<i32>} : memref<128x128xf32, #tpu.memory_space<vmem>>, vector<16xf32>,
        %get3A_908 = arith.index_cast %add3A_857 : i32 to index
        %get3A_909 = arith.constant 96 : index
        %get3A_910 = tpu.vector_load %arg13[%get3A_908, %get3A_909] {strides = array<i32>} : memref<128x128xf32, #tpu.memory_space<vmem>>, vector<16xf32>,
        %mul3A_911 = vector.broadcast %squeeze3A_859 : f32 to vector<16xf32>
        %mul3A_912 = arith.mulf %get3A_910, %mul3A_911 : vector<16xf32>
        %swap3A_913 = arith.index_cast %add3A_857 : i32 to index
        %swap3A_914 = arith.constant 96 : index
        %swap3A_915 = tpu.vector_load %arg13[%swap3A_913, %swap3A_914] {strides = array<i32>} : memref<128x128xf32, #tpu.memory_space<vmem>>, vector<16xf32>,
        tpu.vector_store %arg13[%swap3A_913, %swap3A_914], %mul3A_912 {strides = array<i32>} : memref<128x128xf32, #tpu.memory_space<vmem>>, vector<16xf32>,
        %get3A_916 = arith.index_cast %add3A_857 : i32 to index
        %get3A_917 = arith.constant 112 : index
        %get3A_918 = tpu.vector_load %arg13[%get3A_916, %get3A_917] {strides = array<i32>} : memref<128x128xf32, #tpu.memory_space<vmem>>, vector<16xf32>,
        %mul3A_919 = vector.broadcast %squeeze3A_859 : f32 to vector<16xf32>
        %mul3A_920 = arith.mulf %get3A_918, %mul3A_919 : vector<16xf32>
        %swap3A_921 = arith.index_cast %add3A_857 : i32 to index
        %swap3A_922 = arith.constant 112 : index
        %swap3A_923 = tpu.vector_load %arg13[%swap3A_921, %swap3A_922] {strides = array<i32>} : memref<128x128xf32, #tpu.memory_space<vmem>>, vector<16xf32>,
        tpu.vector_store %arg13[%swap3A_921, %swap3A_922], %mul3A_920 {strides = array<i32>} : memref<128x128xf32, #tpu.memory_space<vmem>>, vector<16xf32>,
        %mul3A_924 = arith.constant 16 : i32
        %mul3A_925 = arith.muli %scan3A_82, %mul3A_924 : i32
        %add3A_926 = arith.constant 12 : i32
        %add3A_927 = arith.addi %mul3A_925, %add3A_926 : i32
        %slice3A_928 = vector.extract_strided_slice %get3A_86 {offsets = [12], sizes = [1], strides = [1]} : vector<16xf32> to vector<1xf32>
        %squeeze3A_929 = vector.extract %slice3A_928[0] : f32 from vector<1xf32>
        %get3A_930 = arith.index_cast %add3A_927 : i32 to index
        %get3A_931 = arith.constant 0 : index
        %get3A_932 = tpu.vector_load %arg13[%get3A_930, %get3A_931] {strides = array<i32>} : memref<128x128xf32, #tpu.memory_space<vmem>>, vector<16xf32>,
        %mul3A_933 = vector.broadcast %squeeze3A_929 : f32 to vector<16xf32>
        %mul3A_934 = arith.mulf %get3A_932, %mul3A_933 : vector<16xf32>
        %swap3A_935 = arith.index_cast %add3A_927 : i32 to index
        %swap3A_936 = arith.constant 0 : index
        %swap3A_937 = tpu.vector_load %arg13[%swap3A_935, %swap3A_936] {strides = array<i32>} : memref<128x128xf32, #tpu.memory_space<vmem>>, vector<16xf32>,
        tpu.vector_store %arg13[%swap3A_935, %swap3A_936], %mul3A_934 {strides = array<i32>} : memref<128x128xf32, #tpu.memory_space<vmem>>, vector<16xf32>,
        %get3A_938 = arith.index_cast %add3A_927 : i32 to index
        %get3A_939 = arith.constant 16 : index
        %get3A_940 = tpu.vector_load %arg13[%get3A_938, %get3A_939] {strides = array<i32>} : memref<128x128xf32, #tpu.memory_space<vmem>>, vector<16xf32>,
        %mul3A_941 = vector.broadcast %squeeze3A_929 : f32 to vector<16xf32>
        %mul3A_942 = arith.mulf %get3A_940, %mul3A_941 : vector<16xf32>
        %swap3A_943 = arith.index_cast %add3A_927 : i32 to index
        %swap3A_944 = arith.constant 16 : index
        %swap3A_945 = tpu.vector_load %arg13[%swap3A_943, %swap3A_944] {strides = array<i32>} : memref<128x128xf32, #tpu.memory_space<vmem>>, vector<16xf32>,
        tpu.vector_store %arg13[%swap3A_943, %swap3A_944], %mul3A_942 {strides = array<i32>} : memref<128x128xf32, #tpu.memory_space<vmem>>, vector<16xf32>,
        %get3A_946 = arith.index_cast %add3A_927 : i32 to index
        %get3A_947 = arith.constant 32 : index
        %get3A_948 = tpu.vector_load %arg13[%get3A_946, %get3A_947] {strides = array<i32>} : memref<128x128xf32, #tpu.memory_space<vmem>>, vector<16xf32>,
        %mul3A_949 = vector.broadcast %squeeze3A_929 : f32 to vector<16xf32>
        %mul3A_950 = arith.mulf %get3A_948, %mul3A_949 : vector<16xf32>
        %swap3A_951 = arith.index_cast %add3A_927 : i32 to index
        %swap3A_952 = arith.constant 32 : index
        %swap3A_953 = tpu.vector_load %arg13[%swap3A_951, %swap3A_952] {strides = array<i32>} : memref<128x128xf32, #tpu.memory_space<vmem>>, vector<16xf32>,
        tpu.vector_store %arg13[%swap3A_951, %swap3A_952], %mul3A_950 {strides = array<i32>} : memref<128x128xf32, #tpu.memory_space<vmem>>, vector<16xf32>,
        %get3A_954 = arith.index_cast %add3A_927 : i32 to index
        %get3A_955 = arith.constant 48 : index
        %get3A_956 = tpu.vector_load %arg13[%get3A_954, %get3A_955] {strides = array<i32>} : memref<128x128xf32, #tpu.memory_space<vmem>>, vector<16xf32>,
        %mul3A_957 = vector.broadcast %squeeze3A_929 : f32 to vector<16xf32>
        %mul3A_958 = arith.mulf %get3A_956, %mul3A_957 : vector<16xf32>
        %swap3A_959 = arith.index_cast %add3A_927 : i32 to index
        %swap3A_960 = arith.constant 48 : index
        %swap3A_961 = tpu.vector_load %arg13[%swap3A_959, %swap3A_960] {strides = array<i32>} : memref<128x128xf32, #tpu.memory_space<vmem>>, vector<16xf32>,
        tpu.vector_store %arg13[%swap3A_959, %swap3A_960], %mul3A_958 {strides = array<i32>} : memref<128x128xf32, #tpu.memory_space<vmem>>, vector<16xf32>,
        %get3A_962 = arith.index_cast %add3A_927 : i32 to index
        %get3A_963 = arith.constant 64 : index
        %get3A_964 = tpu.vector_load %arg13[%get3A_962, %get3A_963] {strides = array<i32>} : memref<128x128xf32, #tpu.memory_space<vmem>>, vector<16xf32>,
        %mul3A_965 = vector.broadcast %squeeze3A_929 : f32 to vector<16xf32>
        %mul3A_966 = arith.mulf %get3A_964, %mul3A_965 : vector<16xf32>
        %swap3A_967 = arith.index_cast %add3A_927 : i32 to index
        %swap3A_968 = arith.constant 64 : index
        %swap3A_969 = tpu.vector_load %arg13[%swap3A_967, %swap3A_968] {strides = array<i32>} : memref<128x128xf32, #tpu.memory_space<vmem>>, vector<16xf32>,
        tpu.vector_store %arg13[%swap3A_967, %swap3A_968], %mul3A_966 {strides = array<i32>} : memref<128x128xf32, #tpu.memory_space<vmem>>, vector<16xf32>,
        %get3A_970 = arith.index_cast %add3A_927 : i32 to index
        %get3A_971 = arith.constant 80 : index
        %get3A_972 = tpu.vector_load %arg13[%get3A_970, %get3A_971] {strides = array<i32>} : memref<128x128xf32, #tpu.memory_space<vmem>>, vector<16xf32>,
        %mul3A_973 = vector.broadcast %squeeze3A_929 : f32 to vector<16xf32>
        %mul3A_974 = arith.mulf %get3A_972, %mul3A_973 : vector<16xf32>
        %swap3A_975 = arith.index_cast %add3A_927 : i32 to index
        %swap3A_976 = arith.constant 80 : index
        %swap3A_977 = tpu.vector_load %arg13[%swap3A_975, %swap3A_976] {strides = array<i32>} : memref<128x128xf32, #tpu.memory_space<vmem>>, vector<16xf32>,
        tpu.vector_store %arg13[%swap3A_975, %swap3A_976], %mul3A_974 {strides = array<i32>} : memref<128x128xf32, #tpu.memory_space<vmem>>, vector<16xf32>,
        %get3A_978 = arith.index_cast %add3A_927 : i32 to index
        %get3A_979 = arith.constant 96 : index
        %get3A_980 = tpu.vector_load %arg13[%get3A_978, %get3A_979] {strides = array<i32>} : memref<128x128xf32, #tpu.memory_space<vmem>>, vector<16xf32>,
        %mul3A_981 = vector.broadcast %squeeze3A_929 : f32 to vector<16xf32>
        %mul3A_982 = arith.mulf %get3A_980, %mul3A_981 : vector<16xf32>
        %swap3A_983 = arith.index_cast %add3A_927 : i32 to index
        %swap3A_984 = arith.constant 96 : index
        %swap3A_985 = tpu.vector_load %arg13[%swap3A_983, %swap3A_984] {strides = array<i32>} : memref<128x128xf32, #tpu.memory_space<vmem>>, vector<16xf32>,
        tpu.vector_store %arg13[%swap3A_983, %swap3A_984], %mul3A_982 {strides = array<i32>} : memref<128x128xf32, #tpu.memory_space<vmem>>, vector<16xf32>,
        %get3A_986 = arith.index_cast %add3A_927 : i32 to index
        %get3A_987 = arith.constant 112 : index
        %get3A_988 = tpu.vector_load %arg13[%get3A_986, %get3A_987] {strides = array<i32>} : memref<128x128xf32, #tpu.memory_space<vmem>>, vector<16xf32>,
        %mul3A_989 = vector.broadcast %squeeze3A_929 : f32 to vector<16xf32>
        %mul3A_990 = arith.mulf %get3A_988, %mul3A_989 : vector<16xf32>
        %swap3A_991 = arith.index_cast %add3A_927 : i32 to index
        %swap3A_992 = arith.constant 112 : index
        %swap3A_993 = tpu.vector_load %arg13[%swap3A_991, %swap3A_992] {strides = array<i32>} : memref<128x128xf32, #tpu.memory_space<vmem>>, vector<16xf32>,
        tpu.vector_store %arg13[%swap3A_991, %swap3A_992], %mul3A_990 {strides = array<i32>} : memref<128x128xf32, #tpu.memory_space<vmem>>, vector<16xf32>,
        %mul3A_994 = arith.constant 16 : i32
        %mul3A_995 = arith.muli %scan3A_82, %mul3A_994 : i32
        %add3A_996 = arith.constant 13 : i32
        %add3A_997 = arith.addi %mul3A_995, %add3A_996 : i32
        %slice3A_998 = vector.extract_strided_slice %get3A_86 {offsets = [13], sizes = [1], strides = [1]} : vector<16xf32> to vector<1xf32>
        %squeeze3A_999 = vector.extract %slice3A_998[0] : f32 from vector<1xf32>
        %get3A_1000 = arith.index_cast %add3A_997 : i32 to index
        %get3A_1001 = arith.constant 0 : index
        %get3A_1002 = tpu.vector_load %arg13[%get3A_1000, %get3A_1001] {strides = array<i32>} : memref<128x128xf32, #tpu.memory_space<vmem>>, vector<16xf32>,
        %mul3A_1003 = vector.broadcast %squeeze3A_999 : f32 to vector<16xf32>
        %mul3A_1004 = arith.mulf %get3A_1002, %mul3A_1003 : vector<16xf32>
        %swap3A_1005 = arith.index_cast %add3A_997 : i32 to index
        %swap3A_1006 = arith.constant 0 : index
        %swap3A_1007 = tpu.vector_load %arg13[%swap3A_1005, %swap3A_1006] {strides = array<i32>} : memref<128x128xf32, #tpu.memory_space<vmem>>, vector<16xf32>,
        tpu.vector_store %arg13[%swap3A_1005, %swap3A_1006], %mul3A_1004 {strides = array<i32>} : memref<128x128xf32, #tpu.memory_space<vmem>>, vector<16xf32>,
        %get3A_1008 = arith.index_cast %add3A_997 : i32 to index
        %get3A_1009 = arith.constant 16 : index
        %get3A_1010 = tpu.vector_load %arg13[%get3A_1008, %get3A_1009] {strides = array<i32>} : memref<128x128xf32, #tpu.memory_space<vmem>>, vector<16xf32>,
        %mul3A_1011 = vector.broadcast %squeeze3A_999 : f32 to vector<16xf32>
        %mul3A_1012 = arith.mulf %get3A_1010, %mul3A_1011 : vector<16xf32>
        %swap3A_1013 = arith.index_cast %add3A_997 : i32 to index
        %swap3A_1014 = arith.constant 16 : index
        %swap3A_1015 = tpu.vector_load %arg13[%swap3A_1013, %swap3A_1014] {strides = array<i32>} : memref<128x128xf32, #tpu.memory_space<vmem>>, vector<16xf32>,
        tpu.vector_store %arg13[%swap3A_1013, %swap3A_1014], %mul3A_1012 {strides = array<i32>} : memref<128x128xf32, #tpu.memory_space<vmem>>, vector<16xf32>,
        %get3A_1016 = arith.index_cast %add3A_997 : i32 to index
        %get3A_1017 = arith.constant 32 : index
        %get3A_1018 = tpu.vector_load %arg13[%get3A_1016, %get3A_1017] {strides = array<i32>} : memref<128x128xf32, #tpu.memory_space<vmem>>, vector<16xf32>,
        %mul3A_1019 = vector.broadcast %squeeze3A_999 : f32 to vector<16xf32>
        %mul3A_1020 = arith.mulf %get3A_1018, %mul3A_1019 : vector<16xf32>
        %swap3A_1021 = arith.index_cast %add3A_997 : i32 to index
        %swap3A_1022 = arith.constant 32 : index
        %swap3A_1023 = tpu.vector_load %arg13[%swap3A_1021, %swap3A_1022] {strides = array<i32>} : memref<128x128xf32, #tpu.memory_space<vmem>>, vector<16xf32>,
        tpu.vector_store %arg13[%swap3A_1021, %swap3A_1022], %mul3A_1020 {strides = array<i32>} : memref<128x128xf32, #tpu.memory_space<vmem>>, vector<16xf32>,
        %get3A_1024 = arith.index_cast %add3A_997 : i32 to index
        %get3A_1025 = arith.constant 48 : index
        %get3A_1026 = tpu.vector_load %arg13[%get3A_1024, %get3A_1025] {strides = array<i32>} : memref<128x128xf32, #tpu.memory_space<vmem>>, vector<16xf32>,
        %mul3A_1027 = vector.broadcast %squeeze3A_999 : f32 to vector<16xf32>
        %mul3A_1028 = arith.mulf %get3A_1026, %mul3A_1027 : vector<16xf32>
        %swap3A_1029 = arith.index_cast %add3A_997 : i32 to index
        %swap3A_1030 = arith.constant 48 : index
        %swap3A_1031 = tpu.vector_load %arg13[%swap3A_1029, %swap3A_1030] {strides = array<i32>} : memref<128x128xf32, #tpu.memory_space<vmem>>, vector<16xf32>,
        tpu.vector_store %arg13[%swap3A_1029, %swap3A_1030], %mul3A_1028 {strides = array<i32>} : memref<128x128xf32, #tpu.memory_space<vmem>>, vector<16xf32>,
        %get3A_1032 = arith.index_cast %add3A_997 : i32 to index
        %get3A_1033 = arith.constant 64 : index
        %get3A_1034 = tpu.vector_load %arg13[%get3A_1032, %get3A_1033] {strides = array<i32>} : memref<128x128xf32, #tpu.memory_space<vmem>>, vector<16xf32>,
        %mul3A_1035 = vector.broadcast %squeeze3A_999 : f32 to vector<16xf32>
        %mul3A_1036 = arith.mulf %get3A_1034, %mul3A_1035 : vector<16xf32>
        %swap3A_1037 = arith.index_cast %add3A_997 : i32 to index
        %swap3A_1038 = arith.constant 64 : index
        %swap3A_1039 = tpu.vector_load %arg13[%swap3A_1037, %swap3A_1038] {strides = array<i32>} : memref<128x128xf32, #tpu.memory_space<vmem>>, vector<16xf32>,
        tpu.vector_store %arg13[%swap3A_1037, %swap3A_1038], %mul3A_1036 {strides = array<i32>} : memref<128x128xf32, #tpu.memory_space<vmem>>, vector<16xf32>,
        %get3A_1040 = arith.index_cast %add3A_997 : i32 to index
        %get3A_1041 = arith.constant 80 : index
        %get3A_1042 = tpu.vector_load %arg13[%get3A_1040, %get3A_1041] {strides = array<i32>} : memref<128x128xf32, #tpu.memory_space<vmem>>, vector<16xf32>,
        %mul3A_1043 = vector.broadcast %squeeze3A_999 : f32 to vector<16xf32>
        %mul3A_1044 = arith.mulf %get3A_1042, %mul3A_1043 : vector<16xf32>
        %swap3A_1045 = arith.index_cast %add3A_997 : i32 to index
        %swap3A_1046 = arith.constant 80 : index
        %swap3A_1047 = tpu.vector_load %arg13[%swap3A_1045, %swap3A_1046] {strides = array<i32>} : memref<128x128xf32, #tpu.memory_space<vmem>>, vector<16xf32>,
        tpu.vector_store %arg13[%swap3A_1045, %swap3A_1046], %mul3A_1044 {strides = array<i32>} : memref<128x128xf32, #tpu.memory_space<vmem>>, vector<16xf32>,
        %get3A_1048 = arith.index_cast %add3A_997 : i32 to index
        %get3A_1049 = arith.constant 96 : index
        %get3A_1050 = tpu.vector_load %arg13[%get3A_1048, %get3A_1049] {strides = array<i32>} : memref<128x128xf32, #tpu.memory_space<vmem>>, vector<16xf32>,
        %mul3A_1051 = vector.broadcast %squeeze3A_999 : f32 to vector<16xf32>
        %mul3A_1052 = arith.mulf %get3A_1050, %mul3A_1051 : vector<16xf32>
        %swap3A_1053 = arith.index_cast %add3A_997 : i32 to index
        %swap3A_1054 = arith.constant 96 : index
        %swap3A_1055 = tpu.vector_load %arg13[%swap3A_1053, %swap3A_1054] {strides = array<i32>} : memref<128x128xf32, #tpu.memory_space<vmem>>, vector<16xf32>,
        tpu.vector_store %arg13[%swap3A_1053, %swap3A_1054], %mul3A_1052 {strides = array<i32>} : memref<128x128xf32, #tpu.memory_space<vmem>>, vector<16xf32>,
        %get3A_1056 = arith.index_cast %add3A_997 : i32 to index
        %get3A_1057 = arith.constant 112 : index
        %get3A_1058 = tpu.vector_load %arg13[%get3A_1056, %get3A_1057] {strides = array<i32>} : memref<128x128xf32, #tpu.memory_space<vmem>>, vector<16xf32>,
        %mul3A_1059 = vector.broadcast %squeeze3A_999 : f32 to vector<16xf32>
        %mul3A_1060 = arith.mulf %get3A_1058, %mul3A_1059 : vector<16xf32>
        %swap3A_1061 = arith.index_cast %add3A_997 : i32 to index
        %swap3A_1062 = arith.constant 112 : index
        %swap3A_1063 = tpu.vector_load %arg13[%swap3A_1061, %swap3A_1062] {strides = array<i32>} : memref<128x128xf32, #tpu.memory_space<vmem>>, vector<16xf32>,
        tpu.vector_store %arg13[%swap3A_1061, %swap3A_1062], %mul3A_1060 {strides = array<i32>} : memref<128x128xf32, #tpu.memory_space<vmem>>, vector<16xf32>,
        %mul3A_1064 = arith.constant 16 : i32
        %mul3A_1065 = arith.muli %scan3A_82, %mul3A_1064 : i32
        %add3A_1066 = arith.constant 14 : i32
        %add3A_1067 = arith.addi %mul3A_1065, %add3A_1066 : i32
        %slice3A_1068 = vector.extract_strided_slice %get3A_86 {offsets = [14], sizes = [1], strides = [1]} : vector<16xf32> to vector<1xf32>
        %squeeze3A_1069 = vector.extract %slice3A_1068[0] : f32 from vector<1xf32>
        %get3A_1070 = arith.index_cast %add3A_1067 : i32 to index
        %get3A_1071 = arith.constant 0 : index
        %get3A_1072 = tpu.vector_load %arg13[%get3A_1070, %get3A_1071] {strides = array<i32>} : memref<128x128xf32, #tpu.memory_space<vmem>>, vector<16xf32>,
        %mul3A_1073 = vector.broadcast %squeeze3A_1069 : f32 to vector<16xf32>
        %mul3A_1074 = arith.mulf %get3A_1072, %mul3A_1073 : vector<16xf32>
        %swap3A_1075 = arith.index_cast %add3A_1067 : i32 to index
        %swap3A_1076 = arith.constant 0 : index
        %swap3A_1077 = tpu.vector_load %arg13[%swap3A_1075, %swap3A_1076] {strides = array<i32>} : memref<128x128xf32, #tpu.memory_space<vmem>>, vector<16xf32>,
        tpu.vector_store %arg13[%swap3A_1075, %swap3A_1076], %mul3A_1074 {strides = array<i32>} : memref<128x128xf32, #tpu.memory_space<vmem>>, vector<16xf32>,
        %get3A_1078 = arith.index_cast %add3A_1067 : i32 to index
        %get3A_1079 = arith.constant 16 : index
        %get3A_1080 = tpu.vector_load %arg13[%get3A_1078, %get3A_1079] {strides = array<i32>} : memref<128x128xf32, #tpu.memory_space<vmem>>, vector<16xf32>,
        %mul3A_1081 = vector.broadcast %squeeze3A_1069 : f32 to vector<16xf32>
        %mul3A_1082 = arith.mulf %get3A_1080, %mul3A_1081 : vector<16xf32>
        %swap3A_1083 = arith.index_cast %add3A_1067 : i32 to index
        %swap3A_1084 = arith.constant 16 : index
        %swap3A_1085 = tpu.vector_load %arg13[%swap3A_1083, %swap3A_1084] {strides = array<i32>} : memref<128x128xf32, #tpu.memory_space<vmem>>, vector<16xf32>,
        tpu.vector_store %arg13[%swap3A_1083, %swap3A_1084], %mul3A_1082 {strides = array<i32>} : memref<128x128xf32, #tpu.memory_space<vmem>>, vector<16xf32>,
        %get3A_1086 = arith.index_cast %add3A_1067 : i32 to index
        %get3A_1087 = arith.constant 32 : index
        %get3A_1088 = tpu.vector_load %arg13[%get3A_1086, %get3A_1087] {strides = array<i32>} : memref<128x128xf32, #tpu.memory_space<vmem>>, vector<16xf32>,
        %mul3A_1089 = vector.broadcast %squeeze3A_1069 : f32 to vector<16xf32>
        %mul3A_1090 = arith.mulf %get3A_1088, %mul3A_1089 : vector<16xf32>
        %swap3A_1091 = arith.index_cast %add3A_1067 : i32 to index
        %swap3A_1092 = arith.constant 32 : index
        %swap3A_1093 = tpu.vector_load %arg13[%swap3A_1091, %swap3A_1092] {strides = array<i32>} : memref<128x128xf32, #tpu.memory_space<vmem>>, vector<16xf32>,
        tpu.vector_store %arg13[%swap3A_1091, %swap3A_1092], %mul3A_1090 {strides = array<i32>} : memref<128x128xf32, #tpu.memory_space<vmem>>, vector<16xf32>,
        %get3A_1094 = arith.index_cast %add3A_1067 : i32 to index
        %get3A_1095 = arith.constant 48 : index
        %get3A_1096 = tpu.vector_load %arg13[%get3A_1094, %get3A_1095] {strides = array<i32>} : memref<128x128xf32, #tpu.memory_space<vmem>>, vector<16xf32>,
        %mul3A_1097 = vector.broadcast %squeeze3A_1069 : f32 to vector<16xf32>
        %mul3A_1098 = arith.mulf %get3A_1096, %mul3A_1097 : vector<16xf32>
        %swap3A_1099 = arith.index_cast %add3A_1067 : i32 to index
        %swap3A_1100 = arith.constant 48 : index
        %swap3A_1101 = tpu.vector_load %arg13[%swap3A_1099, %swap3A_1100] {strides = array<i32>} : memref<128x128xf32, #tpu.memory_space<vmem>>, vector<16xf32>,
        tpu.vector_store %arg13[%swap3A_1099, %swap3A_1100], %mul3A_1098 {strides = array<i32>} : memref<128x128xf32, #tpu.memory_space<vmem>>, vector<16xf32>,
        %get3A_1102 = arith.index_cast %add3A_1067 : i32 to index
        %get3A_1103 = arith.constant 64 : index
        %get3A_1104 = tpu.vector_load %arg13[%get3A_1102, %get3A_1103] {strides = array<i32>} : memref<128x128xf32, #tpu.memory_space<vmem>>, vector<16xf32>,
        %mul3A_1105 = vector.broadcast %squeeze3A_1069 : f32 to vector<16xf32>
        %mul3A_1106 = arith.mulf %get3A_1104, %mul3A_1105 : vector<16xf32>
        %swap3A_1107 = arith.index_cast %add3A_1067 : i32 to index
        %swap3A_1108 = arith.constant 64 : index
        %swap3A_1109 = tpu.vector_load %arg13[%swap3A_1107, %swap3A_1108] {strides = array<i32>} : memref<128x128xf32, #tpu.memory_space<vmem>>, vector<16xf32>,
        tpu.vector_store %arg13[%swap3A_1107, %swap3A_1108], %mul3A_1106 {strides = array<i32>} : memref<128x128xf32, #tpu.memory_space<vmem>>, vector<16xf32>,
        %get3A_1110 = arith.index_cast %add3A_1067 : i32 to index
        %get3A_1111 = arith.constant 80 : index
        %get3A_1112 = tpu.vector_load %arg13[%get3A_1110, %get3A_1111] {strides = array<i32>} : memref<128x128xf32, #tpu.memory_space<vmem>>, vector<16xf32>,
        %mul3A_1113 = vector.broadcast %squeeze3A_1069 : f32 to vector<16xf32>
        %mul3A_1114 = arith.mulf %get3A_1112, %mul3A_1113 : vector<16xf32>
        %swap3A_1115 = arith.index_cast %add3A_1067 : i32 to index
        %swap3A_1116 = arith.constant 80 : index
        %swap3A_1117 = tpu.vector_load %arg13[%swap3A_1115, %swap3A_1116] {strides = array<i32>} : memref<128x128xf32, #tpu.memory_space<vmem>>, vector<16xf32>,
        tpu.vector_store %arg13[%swap3A_1115, %swap3A_1116], %mul3A_1114 {strides = array<i32>} : memref<128x128xf32, #tpu.memory_space<vmem>>, vector<16xf32>,
        %get3A_1118 = arith.index_cast %add3A_1067 : i32 to index
        %get3A_1119 = arith.constant 96 : index
        %get3A_1120 = tpu.vector_load %arg13[%get3A_1118, %get3A_1119] {strides = array<i32>} : memref<128x128xf32, #tpu.memory_space<vmem>>, vector<16xf32>,
        %mul3A_1121 = vector.broadcast %squeeze3A_1069 : f32 to vector<16xf32>
        %mul3A_1122 = arith.mulf %get3A_1120, %mul3A_1121 : vector<16xf32>
        %swap3A_1123 = arith.index_cast %add3A_1067 : i32 to index
        %swap3A_1124 = arith.constant 96 : index
        %swap3A_1125 = tpu.vector_load %arg13[%swap3A_1123, %swap3A_1124] {strides = array<i32>} : memref<128x128xf32, #tpu.memory_space<vmem>>, vector<16xf32>,
        tpu.vector_store %arg13[%swap3A_1123, %swap3A_1124], %mul3A_1122 {strides = array<i32>} : memref<128x128xf32, #tpu.memory_space<vmem>>, vector<16xf32>,
        %get3A_1126 = arith.index_cast %add3A_1067 : i32 to index
        %get3A_1127 = arith.constant 112 : index
        %get3A_1128 = tpu.vector_load %arg13[%get3A_1126, %get3A_1127] {strides = array<i32>} : memref<128x128xf32, #tpu.memory_space<vmem>>, vector<16xf32>,
        %mul3A_1129 = vector.broadcast %squeeze3A_1069 : f32 to vector<16xf32>
        %mul3A_1130 = arith.mulf %get3A_1128, %mul3A_1129 : vector<16xf32>
        %swap3A_1131 = arith.index_cast %add3A_1067 : i32 to index
        %swap3A_1132 = arith.constant 112 : index
        %swap3A_1133 = tpu.vector_load %arg13[%swap3A_1131, %swap3A_1132] {strides = array<i32>} : memref<128x128xf32, #tpu.memory_space<vmem>>, vector<16xf32>,
        tpu.vector_store %arg13[%swap3A_1131, %swap3A_1132], %mul3A_1130 {strides = array<i32>} : memref<128x128xf32, #tpu.memory_space<vmem>>, vector<16xf32>,
        %mul3A_1134 = arith.constant 16 : i32
        %mul3A_1135 = arith.muli %scan3A_82, %mul3A_1134 : i32
        %add3A_1136 = arith.constant 15 : i32
        %add3A_1137 = arith.addi %mul3A_1135, %add3A_1136 : i32
        %slice3A_1138 = vector.extract_strided_slice %get3A_86 {offsets = [15], sizes = [1], strides = [1]} : vector<16xf32> to vector<1xf32>
        %squeeze3A_1139 = vector.extract %slice3A_1138[0] : f32 from vector<1xf32>
        %get3A_1140 = arith.index_cast %add3A_1137 : i32 to index
        %get3A_1141 = arith.constant 0 : index
        %get3A_1142 = tpu.vector_load %arg13[%get3A_1140, %get3A_1141] {strides = array<i32>} : memref<128x128xf32, #tpu.memory_space<vmem>>, vector<16xf32>,
        %mul3A_1143 = vector.broadcast %squeeze3A_1139 : f32 to vector<16xf32>
        %mul3A_1144 = arith.mulf %get3A_1142, %mul3A_1143 : vector<16xf32>
        %swap3A_1145 = arith.index_cast %add3A_1137 : i32 to index
        %swap3A_1146 = arith.constant 0 : index
        %swap3A_1147 = tpu.vector_load %arg13[%swap3A_1145, %swap3A_1146] {strides = array<i32>} : memref<128x128xf32, #tpu.memory_space<vmem>>, vector<16xf32>,
        tpu.vector_store %arg13[%swap3A_1145, %swap3A_1146], %mul3A_1144 {strides = array<i32>} : memref<128x128xf32, #tpu.memory_space<vmem>>, vector<16xf32>,
        %get3A_1148 = arith.index_cast %add3A_1137 : i32 to index
        %get3A_1149 = arith.constant 16 : index
        %get3A_1150 = tpu.vector_load %arg13[%get3A_1148, %get3A_1149] {strides = array<i32>} : memref<128x128xf32, #tpu.memory_space<vmem>>, vector<16xf32>,
        %mul3A_1151 = vector.broadcast %squeeze3A_1139 : f32 to vector<16xf32>
        %mul3A_1152 = arith.mulf %get3A_1150, %mul3A_1151 : vector<16xf32>
        %swap3A_1153 = arith.index_cast %add3A_1137 : i32 to index
        %swap3A_1154 = arith.constant 16 : index
        %swap3A_1155 = tpu.vector_load %arg13[%swap3A_1153, %swap3A_1154] {strides = array<i32>} : memref<128x128xf32, #tpu.memory_space<vmem>>, vector<16xf32>,
        tpu.vector_store %arg13[%swap3A_1153, %swap3A_1154], %mul3A_1152 {strides = array<i32>} : memref<128x128xf32, #tpu.memory_space<vmem>>, vector<16xf32>,
        %get3A_1156 = arith.index_cast %add3A_1137 : i32 to index
        %get3A_1157 = arith.constant 32 : index
        %get3A_1158 = tpu.vector_load %arg13[%get3A_1156, %get3A_1157] {strides = array<i32>} : memref<128x128xf32, #tpu.memory_space<vmem>>, vector<16xf32>,
        %mul3A_1159 = vector.broadcast %squeeze3A_1139 : f32 to vector<16xf32>
        %mul3A_1160 = arith.mulf %get3A_1158, %mul3A_1159 : vector<16xf32>
        %swap3A_1161 = arith.index_cast %add3A_1137 : i32 to index
        %swap3A_1162 = arith.constant 32 : index
        %swap3A_1163 = tpu.vector_load %arg13[%swap3A_1161, %swap3A_1162] {strides = array<i32>} : memref<128x128xf32, #tpu.memory_space<vmem>>, vector<16xf32>,
        tpu.vector_store %arg13[%swap3A_1161, %swap3A_1162], %mul3A_1160 {strides = array<i32>} : memref<128x128xf32, #tpu.memory_space<vmem>>, vector<16xf32>,
        %get3A_1164 = arith.index_cast %add3A_1137 : i32 to index
        %get3A_1165 = arith.constant 48 : index
        %get3A_1166 = tpu.vector_load %arg13[%get3A_1164, %get3A_1165] {strides = array<i32>} : memref<128x128xf32, #tpu.memory_space<vmem>>, vector<16xf32>,
        %mul3A_1167 = vector.broadcast %squeeze3A_1139 : f32 to vector<16xf32>
        %mul3A_1168 = arith.mulf %get3A_1166, %mul3A_1167 : vector<16xf32>
        %swap3A_1169 = arith.index_cast %add3A_1137 : i32 to index
        %swap3A_1170 = arith.constant 48 : index
        %swap3A_1171 = tpu.vector_load %arg13[%swap3A_1169, %swap3A_1170] {strides = array<i32>} : memref<128x128xf32, #tpu.memory_space<vmem>>, vector<16xf32>,
        tpu.vector_store %arg13[%swap3A_1169, %swap3A_1170], %mul3A_1168 {strides = array<i32>} : memref<128x128xf32, #tpu.memory_space<vmem>>, vector<16xf32>,
        %get3A_1172 = arith.index_cast %add3A_1137 : i32 to index
        %get3A_1173 = arith.constant 64 : index
        %get3A_1174 = tpu.vector_load %arg13[%get3A_1172, %get3A_1173] {strides = array<i32>} : memref<128x128xf32, #tpu.memory_space<vmem>>, vector<16xf32>,
        %mul3A_1175 = vector.broadcast %squeeze3A_1139 : f32 to vector<16xf32>
        %mul3A_1176 = arith.mulf %get3A_1174, %mul3A_1175 : vector<16xf32>
        %swap3A_1177 = arith.index_cast %add3A_1137 : i32 to index
        %swap3A_1178 = arith.constant 64 : index
        %swap3A_1179 = tpu.vector_load %arg13[%swap3A_1177, %swap3A_1178] {strides = array<i32>} : memref<128x128xf32, #tpu.memory_space<vmem>>, vector<16xf32>,
        tpu.vector_store %arg13[%swap3A_1177, %swap3A_1178], %mul3A_1176 {strides = array<i32>} : memref<128x128xf32, #tpu.memory_space<vmem>>, vector<16xf32>,
        %get3A_1180 = arith.index_cast %add3A_1137 : i32 to index
        %get3A_1181 = arith.constant 80 : index
        %get3A_1182 = tpu.vector_load %arg13[%get3A_1180, %get3A_1181] {strides = array<i32>} : memref<128x128xf32, #tpu.memory_space<vmem>>, vector<16xf32>,
        %mul3A_1183 = vector.broadcast %squeeze3A_1139 : f32 to vector<16xf32>
        %mul3A_1184 = arith.mulf %get3A_1182, %mul3A_1183 : vector<16xf32>
        %swap3A_1185 = arith.index_cast %add3A_1137 : i32 to index
        %swap3A_1186 = arith.constant 80 : index
        %swap3A_1187 = tpu.vector_load %arg13[%swap3A_1185, %swap3A_1186] {strides = array<i32>} : memref<128x128xf32, #tpu.memory_space<vmem>>, vector<16xf32>,
        tpu.vector_store %arg13[%swap3A_1185, %swap3A_1186], %mul3A_1184 {strides = array<i32>} : memref<128x128xf32, #tpu.memory_space<vmem>>, vector<16xf32>,
        %get3A_1188 = arith.index_cast %add3A_1137 : i32 to index
        %get3A_1189 = arith.constant 96 : index
        %get3A_1190 = tpu.vector_load %arg13[%get3A_1188, %get3A_1189] {strides = array<i32>} : memref<128x128xf32, #tpu.memory_space<vmem>>, vector<16xf32>,
        %mul3A_1191 = vector.broadcast %squeeze3A_1139 : f32 to vector<16xf32>
        %mul3A_1192 = arith.mulf %get3A_1190, %mul3A_1191 : vector<16xf32>
        %swap3A_1193 = arith.index_cast %add3A_1137 : i32 to index
        %swap3A_1194 = arith.constant 96 : index
        %swap3A_1195 = tpu.vector_load %arg13[%swap3A_1193, %swap3A_1194] {strides = array<i32>} : memref<128x128xf32, #tpu.memory_space<vmem>>, vector<16xf32>,
        tpu.vector_store %arg13[%swap3A_1193, %swap3A_1194], %mul3A_1192 {strides = array<i32>} : memref<128x128xf32, #tpu.memory_space<vmem>>, vector<16xf32>,
        %get3A_1196 = arith.index_cast %add3A_1137 : i32 to index
        %get3A_1197 = arith.constant 112 : index
        %get3A_1198 = tpu.vector_load %arg13[%get3A_1196, %get3A_1197] {strides = array<i32>} : memref<128x128xf32, #tpu.memory_space<vmem>>, vector<16xf32>,
        %mul3A_1199 = vector.broadcast %squeeze3A_1139 : f32 to vector<16xf32>
        %mul3A_1200 = arith.mulf %get3A_1198, %mul3A_1199 : vector<16xf32>
        %swap3A_1201 = arith.index_cast %add3A_1137 : i32 to index
        %swap3A_1202 = arith.constant 112 : index
        %swap3A_1203 = tpu.vector_load %arg13[%swap3A_1201, %swap3A_1202] {strides = array<i32>} : memref<128x128xf32, #tpu.memory_space<vmem>>, vector<16xf32>,
        tpu.vector_store %arg13[%swap3A_1201, %swap3A_1202], %mul3A_1200 {strides = array<i32>} : memref<128x128xf32, #tpu.memory_space<vmem>>, vector<16xf32>,
        %scan3A_1204 = arith.constant 0 : i32
        scf.yield %scan3A_1204 : i32
      }
      %scan3A_80 = arith.constant 8 : i32
      "tpu.region"() ({
        %run_scoped3A = tpu.sem_alloc : memref<!tpu.dma_semaphore, #tpu.memory_space<semaphore_mem>>
        %dma_start3A_82 = arith.constant 0 : i32
        %dma_start3A_83 = arith.constant 0 : i32
        %dma_start3A_84 = tpu.memref_slice %arg14[%dma_start3A_82, %dma_start3A_83] : memref<10240x128xf32, #tpu.memory_space<vmem_shared>> -> memref<10240x128xf32, #tpu.memory_space<vmem_shared>>
        tpu.enqueue_indirect_dma source(%arg13 : memref<128x128xf32, #tpu.memory_space<vmem>>) target(%dma_start3A_84 : memref<10240x128xf32, #tpu.memory_space<vmem_shared>>) offsets(%arg10 : memref<128xi32, #tpu.memory_space<vmem>>) semaphore(%run_scoped3A : memref<!tpu.dma_semaphore, #tpu.memory_space<semaphore_mem>>) {add = true}
        %dma_wait3A_85 = arith.constant 0 : i32
        %dma_wait3A_86 = arith.constant 0 : i32
        %dma_wait3A_87 = tpu.memref_slice %arg14[%dma_wait3A_85, %dma_wait3A_86] : memref<10240x128xf32, #tpu.memory_space<vmem_shared>> -> memref<10240x128xf32, #tpu.memory_space<vmem_shared>>
        tpu.wait_indirect_dma semaphore(%run_scoped3A : memref<!tpu.dma_semaphore, #tpu.memory_space<semaphore_mem>>) src(%arg13 : memref<128x128xf32, #tpu.memory_space<vmem>>) dst(%dma_wait3A_87 : memref<10240x128xf32, #tpu.memory_space<vmem_shared>>)
        tpu.yield
      }) : () -> ()
      %scan3A_81 = arith.constant 0 : i32
      scf.yield %scan3A_81 : i32
    }
    %scan3A_34 = arith.constant 81 : i32
    %barrier3A_35 = arith.constant 0 : index
    tpu.barrier barrier_id(%barrier3A_35)
    %mul3A_36 = arith.constant 640 : i32
    %mul3A_37 = arith.muli %arg1, %mul3A_36 : i32
    %add3A_38 = arith.constant 0 : i32
    %add3A_39 = arith.addi %mul3A_37, %add3A_38 : i32
    "tpu.region"() ({
      %run_scoped3A = tpu.sem_alloc : memref<!tpu.dma_semaphore, #tpu.memory_space<semaphore_mem>>
      %dma_start3A = arith.constant 0 : i32
      %dma_start3A_56 = tpu.memref_slice %arg14[%add3A_39, %dma_start3A] : memref<10240x128xf32, #tpu.memory_space<vmem_shared>> -> memref<128x128xf32, #tpu.memory_space<vmem_shared>>
      %dma_start3A_57 = arith.constant 0 : i32
      %dma_start3A_58 = tpu.memref_slice %arg14[%add3A_39, %dma_start3A_57] : memref<10240x128xf32, #tpu.memory_space<vmem_shared>> -> memref<128x128xf32, #tpu.memory_space<vmem_shared>>
      tpu.enqueue_dma source(%dma_start3A_58 : memref<128x128xf32, #tpu.memory_space<vmem_shared>>) target(%arg13 : memref<128x128xf32, #tpu.memory_space<vmem>>) target_semaphore(%run_scoped3A : memref<!tpu.dma_semaphore, #tpu.memory_space<semaphore_mem>>)
      %dma_wait3A = arith.constant 0 : i32
      %dma_wait3A_59 = tpu.memref_slice %arg14[%add3A_39, %dma_wait3A] : memref<10240x128xf32, #tpu.memory_space<vmem_shared>> -> memref<128x128xf32, #tpu.memory_space<vmem_shared>>
      %dma_wait3A_60 = arith.constant 0 : i32
      %dma_wait3A_61 = tpu.memref_slice %arg14[%add3A_39, %dma_wait3A_60] : memref<10240x128xf32, #tpu.memory_space<vmem_shared>> -> memref<128x128xf32, #tpu.memory_space<vmem_shared>>
      tpu.wait_dma2 semaphore(%run_scoped3A : memref<!tpu.dma_semaphore, #tpu.memory_space<semaphore_mem>>) src(%dma_wait3A_61 : memref<128x128xf32, #tpu.memory_space<vmem_shared>>) dst(%arg13 : memref<128x128xf32, #tpu.memory_space<vmem>>)
      tpu.yield
    }) : () -> ()
    "tpu.region"() ({
      %run_scoped3A = tpu.sem_alloc : memref<!tpu.dma_semaphore, #tpu.memory_space<semaphore_mem>>
      %dma_start3A = arith.constant 0 : i32
      %dma_start3A_56 = tpu.memref_slice %arg7[%arg0, %add3A_39, %dma_start3A] : memref<2x10240x128xf32, #tpu.memory_space<hbm>> -> memref<1x128x128xf32, #tpu.memory_space<hbm>>
      %dma_start3A_57 = tpu.memref_squeeze %dma_start3A_56 : memref<1x128x128xf32, #tpu.memory_space<hbm>> -> memref<128x128xf32, #tpu.memory_space<hbm>>
      %dma_start3A_58 = arith.constant 0 : i32
      %dma_start3A_59 = tpu.memref_slice %arg7[%arg0, %add3A_39, %dma_start3A_58] : memref<2x10240x128xf32, #tpu.memory_space<hbm>> -> memref<1x128x128xf32, #tpu.memory_space<hbm>>
      %dma_start3A_60 = tpu.memref_squeeze %dma_start3A_59 : memref<1x128x128xf32, #tpu.memory_space<hbm>> -> memref<128x128xf32, #tpu.memory_space<hbm>>
      tpu.enqueue_dma source(%arg13 : memref<128x128xf32, #tpu.memory_space<vmem>>) target(%dma_start3A_60 : memref<128x128xf32, #tpu.memory_space<hbm>>) target_semaphore(%run_scoped3A : memref<!tpu.dma_semaphore, #tpu.memory_space<semaphore_mem>>)
      %dma_wait3A = arith.constant 0 : i32
      %dma_wait3A_61 = tpu.memref_slice %arg7[%arg0, %add3A_39, %dma_wait3A] : memref<2x10240x128xf32, #tpu.memory_space<hbm>> -> memref<1x128x128xf32, #tpu.memory_space<hbm>>
      %dma_wait3A_62 = tpu.memref_squeeze %dma_wait3A_61 : memref<1x128x128xf32, #tpu.memory_space<hbm>> -> memref<128x128xf32, #tpu.memory_space<hbm>>
      %dma_wait3A_63 = arith.constant 0 : i32
      %dma_wait3A_64 = tpu.memref_slice %arg7[%arg0, %add3A_39, %dma_wait3A_63] : memref<2x10240x128xf32, #tpu.memory_space<hbm>> -> memref<1x128x128xf32, #tpu.memory_space<hbm>>
      %dma_wait3A_65 = tpu.memref_squeeze %dma_wait3A_64 : memref<1x128x128xf32, #tpu.memory_space<hbm>> -> memref<128x128xf32, #tpu.memory_space<hbm>>
      tpu.wait_dma2 semaphore(%run_scoped3A : memref<!tpu.dma_semaphore, #tpu.memory_space<semaphore_mem>>) src(%arg13 : memref<128x128xf32, #tpu.memory_space<vmem>>) dst(%dma_wait3A_65 : memref<128x128xf32, #tpu.memory_space<hbm>>)
      tpu.yield
    }) : () -> ()
    %mul3A_40 = arith.constant 640 : i32
    %mul3A_41 = arith.muli %arg1, %mul3A_40 : i32
    %add3A_42 = arith.constant 128 : i32
    %add3A_43 = arith.addi %mul3A_41, %add3A_42 : i32
    "tpu.region"() ({
      %run_scoped3A = tpu.sem_alloc : memref<!tpu.dma_semaphore, #tpu.memory_space<semaphore_mem>>
      %dma_start3A = arith.constant 0 : i32
      %dma_start3A_56 = tpu.memref_slice %arg14[%add3A_43, %dma_start3A] : memref<10240x128xf32, #tpu.memory_space<vmem_shared>> -> memref<128x128xf32, #tpu.memory_space<vmem_shared>>
      %dma_start3A_57 = arith.constant 0 : i32
      %dma_start3A_58 = tpu.memref_slice %arg14[%add3A_43, %dma_start3A_57] : memref<10240x128xf32, #tpu.memory_space<vmem_shared>> -> memref<128x128xf32, #tpu.memory_space<vmem_shared>>
      tpu.enqueue_dma source(%dma_start3A_58 : memref<128x128xf32, #tpu.memory_space<vmem_shared>>) target(%arg13 : memref<128x128xf32, #tpu.memory_space<vmem>>) target_semaphore(%run_scoped3A : memref<!tpu.dma_semaphore, #tpu.memory_space<semaphore_mem>>)
      %dma_wait3A = arith.constant 0 : i32
      %dma_wait3A_59 = tpu.memref_slice %arg14[%add3A_43, %dma_wait3A] : memref<10240x128xf32, #tpu.memory_space<vmem_shared>> -> memref<128x128xf32, #tpu.memory_space<vmem_shared>>
      %dma_wait3A_60 = arith.constant 0 : i32
      %dma_wait3A_61 = tpu.memref_slice %arg14[%add3A_43, %dma_wait3A_60] : memref<10240x128xf32, #tpu.memory_space<vmem_shared>> -> memref<128x128xf32, #tpu.memory_space<vmem_shared>>
      tpu.wait_dma2 semaphore(%run_scoped3A : memref<!tpu.dma_semaphore, #tpu.memory_space<semaphore_mem>>) src(%dma_wait3A_61 : memref<128x128xf32, #tpu.memory_space<vmem_shared>>) dst(%arg13 : memref<128x128xf32, #tpu.memory_space<vmem>>)
      tpu.yield
    }) : () -> ()
    "tpu.region"() ({
      %run_scoped3A = tpu.sem_alloc : memref<!tpu.dma_semaphore, #tpu.memory_space<semaphore_mem>>
      %dma_start3A = arith.constant 0 : i32
      %dma_start3A_56 = tpu.memref_slice %arg7[%arg0, %add3A_43, %dma_start3A] : memref<2x10240x128xf32, #tpu.memory_space<hbm>> -> memref<1x128x128xf32, #tpu.memory_space<hbm>>
      %dma_start3A_57 = tpu.memref_squeeze %dma_start3A_56 : memref<1x128x128xf32, #tpu.memory_space<hbm>> -> memref<128x128xf32, #tpu.memory_space<hbm>>
      %dma_start3A_58 = arith.constant 0 : i32
      %dma_start3A_59 = tpu.memref_slice %arg7[%arg0, %add3A_43, %dma_start3A_58] : memref<2x10240x128xf32, #tpu.memory_space<hbm>> -> memref<1x128x128xf32, #tpu.memory_space<hbm>>
      %dma_start3A_60 = tpu.memref_squeeze %dma_start3A_59 : memref<1x128x128xf32, #tpu.memory_space<hbm>> -> memref<128x128xf32, #tpu.memory_space<hbm>>
      tpu.enqueue_dma source(%arg13 : memref<128x128xf32, #tpu.memory_space<vmem>>) target(%dma_start3A_60 : memref<128x128xf32, #tpu.memory_space<hbm>>) target_semaphore(%run_scoped3A : memref<!tpu.dma_semaphore, #tpu.memory_space<semaphore_mem>>)
      %dma_wait3A = arith.constant 0 : i32
      %dma_wait3A_61 = tpu.memref_slice %arg7[%arg0, %add3A_43, %dma_wait3A] : memref<2x10240x128xf32, #tpu.memory_space<hbm>> -> memref<1x128x128xf32, #tpu.memory_space<hbm>>
      %dma_wait3A_62 = tpu.memref_squeeze %dma_wait3A_61 : memref<1x128x128xf32, #tpu.memory_space<hbm>> -> memref<128x128xf32, #tpu.memory_space<hbm>>
      %dma_wait3A_63 = arith.constant 0 : i32
      %dma_wait3A_64 = tpu.memref_slice %arg7[%arg0, %add3A_43, %dma_wait3A_63] : memref<2x10240x128xf32, #tpu.memory_space<hbm>> -> memref<1x128x128xf32, #tpu.memory_space<hbm>>
      %dma_wait3A_65 = tpu.memref_squeeze %dma_wait3A_64 : memref<1x128x128xf32, #tpu.memory_space<hbm>> -> memref<128x128xf32, #tpu.memory_space<hbm>>
      tpu.wait_dma2 semaphore(%run_scoped3A : memref<!tpu.dma_semaphore, #tpu.memory_space<semaphore_mem>>) src(%arg13 : memref<128x128xf32, #tpu.memory_space<vmem>>) dst(%dma_wait3A_65 : memref<128x128xf32, #tpu.memory_space<hbm>>)
      tpu.yield
    }) : () -> ()
    %mul3A_44 = arith.constant 640 : i32
    %mul3A_45 = arith.muli %arg1, %mul3A_44 : i32
    %add3A_46 = arith.constant 256 : i32
    %add3A_47 = arith.addi %mul3A_45, %add3A_46 : i32
    "tpu.region"() ({
      %run_scoped3A = tpu.sem_alloc : memref<!tpu.dma_semaphore, #tpu.memory_space<semaphore_mem>>
      %dma_start3A = arith.constant 0 : i32
      %dma_start3A_56 = tpu.memref_slice %arg14[%add3A_47, %dma_start3A] : memref<10240x128xf32, #tpu.memory_space<vmem_shared>> -> memref<128x128xf32, #tpu.memory_space<vmem_shared>>
      %dma_start3A_57 = arith.constant 0 : i32
      %dma_start3A_58 = tpu.memref_slice %arg14[%add3A_47, %dma_start3A_57] : memref<10240x128xf32, #tpu.memory_space<vmem_shared>> -> memref<128x128xf32, #tpu.memory_space<vmem_shared>>
      tpu.enqueue_dma source(%dma_start3A_58 : memref<128x128xf32, #tpu.memory_space<vmem_shared>>) target(%arg13 : memref<128x128xf32, #tpu.memory_space<vmem>>) target_semaphore(%run_scoped3A : memref<!tpu.dma_semaphore, #tpu.memory_space<semaphore_mem>>)
      %dma_wait3A = arith.constant 0 : i32
      %dma_wait3A_59 = tpu.memref_slice %arg14[%add3A_47, %dma_wait3A] : memref<10240x128xf32, #tpu.memory_space<vmem_shared>> -> memref<128x128xf32, #tpu.memory_space<vmem_shared>>
      %dma_wait3A_60 = arith.constant 0 : i32
      %dma_wait3A_61 = tpu.memref_slice %arg14[%add3A_47, %dma_wait3A_60] : memref<10240x128xf32, #tpu.memory_space<vmem_shared>> -> memref<128x128xf32, #tpu.memory_space<vmem_shared>>
      tpu.wait_dma2 semaphore(%run_scoped3A : memref<!tpu.dma_semaphore, #tpu.memory_space<semaphore_mem>>) src(%dma_wait3A_61 : memref<128x128xf32, #tpu.memory_space<vmem_shared>>) dst(%arg13 : memref<128x128xf32, #tpu.memory_space<vmem>>)
      tpu.yield
    }) : () -> ()
    "tpu.region"() ({
      %run_scoped3A = tpu.sem_alloc : memref<!tpu.dma_semaphore, #tpu.memory_space<semaphore_mem>>
      %dma_start3A = arith.constant 0 : i32
      %dma_start3A_56 = tpu.memref_slice %arg7[%arg0, %add3A_47, %dma_start3A] : memref<2x10240x128xf32, #tpu.memory_space<hbm>> -> memref<1x128x128xf32, #tpu.memory_space<hbm>>
      %dma_start3A_57 = tpu.memref_squeeze %dma_start3A_56 : memref<1x128x128xf32, #tpu.memory_space<hbm>> -> memref<128x128xf32, #tpu.memory_space<hbm>>
      %dma_start3A_58 = arith.constant 0 : i32
      %dma_start3A_59 = tpu.memref_slice %arg7[%arg0, %add3A_47, %dma_start3A_58] : memref<2x10240x128xf32, #tpu.memory_space<hbm>> -> memref<1x128x128xf32, #tpu.memory_space<hbm>>
      %dma_start3A_60 = tpu.memref_squeeze %dma_start3A_59 : memref<1x128x128xf32, #tpu.memory_space<hbm>> -> memref<128x128xf32, #tpu.memory_space<hbm>>
      tpu.enqueue_dma source(%arg13 : memref<128x128xf32, #tpu.memory_space<vmem>>) target(%dma_start3A_60 : memref<128x128xf32, #tpu.memory_space<hbm>>) target_semaphore(%run_scoped3A : memref<!tpu.dma_semaphore, #tpu.memory_space<semaphore_mem>>)
      %dma_wait3A = arith.constant 0 : i32
      %dma_wait3A_61 = tpu.memref_slice %arg7[%arg0, %add3A_47, %dma_wait3A] : memref<2x10240x128xf32, #tpu.memory_space<hbm>> -> memref<1x128x128xf32, #tpu.memory_space<hbm>>
      %dma_wait3A_62 = tpu.memref_squeeze %dma_wait3A_61 : memref<1x128x128xf32, #tpu.memory_space<hbm>> -> memref<128x128xf32, #tpu.memory_space<hbm>>
      %dma_wait3A_63 = arith.constant 0 : i32
      %dma_wait3A_64 = tpu.memref_slice %arg7[%arg0, %add3A_47, %dma_wait3A_63] : memref<2x10240x128xf32, #tpu.memory_space<hbm>> -> memref<1x128x128xf32, #tpu.memory_space<hbm>>
      %dma_wait3A_65 = tpu.memref_squeeze %dma_wait3A_64 : memref<1x128x128xf32, #tpu.memory_space<hbm>> -> memref<128x128xf32, #tpu.memory_space<hbm>>
      tpu.wait_dma2 semaphore(%run_scoped3A : memref<!tpu.dma_semaphore, #tpu.memory_space<semaphore_mem>>) src(%arg13 : memref<128x128xf32, #tpu.memory_space<vmem>>) dst(%dma_wait3A_65 : memref<128x128xf32, #tpu.memory_space<hbm>>)
      tpu.yield
    }) : () -> ()
    %mul3A_48 = arith.constant 640 : i32
    %mul3A_49 = arith.muli %arg1, %mul3A_48 : i32
    %add3A_50 = arith.constant 384 : i32
    %add3A_51 = arith.addi %mul3A_49, %add3A_50 : i32
    "tpu.region"() ({
      %run_scoped3A = tpu.sem_alloc : memref<!tpu.dma_semaphore, #tpu.memory_space<semaphore_mem>>
      %dma_start3A = arith.constant 0 : i32
      %dma_start3A_56 = tpu.memref_slice %arg14[%add3A_51, %dma_start3A] : memref<10240x128xf32, #tpu.memory_space<vmem_shared>> -> memref<128x128xf32, #tpu.memory_space<vmem_shared>>
      %dma_start3A_57 = arith.constant 0 : i32
      %dma_start3A_58 = tpu.memref_slice %arg14[%add3A_51, %dma_start3A_57] : memref<10240x128xf32, #tpu.memory_space<vmem_shared>> -> memref<128x128xf32, #tpu.memory_space<vmem_shared>>
      tpu.enqueue_dma source(%dma_start3A_58 : memref<128x128xf32, #tpu.memory_space<vmem_shared>>) target(%arg13 : memref<128x128xf32, #tpu.memory_space<vmem>>) target_semaphore(%run_scoped3A : memref<!tpu.dma_semaphore, #tpu.memory_space<semaphore_mem>>)
      %dma_wait3A = arith.constant 0 : i32
      %dma_wait3A_59 = tpu.memref_slice %arg14[%add3A_51, %dma_wait3A] : memref<10240x128xf32, #tpu.memory_space<vmem_shared>> -> memref<128x128xf32, #tpu.memory_space<vmem_shared>>
      %dma_wait3A_60 = arith.constant 0 : i32
      %dma_wait3A_61 = tpu.memref_slice %arg14[%add3A_51, %dma_wait3A_60] : memref<10240x128xf32, #tpu.memory_space<vmem_shared>> -> memref<128x128xf32, #tpu.memory_space<vmem_shared>>
      tpu.wait_dma2 semaphore(%run_scoped3A : memref<!tpu.dma_semaphore, #tpu.memory_space<semaphore_mem>>) src(%dma_wait3A_61 : memref<128x128xf32, #tpu.memory_space<vmem_shared>>) dst(%arg13 : memref<128x128xf32, #tpu.memory_space<vmem>>)
      tpu.yield
    }) : () -> ()
    "tpu.region"() ({
      %run_scoped3A = tpu.sem_alloc : memref<!tpu.dma_semaphore, #tpu.memory_space<semaphore_mem>>
      %dma_start3A = arith.constant 0 : i32
      %dma_start3A_56 = tpu.memref_slice %arg7[%arg0, %add3A_51, %dma_start3A] : memref<2x10240x128xf32, #tpu.memory_space<hbm>> -> memref<1x128x128xf32, #tpu.memory_space<hbm>>
      %dma_start3A_57 = tpu.memref_squeeze %dma_start3A_56 : memref<1x128x128xf32, #tpu.memory_space<hbm>> -> memref<128x128xf32, #tpu.memory_space<hbm>>
      %dma_start3A_58 = arith.constant 0 : i32
      %dma_start3A_59 = tpu.memref_slice %arg7[%arg0, %add3A_51, %dma_start3A_58] : memref<2x10240x128xf32, #tpu.memory_space<hbm>> -> memref<1x128x128xf32, #tpu.memory_space<hbm>>
      %dma_start3A_60 = tpu.memref_squeeze %dma_start3A_59 : memref<1x128x128xf32, #tpu.memory_space<hbm>> -> memref<128x128xf32, #tpu.memory_space<hbm>>
      tpu.enqueue_dma source(%arg13 : memref<128x128xf32, #tpu.memory_space<vmem>>) target(%dma_start3A_60 : memref<128x128xf32, #tpu.memory_space<hbm>>) target_semaphore(%run_scoped3A : memref<!tpu.dma_semaphore, #tpu.memory_space<semaphore_mem>>)
      %dma_wait3A = arith.constant 0 : i32
      %dma_wait3A_61 = tpu.memref_slice %arg7[%arg0, %add3A_51, %dma_wait3A] : memref<2x10240x128xf32, #tpu.memory_space<hbm>> -> memref<1x128x128xf32, #tpu.memory_space<hbm>>
      %dma_wait3A_62 = tpu.memref_squeeze %dma_wait3A_61 : memref<1x128x128xf32, #tpu.memory_space<hbm>> -> memref<128x128xf32, #tpu.memory_space<hbm>>
      %dma_wait3A_63 = arith.constant 0 : i32
      %dma_wait3A_64 = tpu.memref_slice %arg7[%arg0, %add3A_51, %dma_wait3A_63] : memref<2x10240x128xf32, #tpu.memory_space<hbm>> -> memref<1x128x128xf32, #tpu.memory_space<hbm>>
      %dma_wait3A_65 = tpu.memref_squeeze %dma_wait3A_64 : memref<1x128x128xf32, #tpu.memory_space<hbm>> -> memref<128x128xf32, #tpu.memory_space<hbm>>
      tpu.wait_dma2 semaphore(%run_scoped3A : memref<!tpu.dma_semaphore, #tpu.memory_space<semaphore_mem>>) src(%arg13 : memref<128x128xf32, #tpu.memory_space<vmem>>) dst(%dma_wait3A_65 : memref<128x128xf32, #tpu.memory_space<hbm>>)
      tpu.yield
    }) : () -> ()
    %mul3A_52 = arith.constant 640 : i32
    %mul3A_53 = arith.muli %arg1, %mul3A_52 : i32
    %add3A_54 = arith.constant 512 : i32
    %add3A_55 = arith.addi %mul3A_53, %add3A_54 : i32
    "tpu.region"() ({
      %run_scoped3A = tpu.sem_alloc : memref<!tpu.dma_semaphore, #tpu.memory_space<semaphore_mem>>
      %dma_start3A = arith.constant 0 : i32
      %dma_start3A_56 = tpu.memref_slice %arg14[%add3A_55, %dma_start3A] : memref<10240x128xf32, #tpu.memory_space<vmem_shared>> -> memref<128x128xf32, #tpu.memory_space<vmem_shared>>
      %dma_start3A_57 = arith.constant 0 : i32
      %dma_start3A_58 = tpu.memref_slice %arg14[%add3A_55, %dma_start3A_57] : memref<10240x128xf32, #tpu.memory_space<vmem_shared>> -> memref<128x128xf32, #tpu.memory_space<vmem_shared>>
      tpu.enqueue_dma source(%dma_start3A_58 : memref<128x128xf32, #tpu.memory_space<vmem_shared>>) target(%arg13 : memref<128x128xf32, #tpu.memory_space<vmem>>) target_semaphore(%run_scoped3A : memref<!tpu.dma_semaphore, #tpu.memory_space<semaphore_mem>>)
      %dma_wait3A = arith.constant 0 : i32
      %dma_wait3A_59 = tpu.memref_slice %arg14[%add3A_55, %dma_wait3A] : memref<10240x128xf32, #tpu.memory_space<vmem_shared>> -> memref<128x128xf32, #tpu.memory_space<vmem_shared>>
      %dma_wait3A_60 = arith.constant 0 : i32
      %dma_wait3A_61 = tpu.memref_slice %arg14[%add3A_55, %dma_wait3A_60] : memref<10240x128xf32, #tpu.memory_space<vmem_shared>> -> memref<128x128xf32, #tpu.memory_space<vmem_shared>>
      tpu.wait_dma2 semaphore(%run_scoped3A : memref<!tpu.dma_semaphore, #tpu.memory_space<semaphore_mem>>) src(%dma_wait3A_61 : memref<128x128xf32, #tpu.memory_space<vmem_shared>>) dst(%arg13 : memref<128x128xf32, #tpu.memory_space<vmem>>)
      tpu.yield
    }) : () -> ()
    "tpu.region"() ({
      %run_scoped3A = tpu.sem_alloc : memref<!tpu.dma_semaphore, #tpu.memory_space<semaphore_mem>>
      %dma_start3A = arith.constant 0 : i32
      %dma_start3A_56 = tpu.memref_slice %arg7[%arg0, %add3A_55, %dma_start3A] : memref<2x10240x128xf32, #tpu.memory_space<hbm>> -> memref<1x128x128xf32, #tpu.memory_space<hbm>>
      %dma_start3A_57 = tpu.memref_squeeze %dma_start3A_56 : memref<1x128x128xf32, #tpu.memory_space<hbm>> -> memref<128x128xf32, #tpu.memory_space<hbm>>
      %dma_start3A_58 = arith.constant 0 : i32
      %dma_start3A_59 = tpu.memref_slice %arg7[%arg0, %add3A_55, %dma_start3A_58] : memref<2x10240x128xf32, #tpu.memory_space<hbm>> -> memref<1x128x128xf32, #tpu.memory_space<hbm>>
      %dma_start3A_60 = tpu.memref_squeeze %dma_start3A_59 : memref<1x128x128xf32, #tpu.memory_space<hbm>> -> memref<128x128xf32, #tpu.memory_space<hbm>>
      tpu.enqueue_dma source(%arg13 : memref<128x128xf32, #tpu.memory_space<vmem>>) target(%dma_start3A_60 : memref<128x128xf32, #tpu.memory_space<hbm>>) target_semaphore(%run_scoped3A : memref<!tpu.dma_semaphore, #tpu.memory_space<semaphore_mem>>)
      %dma_wait3A = arith.constant 0 : i32
      %dma_wait3A_61 = tpu.memref_slice %arg7[%arg0, %add3A_55, %dma_wait3A] : memref<2x10240x128xf32, #tpu.memory_space<hbm>> -> memref<1x128x128xf32, #tpu.memory_space<hbm>>
      %dma_wait3A_62 = tpu.memref_squeeze %dma_wait3A_61 : memref<1x128x128xf32, #tpu.memory_space<hbm>> -> memref<128x128xf32, #tpu.memory_space<hbm>>
      %dma_wait3A_63 = arith.constant 0 : i32
      %dma_wait3A_64 = tpu.memref_slice %arg7[%arg0, %add3A_55, %dma_wait3A_63] : memref<2x10240x128xf32, #tpu.memory_space<hbm>> -> memref<1x128x128xf32, #tpu.memory_space<hbm>>
      %dma_wait3A_65 = tpu.memref_squeeze %dma_wait3A_64 : memref<1x128x128xf32, #tpu.memory_space<hbm>> -> memref<128x128xf32, #tpu.memory_space<hbm>>
      tpu.wait_dma2 semaphore(%run_scoped3A : memref<!tpu.dma_semaphore, #tpu.memory_space<semaphore_mem>>) src(%arg13 : memref<128x128xf32, #tpu.memory_space<vmem>>) dst(%dma_wait3A_65 : memref<128x128xf32, #tpu.memory_space<hbm>>)
      tpu.yield
    }) : () -> ()
    return
  }
}

module attributes {stable_mosaic.version = 14 : i64} {
  func.func @_mm_body(%arg0: i32, %arg1: memref<512x128xf32, #tpu.memory_space<vmem>>, %arg2: memref<128x128xf32, #tpu.memory_space<vmem>>, %arg3: memref<512x128xf32, #tpu.memory_space<vmem>>) attributes {dimension_semantics = [#tpu.dimension_semantics<arbitrary>], iteration_bounds = array<i64: 20>, scalar_prefetch = 0 : i64, scratch_operands = 0 : i64, tpu.core_type = #tpu.core_type<tc>, window_params = [{transform_indices = @transform_0, window_bounds = array<i64: 512, 128>}, {pipeline_mode = #tpu.pipeline_mode<synchronous>, transform_indices = @transform_1, window_bounds = array<i64: 128, 128>}, {transform_indices = @transform_2, window_bounds = array<i64: 512, 128>}]} {
    %get3A = arith.constant 0 : index
    %get3A_0 = arith.constant 0 : index
    %get3A_1 = vector.load %arg1[%get3A, %get3A_0] : memref<512x128xf32, #tpu.memory_space<vmem>>, vector<512x128xf32>
    %get3A_2 = arith.constant 0 : index
    %get3A_3 = arith.constant 0 : index
    %get3A_4 = vector.load %arg2[%get3A_2, %get3A_3] : memref<128x128xf32, #tpu.memory_space<vmem>>, vector<128x128xf32>
    %dot_general3A = arith.constant dense<0.000000e+00> : vector<512x128xf32>
    %dot_general3A_5 = tpu.matmul %get3A_1, %get3A_4, %dot_general3A {dimension_numbers = #tpu.dot_dimension_numbers<[1], [0], [0], [1], [0, 0, 1, 1], [], []>, transpose_lhs_hint = false} : vector<512x128xf32>, vector<128x128xf32>, vector<512x128xf32> -> vector<512x128xf32>
    %swap3A = arith.constant 0 : index
    %swap3A_6 = arith.constant 0 : index
    %swap3A_7 = vector.load %arg3[%swap3A, %swap3A_6] : memref<512x128xf32, #tpu.memory_space<vmem>>, vector<512x128xf32>
    tpu.vector_store %arg3[%swap3A, %swap3A_6], %dot_general3A_5 {strides = array<i32>} : memref<512x128xf32, #tpu.memory_space<vmem>>, vector<512x128xf32>,
    return
  }
  func.func @transform_0(%arg0: i32) -> (i32, i32) {
    %c0_i32 = arith.constant 0 : i32
    %c0_i32_0 = arith.constant 0 : i32
    return %arg0, %c0_i32 : i32, i32
  }
  func.func @transform_1(%arg0: i32) -> (i32, i32) {
    %c0_i32 = arith.constant 0 : i32
    %c0_i32_0 = arith.constant 0 : i32
    %c0_i32_1 = arith.constant 0 : i32
    return %c0_i32, %c0_i32_0 : i32, i32
  }
  func.func @transform_2(%arg0: i32) -> (i32, i32) {
    %c0_i32 = arith.constant 0 : i32
    %c0_i32_0 = arith.constant 0 : i32
    return %arg0, %c0_i32 : i32, i32
  }
}

module attributes {stable_mosaic.version = 14 : i64} {
  func.func @_dis_body(%arg0: memref<2x10240xf32, #tpu.memory_space<vmem>>, %arg1: memref<1x10240xf32, #tpu.memory_space<vmem>>) attributes {dimension_semantics = [], scalar_prefetch = 0 : i64, scratch_operands = 0 : i64, tpu.core_type = #tpu.core_type<tc>} {
    %get3A = arith.constant 0 : index
    %get3A_0 = arith.constant 0 : index
    %get3A_1 = vector.load %arg0[%get3A, %get3A_0] : memref<2x10240xf32, #tpu.memory_space<vmem>>, vector<1x10240xf32>
    %get3A_2 = arith.constant 1 : index
    %get3A_3 = arith.constant 0 : index
    %get3A_4 = vector.load %arg0[%get3A_2, %get3A_3] : memref<2x10240xf32, #tpu.memory_space<vmem>>, vector<1x10240xf32>
    %add3A = arith.addf %get3A_1, %get3A_4 : vector<1x10240xf32>
    %max3A = arith.constant 1.000000e-30 : f32
    %max3A_5 = vector.broadcast %max3A : f32 to vector<1x10240xf32>
    %max3A_6 = arith.maximumf %add3A, %max3A_5 : vector<1x10240xf32>
    %rsqrt3A = math.rsqrt %max3A_6 : vector<1x10240xf32>
    %swap3A = arith.constant 0 : index
    %swap3A_7 = arith.constant 0 : index
    %swap3A_8 = vector.load %arg1[%swap3A, %swap3A_7] : memref<1x10240xf32, #tpu.memory_space<vmem>>, vector<1x10240xf32>
    tpu.vector_store %arg1[%swap3A, %swap3A_7], %rsqrt3A {strides = array<i32>} : memref<1x10240xf32, #tpu.memory_space<vmem>>, vector<1x10240xf32>,
    return
  }
}

module attributes {stable_mosaic.version = 14 : i64} {
  func.func @_bn_body(%arg0: i32, %arg1: memref<1000x128xf32, #tpu.memory_space<vmem>>, %arg2: memref<1000x128xf32, #tpu.memory_space<vmem>>, %arg3: memref<1x128xf32, #tpu.memory_space<vmem>>, %arg4: memref<2x128xf32, #tpu.memory_space<vmem>>, %arg5: memref<1x128xf32, #tpu.memory_space<vmem>>, %arg6: memref<1x128xf32, #tpu.memory_space<vmem>>, %arg7: memref<1000x128xf32, #tpu.memory_space<vmem>>) attributes {dimension_semantics = [#tpu.dimension_semantics<arbitrary>], iteration_bounds = array<i64: 10>, scalar_prefetch = 0 : i64, scratch_operands = 0 : i64, tpu.core_type = #tpu.core_type<tc>, window_params = [{transform_indices = @transform_0, window_bounds = array<i64: 1000, 128>}, {transform_indices = @transform_1, window_bounds = array<i64: 1000, 128>}, {pipeline_mode = #tpu.pipeline_mode<synchronous>, transform_indices = @transform_2, window_bounds = array<i64: 1, 128>}, {pipeline_mode = #tpu.pipeline_mode<synchronous>, transform_indices = @transform_3, window_bounds = array<i64: 2, 128>}, {pipeline_mode = #tpu.pipeline_mode<synchronous>, transform_indices = @transform_4, window_bounds = array<i64: 1, 128>}, {pipeline_mode = #tpu.pipeline_mode<synchronous>, transform_indices = @transform_5, window_bounds = array<i64: 1, 128>}, {transform_indices = @transform_6, window_bounds = array<i64: 1000, 128>}]} {
    %get3A = arith.constant 0 : index
    %get3A_0 = arith.constant 0 : index
    %get3A_1 = vector.load %arg1[%get3A, %get3A_0] : memref<1000x128xf32, #tpu.memory_space<vmem>>, vector<1000x128xf32>
    %get3A_2 = arith.constant 0 : index
    %get3A_3 = arith.constant 0 : index
    %get3A_4 = vector.load %arg2[%get3A_2, %get3A_3] : memref<1000x128xf32, #tpu.memory_space<vmem>>, vector<1000x128xf32>
    %add3A = arith.addf %get3A_1, %get3A_4 : vector<1000x128xf32>
    %get3A_5 = arith.constant 0 : index
    %get3A_6 = arith.constant 0 : index
    %get3A_7 = vector.load %arg3[%get3A_5, %get3A_6] : memref<1x128xf32, #tpu.memory_space<vmem>>, vector<1x128xf32>
    %add3A_8 = vector.broadcast %get3A_7 : vector<1x128xf32> to vector<1000x128xf32>
    %add3A_9 = arith.addf %add3A, %add3A_8 : vector<1000x128xf32>
    %get3A_10 = arith.constant 0 : index
    %get3A_11 = arith.constant 0 : index
    %get3A_12 = vector.load %arg4[%get3A_10, %get3A_11] : memref<2x128xf32, #tpu.memory_space<vmem>>, vector<1x128xf32>
    %div3A = arith.constant 1.000000e+04 : f32
    %div3A_13 = vector.broadcast %div3A : f32 to vector<1x128xf32>
    %div3A_14 = arith.divf %get3A_12, %div3A_13 : vector<1x128xf32>
    %get3A_15 = arith.constant 1 : index
    %get3A_16 = arith.constant 0 : index
    %get3A_17 = vector.load %arg4[%get3A_15, %get3A_16] : memref<2x128xf32, #tpu.memory_space<vmem>>, vector<1x128xf32>
    %div3A_18 = arith.constant 1.000000e+04 : f32
    %div3A_19 = vector.broadcast %div3A_18 : f32 to vector<1x128xf32>
    %div3A_20 = arith.divf %get3A_17, %div3A_19 : vector<1x128xf32>
    %mul3A = arith.mulf %div3A_14, %div3A_14 : vector<1x128xf32>
    %sub3A = arith.subf %div3A_20, %mul3A : vector<1x128xf32>
    %add3A_21 = arith.constant 9.99999974E-6 : f32
    %add3A_22 = vector.broadcast %add3A_21 : f32 to vector<1x128xf32>
    %add3A_23 = arith.addf %sub3A, %add3A_22 : vector<1x128xf32>
    %rsqrt3A = math.rsqrt %add3A_23 : vector<1x128xf32>
    %sub3A_24 = vector.broadcast %div3A_14 : vector<1x128xf32> to vector<1000x128xf32>
    %sub3A_25 = arith.subf %add3A_9, %sub3A_24 : vector<1000x128xf32>
    %mul3A_26 = vector.broadcast %rsqrt3A : vector<1x128xf32> to vector<1000x128xf32>
    %mul3A_27 = arith.mulf %sub3A_25, %mul3A_26 : vector<1000x128xf32>
    %get3A_28 = arith.constant 0 : index
    %get3A_29 = arith.constant 0 : index
    %get3A_30 = vector.load %arg5[%get3A_28, %get3A_29] : memref<1x128xf32, #tpu.memory_space<vmem>>, vector<1x128xf32>
    %mul3A_31 = vector.broadcast %get3A_30 : vector<1x128xf32> to vector<1000x128xf32>
    %mul3A_32 = arith.mulf %mul3A_27, %mul3A_31 : vector<1000x128xf32>
    %get3A_33 = arith.constant 0 : index
    %get3A_34 = arith.constant 0 : index
    %get3A_35 = vector.load %arg6[%get3A_33, %get3A_34] : memref<1x128xf32, #tpu.memory_space<vmem>>, vector<1x128xf32>
    %add3A_36 = vector.broadcast %get3A_35 : vector<1x128xf32> to vector<1000x128xf32>
    %add3A_37 = arith.addf %mul3A_32, %add3A_36 : vector<1000x128xf32>
    %max3A = arith.constant 0.000000e+00 : f32
    %max3A_38 = vector.broadcast %max3A : f32 to vector<1000x128xf32>
    %max3A_39 = arith.maximumf %add3A_37, %max3A_38 : vector<1000x128xf32>
    %swap3A = arith.constant 0 : index
    %swap3A_40 = arith.constant 0 : index
    %swap3A_41 = vector.load %arg7[%swap3A, %swap3A_40] : memref<1000x128xf32, #tpu.memory_space<vmem>>, vector<1000x128xf32>
    tpu.vector_store %arg7[%swap3A, %swap3A_40], %max3A_39 {strides = array<i32>} : memref<1000x128xf32, #tpu.memory_space<vmem>>, vector<1000x128xf32>,
    return
  }
  func.func @transform_0(%arg0: i32) -> (i32, i32) {
    %c0_i32 = arith.constant 0 : i32
    %c0_i32_0 = arith.constant 0 : i32
    return %arg0, %c0_i32 : i32, i32
  }
  func.func @transform_1(%arg0: i32) -> (i32, i32) {
    %c0_i32 = arith.constant 0 : i32
    %c0_i32_0 = arith.constant 0 : i32
    return %arg0, %c0_i32 : i32, i32
  }
  func.func @transform_2(%arg0: i32) -> (i32, i32) {
    %c0_i32 = arith.constant 0 : i32
    %c0_i32_0 = arith.constant 0 : i32
    %c0_i32_1 = arith.constant 0 : i32
    return %c0_i32, %c0_i32_0 : i32, i32
  }
  func.func @transform_3(%arg0: i32) -> (i32, i32) {
    %c0_i32 = arith.constant 0 : i32
    %c0_i32_0 = arith.constant 0 : i32
    %c0_i32_1 = arith.constant 0 : i32
    return %c0_i32, %c0_i32_0 : i32, i32
  }
  func.func @transform_4(%arg0: i32) -> (i32, i32) {
    %c0_i32 = arith.constant 0 : i32
    %c0_i32_0 = arith.constant 0 : i32
    %c0_i32_1 = arith.constant 0 : i32
    return %c0_i32, %c0_i32_0 : i32, i32
  }
  func.func @transform_5(%arg0: i32) -> (i32, i32) {
    %c0_i32 = arith.constant 0 : i32
    %c0_i32_0 = arith.constant 0 : i32
    %c0_i32_1 = arith.constant 0 : i32
    return %c0_i32, %c0_i32_0 : i32, i32
  }
  func.func @transform_6(%arg0: i32) -> (i32, i32) {
    %c0_i32 = arith.constant 0 : i32
    %c0_i32_0 = arith.constant 0 : i32
    return %arg0, %c0_i32 : i32, i32
  }
}

module attributes {stable_mosaic.version = 14 : i64} {
  func.func @_stats_body(%arg0: i32, %arg1: memref<512x128xf32, #tpu.memory_space<vmem>>, %arg2: memref<512x128xf32, #tpu.memory_space<vmem>>, %arg3: memref<1x128xf32, #tpu.memory_space<vmem>>, %arg4: memref<2x128xf32, #tpu.memory_space<vmem>>) attributes {dimension_semantics = [#tpu.dimension_semantics<arbitrary>], iteration_bounds = array<i64: 20>, scalar_prefetch = 0 : i64, scratch_operands = 0 : i64, tpu.core_type = #tpu.core_type<tc>, window_params = [{transform_indices = @transform_0, window_bounds = array<i64: 512, 128>}, {transform_indices = @transform_1, window_bounds = array<i64: 512, 128>}, {pipeline_mode = #tpu.pipeline_mode<synchronous>, transform_indices = @transform_2, window_bounds = array<i64: 1, 128>}, {pipeline_mode = #tpu.pipeline_mode<synchronous>, transform_indices = @transform_3, window_bounds = array<i64: 2, 128>}]} {
    %get3A = arith.constant 0 : index
    %get3A_0 = arith.constant 0 : index
    %get3A_1 = vector.load %arg1[%get3A, %get3A_0] : memref<512x128xf32, #tpu.memory_space<vmem>>, vector<512x128xf32>
    %get3A_2 = arith.constant 0 : index
    %get3A_3 = arith.constant 0 : index
    %get3A_4 = vector.load %arg2[%get3A_2, %get3A_3] : memref<512x128xf32, #tpu.memory_space<vmem>>, vector<512x128xf32>
    %add3A = arith.addf %get3A_1, %get3A_4 : vector<512x128xf32>
    %get3A_5 = arith.constant 0 : index
    %get3A_6 = arith.constant 0 : index
    %get3A_7 = vector.load %arg3[%get3A_5, %get3A_6] : memref<1x128xf32, #tpu.memory_space<vmem>>, vector<1x128xf32>
    %add3A_8 = vector.broadcast %get3A_7 : vector<1x128xf32> to vector<512x128xf32>
    %add3A_9 = arith.addf %add3A, %add3A_8 : vector<512x128xf32>
    %mul3A = arith.constant 512 : i32
    %mul3A_10 = arith.muli %arg0, %mul3A : i32
    %iota3A = tpu.iota {dimensions = array<i32: 0>} : vector<512x128xi32>
    %add3A_11 = vector.broadcast %mul3A_10 : i32 to vector<512x128xi32>
    %add3A_12 = arith.addi %add3A_11, %iota3A : vector<512x128xi32>
    %lt3A = arith.constant 10000 : i32
    %lt3A_13 = vector.broadcast %lt3A : i32 to vector<512x128xi32>
    %lt3A_14 = arith.cmpi slt, %add3A_12, %lt3A_13 : vector<512x128xi32>
    %jit3A = arith.constant 0.000000e+00 : f32
    %broadcast_in_dim3A = vector.broadcast %jit3A : f32 to vector<512x128xf32>
    %select_n3A = arith.select %lt3A_14, %add3A_9, %broadcast_in_dim3A : vector<512x128xi1>, vector<512x128xf32>
    %reduce_sum3A = arith.constant dense<0.000000e+00> : vector<128xf32>
    %reduce_sum3A_15 = vector.multi_reduction <add>, %select_n3A, %reduce_sum3A [0] : vector<512x128xf32> to vector<128xf32>
    %mul3A_16 = arith.mulf %select_n3A, %select_n3A : vector<512x128xf32>
    %reduce_sum3A_17 = arith.constant dense<0.000000e+00> : vector<128xf32>
    %reduce_sum3A_18 = vector.multi_reduction <add>, %mul3A_16, %reduce_sum3A_17 [0] : vector<512x128xf32> to vector<128xf32>
    %stack3A = vector.shape_cast %reduce_sum3A_15 : vector<128xf32> to vector<1x128xf32>
    %stack3A_19 = vector.shape_cast %reduce_sum3A_18 : vector<128xf32> to vector<1x128xf32>
    %stack3A_20 = tpu.concatenate %stack3A, %stack3A_19 in 0 : vector<1x128xf32>, vector<1x128xf32> -> vector<2x128xf32>
    %eq3A = arith.constant 0 : i32
    %eq3A_21 = arith.cmpi eq, %arg0, %eq3A : i32
    %convert_element_type3A = arith.extui %eq3A_21 : i1 to i32
    %cond3A = arith.constant 0 : i32
    %cond3A_22 = arith.cmpi ne, %convert_element_type3A, %cond3A : i32
    scf.if %cond3A_22 {
      %swap3A = arith.constant 0 : index
      %swap3A_27 = arith.constant 0 : index
      %swap3A_28 = vector.load %arg4[%swap3A, %swap3A_27] : memref<2x128xf32, #tpu.memory_space<vmem>>, vector<2x128xf32>
      tpu.vector_store %arg4[%swap3A, %swap3A_27], %stack3A_20 {strides = array<i32>} : memref<2x128xf32, #tpu.memory_space<vmem>>, vector<2x128xf32>,
    } else {
    }
    %gt3A = arith.constant 0 : i32
    %gt3A_23 = arith.cmpi sgt, %arg0, %gt3A : i32
    %convert_element_type3A_24 = arith.extui %gt3A_23 : i1 to i32
    %cond3A_25 = arith.constant 0 : i32
    %cond3A_26 = arith.cmpi ne, %convert_element_type3A_24, %cond3A_25 : i32
    scf.if %cond3A_26 {
      %get3A_27 = arith.constant 0 : index
      %get3A_28 = arith.constant 0 : index
      %get3A_29 = vector.load %arg4[%get3A_27, %get3A_28] : memref<2x128xf32, #tpu.memory_space<vmem>>, vector<2x128xf32>
      %add3A_30 = arith.addf %get3A_29, %stack3A_20 : vector<2x128xf32>
      %swap3A = arith.constant 0 : index
      %swap3A_31 = arith.constant 0 : index
      %swap3A_32 = vector.load %arg4[%swap3A, %swap3A_31] : memref<2x128xf32, #tpu.memory_space<vmem>>, vector<2x128xf32>
      tpu.vector_store %arg4[%swap3A, %swap3A_31], %add3A_30 {strides = array<i32>} : memref<2x128xf32, #tpu.memory_space<vmem>>, vector<2x128xf32>,
    } else {
    }
    return
  }
  func.func @transform_0(%arg0: i32) -> (i32, i32) {
    %c0_i32 = arith.constant 0 : i32
    %c0_i32_0 = arith.constant 0 : i32
    return %arg0, %c0_i32 : i32, i32
  }
  func.func @transform_1(%arg0: i32) -> (i32, i32) {
    %c0_i32 = arith.constant 0 : i32
    %c0_i32_0 = arith.constant 0 : i32
    return %arg0, %c0_i32 : i32, i32
  }
  func.func @transform_2(%arg0: i32) -> (i32, i32) {
    %c0_i32 = arith.constant 0 : i32
    %c0_i32_0 = arith.constant 0 : i32
    %c0_i32_1 = arith.constant 0 : i32
    return %c0_i32, %c0_i32_0 : i32, i32
  }
  func.func @transform_3(%arg0: i32) -> (i32, i32) {
    %c0_i32 = arith.constant 0 : i32
    %c0_i32_0 = arith.constant 0 : i32
    %c0_i32_1 = arith.constant 0 : i32
    return %c0_i32, %c0_i32_0 : i32, i32
  }
}

</mosaic_0001>

<sc_bundles>
// kernel: kernel.11.cloned.1.call-start
scs
__scs_entry_jumppad:
0x0: {  	(pc) =	sbr.rel $0x88, $3  }
0x1: {  	(tag) =	ssettag $0x0;
	lr =	simm.s32 $0x1  }
0x2: {  	[smem:$0x3F9A] =	sst lr;
	_ =	strace $0xD0000000  }
0x3: {  	_ = 	snop  }
0x4: {  	_ = 	snop  }
0x5: {  	_ = 	snop  }
0x6: {  	_ = 	snop  }
0x7: {  	_ = 	snop  }
__scs_overlays_trampoline_lowered:
0x8: {  	[smem:$0x3FA9] =	sst s0  }
0x9: {  	[smem:$0x3FAA] =	sst s1  }
0xa: {  	[smem:$0x3FAB] =	sst s2  }
0xb: {  	[smem:$0x3FAC] =	sst s3  }
0xc: {  	[smem:$0x3FAD] =	sst s4  }
0xd: {  	[smem:$0x3FAE] =	sst s5  }
0xe: {  	[smem:$0x3FAF] =	sst s6  }
0xf: {  	[smem:$0x3FB0] =	sst s7  }
0x10: {  	[smem:$0x3FB1] =	sst s8  }
0x11: {  	[smem:$0x3FB2] =	sst s9;
	s0 =	simm.s32 @!p0 $0x0  }
0x12: {  	s1 =	sld [smem:$0x3F98];
	s0 =	simm.s32 @p0 $0x1  }
0x13: {  	[smem:$0x3FB3] =	sst s0;
	s0 =	simm.s32 @!p1 $0x0  }
0x14: {  	s2 =	sld [smem:$0x3F97];
	s0 =	simm.s32 @p1 $0x1  }
0x15: {  	[smem:$0x3FB4] =	sst s0;
	s0 =	simm.s32 @!p2 $0x0  }
0x16: {  	s3 =	sld [smem:$0x3FDB];
	s0 =	simm.s32 @p2 $0x1  }
0x17: {  	s4 =	simm.s32 $0x1BF5;
	[smem:$0x3FB6] =	sst s0  }
0x18: {  	s0 =	sld [smem:$0x3F99];
	_ =	swait.ge [sflag:s4], $0x0  }
0x19: {  	s7 =	sld [smem:$0x3F9A]  }
0x1a: {  	s8 =	sadd.s32 $0xFFFFE003, lr  }
0x1b: {  	s9 =	sadd.s32 $0xFFFFFEF7, lr;
	s5 =	simm.s32 $0xFFFFFFFF;
	p2 =	slt.u32 s8, $0xFFFFF086  }
0x1c: {  	p1 =	slt.u32 s9, $0xF7A;
	s5 =	simm.s32 @!p2 $0x0  }
0x1d: {  	s5 =	simm.s32 @p1 $0x1;
	p0 =	seq.s32 s7, s2  }
0x1e: {  	s7 =	smul.u32 @!p0 $0xF7A, s2;
	p2 =	seq.s32 @!p0 s5, $0x0  }
0x1f: {  	s9 =	smul.u32 $0xF7A, s1;
	s8 =	simm.s32 @!p0 $0x1BF5;
	p2 =	por !p2, p0  }
0x20: {  	[sflag:s8] =	ssyncset.s32 @!p0 $0xFFFFF086;
	s6 =	sadd.s32 @!p0 s3, s7;
	s7 =	simm.s32 @!p0 $0x108  }
0x21: {  	s3 =	sadd.s32 s3, s9;
	s6 =	sadd.s32 @!p0 $0x88, s6;
	s7 =	simm.s32 @p2 $0x1082  }
0x22: {  	[simem:s7], [sflag:s8] =	dma.local @!p0 [hbm:s6], $0xF7A  }
0x23: {  	s9 =	sor.u32 $0xD0000000, s2;
	s6 =	simm.s32 $0x108;
	_ =	swait.ge @!p0 [sflag:s8], $0x0  }
0x24: {  	s3 =	sadd.s32 $0x88, s3;
	s6 =	simm.s32 @!p1 $0x1082;
	[sflag:s4] =	ssyncset.s32 $0xFFFFF086  }
0x25: {  	[simem:s6], [sflag:s4] =	dma.local [hbm:s3], $0xF7A  }
0x26: {  	[smem:$0x3F9A] =	sst s1;
	(tag) =	ssettag s2;
	_ =	strace s9  }
0x27: {  	s1 =	sld [smem:$0x3FAA]  }
0x28: {  	s2 =	sld [smem:$0x3FAB]  }
0x29: {  	s4 =	sld [smem:$0x3FAD]  }
0x2a: {  	p0 =	seq.s32 s5, $0x0;
	s5 =	sld [smem:$0x3FAE]  }
0x2b: {  	s6 =	sld [smem:$0x3FAF]  }
0x2c: {  	s7 =	sld [smem:$0x3FB0]  }
0x2d: {  	s3 =	simm.s32 $0x108;
	s8 =	sld [smem:$0x3FB1]  }
0x2e: {  	s3 =	simm.s32 @!p0 $0x1082;
	s9 =	sld [smem:$0x3FB2]  }
0x2f: {  	lr =	sadd.s32 s0, s3;
	s0 =	sld [smem:$0x3FA9]  }
0x30: {  	s3 =	sld [smem:$0x3FAC]  }
0x31: {  	[smem:$0x3FB5] =	sst s10  }
0x32: {  	s10 =	sld [smem:$0x3FB3];
	_ =	sdelay $0x3  }
0x33: {  	p0 =	seq.s32 s10, $0x1;
	s10 =	sld [smem:$0x3FB5];
	_ =	sdelay $0x3  }
0x34: {  	[smem:$0x3FB5] =	sst s10  }
0x35: {  	s10 =	sld [smem:$0x3FB4];
	_ =	sdelay $0x3  }
0x36: {  	p1 =	seq.s32 s10, $0x1;
	s10 =	sld [smem:$0x3FB5];
	_ =	sdelay $0x3  }
0x37: {  	[smem:$0x3FB5] =	sst s10  }
0x38: {  	s10 =	sld [smem:$0x3FB6]  }
0x39: {  	_ = 	snop;
	(pc) =	sbr.ind lr, $3  }
0x3a: {  	_ = 	snop  }
0x3b: {  	_ = 	snop  }
0x3c: {  	p2 =	seq.s32 s10, $0x1;
	s10 =	sld [smem:$0x3FB5]  }
0x3d: {  	_ =	shalt  }
0x3e: {  	_ =	shalt  }
0x3f: {  	_ =	shalt  }
0x40: {  	_ =	shalt  }
0x41: {  	_ =	shalt  }
0x42: {  	_ =	shalt  }
0x43: {  	_ =	shalt  }
0x44: {  	_ =	shalt  }
0x45: {  	_ =	shalt  }
0x46: {  	_ =	shalt  }
0x47: {  	_ =	shalt  }
0x48: {  	_ =	shalt  }
0x49: {  	_ =	shalt  }
0x4a: {  	_ =	shalt  }
0x4b: {  	_ =	shalt  }
0x4c: {  	_ =	shalt  }
0x4d: {  	_ =	shalt  }
0x4e: {  	_ =	shalt  }
0x4f: {  	_ =	shalt  }
0x50: {  	_ =	shalt  }
0x51: {  	_ =	shalt  }
0x52: {  	_ =	shalt  }
0x53: {  	_ =	shalt  }
0x54: {  	_ =	shalt  }
0x55: {  	_ =	shalt  }
0x56: {  	_ =	shalt  }
0x57: {  	_ =	shalt  }
0x58: {  	_ =	shalt  }
0x59: {  	_ =	shalt  }
0x5a: {  	_ =	shalt  }
0x5b: {  	_ =	shalt  }
0x5c: {  	_ =	shalt  }
0x5d: {  	_ =	shalt  }
0x5e: {  	_ =	shalt  }
0x5f: {  	_ =	shalt  }
0x60: {  	_ =	shalt  }
0x61: {  	_ =	shalt  }
0x62: {  	_ =	shalt  }
0x63: {  	_ =	shalt  }
0x64: {  	_ =	shalt  }
0x65: {  	_ =	shalt  }
0x66: {  	_ =	shalt  }
0x67: {  	_ =	shalt  }
0x68: {  	_ =	shalt  }
0x69: {  	_ =	shalt  }
0x6a: {  	_ =	shalt  }
0x6b: {  	_ =	shalt  }
0x6c: {  	_ =	shalt  }
0x6d: {  	_ =	shalt  }
0x6e: {  	_ =	shalt  }
0x6f: {  	_ =	shalt  }
0x70: {  	_ =	shalt  }
0x71: {  	_ =	shalt  }
0x72: {  	_ =	shalt  }
0x73: {  	_ =	shalt  }
0x74: {  	_ =	shalt  }
0x75: {  	_ =	shalt  }
0x76: {  	_ =	shalt  }
0x77: {  	_ =	shalt  }
0x78: {  	_ =	shalt  }
0x79: {  	_ =	shalt  }
0x7a: {  	_ =	shalt  }
0x7b: {  	_ =	shalt  }
0x7c: {  	_ =	shalt  }
0x7d: {  	_ =	shalt  }
0x7e: {  	_ =	shalt  }
0x7f: {  	_ =	shalt  }
0x80: {  	_ =	shalt  }
0x81: {  	_ =	shalt  }
0x82: {  	_ =	shalt  }
0x83: {  	_ =	shalt  }
0x84: {  	_ =	shalt  }
0x85: {  	_ =	shalt  }
0x86: {  	_ =	shalt  }
0x87: {  	_ =	shalt  }
.Lfunc_end0:
.L_simem_size_0:
called_computation.1_lowered:
.L_overlay_start_0:
0x88: {  	s2 =	sld [smem:$0x3FD9]  }
0x89: {  	s3 =	sld [smem:$0x3FFE];
	_ =	sdelay $0x1  }
0x8a: {  	s1 =	srdreg.scid  }
0x8b: {  	s0 =	sand.u32 $0x1, s1  }
0x8c: {  	s17 =	sshll.u32 s0, $0xA;
	s2 =	sadd.s32 s3, s2  }
0x8d: {  	s2 =	sadd.s32 s2, s17  }
0x8e: {  	[smem:$0x3FC1] =	sst s2  }
0x8f: {  	_ = 	snop  }
0x90: {  	s2 =	sld [smem:$0x3FD0];
	(tm) =	ssettm $0x1  }
0x91: {  	s18 =	sld [smem:$0x3FFB];
	_ =	sdelay $0x3  }
0x92: {  	_ =	strace s18  }
0x93: {  	s3 =	sld [smem:$0x3FFC];
	_ =	sdelay $0x3  }
0x94: {  	_ =	strace s3  }
0x95: {  	s3 =	sld [smem:$0x3FFD];
	_ =	sdelay $0x3  }
0x96: {  	_ =	strace s3  }
0x97: {  	_ =	strace $0x8FFFFFFF  }
0x98: {  	s19 =	sld [smem:$0x3FDB];
	_ =	sdelay $0x1  }
0x99: {  	s4 =	simm.s32 $_scs_section_size  }
0x9a: {  	s5 =	simm.s32 $_size__tile_overlayer_lowered;
	s6 =	simm.s32 $_tile_overlayer_lowered  }
0x9b: {  	s22 =	simm.s32 $0x1BFF;
	s21 =	sshll.u32 s6, $0x1;
	s3 =	sadd.s32 s4, s19  }
0x9c: {  	s7 =	simm.s32 $0x0;
	s20 =	sshll.u32 s5, $0x1;
	s5 =	sadd.s32 s21, s3  }
0x9d: {  	[timem:s7], [sflag:s22] =	dma.local [hbm:s5], s20  }
0x9e: {  	_ =	swait.ge [sflag:s22], s20  }
0x9f: {  	s4 =	ssub.s32 $0x0, s20;
	[sflag:s22] =	ssyncset.done $0x0  }
0xa0: {  	[sflag:s22] =	ssyncadd.s32 s4;
	_ =	sdelay $0x1  }
0xa1: {  	s23 =	simm.s32 $0x1B8B  }
0xa2: {  	_ =	swait.ge [sflag:s23], $0x1  }
0xa3: {  	[sflag:s23] =	ssyncset.done $0x0  }
0xa4: {  	s25 =	simm.s32 $0x1B8E;
	s24 =	sld [smem:$0x3FFE];
	[sflag:s23] =	ssyncadd.s32 $0xFFFFFFFF  }
0xa5: {  	s26 =	simm.s32 $execute0_lowered;
	[smem:$0x3FD2] =	sst s25  }
0xa6: {  	s5 =	sshll.u32 s26, $0x1;
	_ =	strace $0x80000049;
	[dreg:$0x1] =	wrdreg $0xFFFFFFFF  }
0xa7: {  	s28 =	simm.s32 $_size_execute0_lowered;
	s3 =	sadd.s32 s3, s5;
	[dreg:$0x0] =	wrdreg $0x0  }
0xa8: {  	s5 =	sshll.u32 s28, $0x1;
	[dreg:$0x2] =	wrdreg s3  }
0xa9: {  	[dreg:$0x3] =	wrdreg s5  }
0xaa: {  	[dreg:$0x4] =	wrdreg $0xC0  }
0xab: {  	_ =	task [dreg:s7], $0x5FFFF  }
0xac: {  	[dreg:$0x1] =	wrdreg $0xFFFFFFFF  }
0xad: {  	[dreg:$0x0] =	wrdreg $0x60  }
0xae: {  	[dreg:$0x2] =	wrdreg s2  }
0xaf: {  	[dreg:$0x3] =	wrdreg s24  }
0xb0: {  	[dreg:$0x4] =	wrdreg $0x6A000  }
0xb1: {  	[dreg:$0x5] =	wrdreg $0x9  }
0xb2: {  	_ =	task.clear_ibuf [dreg:s7], $0x6FFFF;
	_ =	strace $0x90000049  }
0xb3: {  	s29 =	simm.s32 $0x9;
	_ =	strace $0x8000004B  }
0xb4: {  	_ =	swait.ge [sflag:s29], $0x1  }
0xb5: {  	[sflag:s29] =	ssyncadd.s32 $0xFFFFFFFF  }
0xb6: {  	_ =	strace $0x9000004B  }
0xb7: {  	_ =	sfence  }
0xb8: {  	s30 =	sld [smem:$0x0];
	_ =	sdelay $0x2  }
0xb9: {  	s31 =	sshll.u32 s1, $0xD;
	s1 =	sshrl.u32 s1, $0x2  }
0xba: {  	s3 =	sand.u32 $0x4000, s31;
	s1 =	sadd.s32 s1, s30  }
0xbb: {  	s0 =	sor.u32 s3, s0;
	s1 =	sshll.u32 s1, $0x11  }
0xbc: {  	s0 =	sor.u32 s1, s0  }
0xbd: {  	s0 =	sadd.s32 $0x8F2B, s0  }
0xbe: {  	[sflag:s0] =	ssyncadd.remote.s32 $0x1  }
0xbf: {  	_ =	sfence.sel $0xFFFF  }
0xc0: {  	[dreg:$0x0] =	wrdreg $0xFFFFFFFF;
	(pc) =	sbr.abs _section_cstart, $3  }
0xc1: {  	[dreg:$0x1] =	wrdreg $0xFFFFFFFF  }
0xc2: {  	_ =	task.clear_ibuf [dreg:s7], $0x2FFFF;
	_ =	strace $0x9FFFFFFF  }
0xc3: {  	(tm) =	ssettm $0x7FFFFFFF  }
tec
execute0_lowered:
.L_overlay_start_1:
0x0: {  	(tag) =	ssettag $0x1  }
0x1: {  	s1 =	rddreg [dreg:$0x0]  }
0x2: {  	s0 =	rddreg [dreg:$0x1]  }
0x3: {  	s2 =	rddreg [dreg:$0x2];
	s3 =	simm.s32 $0x0  }
0x4: {  	s4 =	srdreg.scid;
	s30 =	stileid.u32;
	s22 =	simm.s32 $0x2A00  }
0x5: {  	s23 =	simm.s32 $0x2800;
	s24 =	simm.s32 $0x2880;
	s25 =	simm.s32 $0x2900  }
0x6: {  	s26 =	simm.s32 $0x80;
	s28 =	simm.s32 $0x1;
	s29 =	simm.s32 $0x0  }
0x7: {  	[smem:$0x7FF] =	sst s3;
	s5 =	sadd.s32 $0xBC00, s0;
	s6 =	sadd.s32 $0x1A00, s0  }
0x8: {  	s7 =	sadd.s32 $0x15E00, s0;
	s4 =	sand.u32 $0x1, s4;
	s10 =	smul.u32 $0x50000, s30  }
0x9: {  	s8 =	sadd.s32 $0x16800, s0;
	s0 =	sadd.s32 $0x3E800, s0;
	s13 =	smul.u32 $0x14000, s30  }
0xa: {  	_ =	strace $0x8000004A;
	[dreg:$0x4] =	wrdreg s7;
	s9 =	ssub.s32 $0x2, s4  }
0xb: {  	s31 =	sshll.u32 s4, $0x4;
	s4 =	smul.u32 $0x140000, s4;
	s11 =	sshrl.u32 s9, $0x1  }
0xc: {  	s10 =	sshrl.u32 s10, $0x2;
	s14 =	sor.u32 s30, s31;
	s15 =	sadd.s32 $0x4000, s13  }
0xd: {  	s17 =	sadd.s32 $0x8000, s13;
	s18 =	sadd.s32 $0xC000, s13;
	s19 =	sadd.s32 $0x10000, s13  }
0xe: {  	s20 =	ssub.s32 s9, s11;
	s9 =	sadd.s32 s10, s2;
	s10 =	sadd.s32 s15, s2  }
0xf: {  	s11 =	sadd.s32 s17, s2;
	s12 =	sadd.s32 s18, s2;
	s16 =	sadd.s32 s13, s4  }
0x10: {  	s15 =	sadd.s32 s4, s15;
	s13 =	sadd.s32 s19, s2;
	s14 =	smul.u32 $0x51, s14  }
0x11: {  	s17 =	sadd.s32 s4, s17;
	s18 =	sadd.s32 s4, s18;
	s4 =	sadd.s32 s4, s19  }
0x12: {  	s16 =	sshrl.u32 s16, $0x3;
	s21 =	sshrl.u32 s15, $0x3;
	s17 =	sshrl.u32 s17, $0x3  }
0x13: {  	s18 =	sshrl.u32 s18, $0x3;
	s4 =	sshrl.u32 s4, $0x3;
	s20 =	smax.u32 s20, $0x1  }
0x14: {  	s15 =	sadd.s32 s0, s16;
	s16 =	sadd.s32 s0, s21;
	s17 =	sadd.s32 s0, s17  }
0x15: {  	v0 =	vimm.f32 $0.0e+00;
	s18 =	sadd.s32 s0, s18;
	s19 =	sadd.s32 s0, s4;
	s21 =	simm.s32 $0x2  }
.LBB2_1:
0x16: {  	s0 =	rddreg [dreg:$0x4]  }
0x17: {  	[tilespmem:s3], [sflag:$0x2] =	stream.linear.gather [hbm4b:s0+s3], $0x2800, $0x38;
	[tilespmem:$0x1AA00] =	vst v63  }
0x18: {  	s31 =	sand.u32 $0xFE00, s3;
	s4 =	sand.u32 $0x70, s3;
	_ =	swait.ge [sflag:s21], $0x2800  }
0x19: {  	s30 =	sshrl.u32 s31, $0x2;
	s0 =	simm.s32 $0x40;
	[sflag:s21] =	ssyncset.done $0x0  }
0x1a: {  	s30 =	sor.u32 s4, s30;
	s4 =	simm.s32 $0x0;
	[sflag:s21] =	ssyncadd.s32 $0xFFFFD800  }
.LBB2_2:
0x1b: {  	p0 =	sne.s32 s0, $0xFFC0  }
0x1c: {  	[tilespmem:s30+$0x2A00] =	vst v0;
	s4 =	sadd.s32 $0x10, s4;
	s30 =	smov.u32 s0;
	s0 =	sadd.s32 $0x40, s0  }
.Ltmp0:
0x1d: {  	(pc) =	sbr.rel @p0 .LBB2_2-.Ltmp0, $4  }
0x1e: {  	_ = 	snop  }
0x1f: {  	s30 =	sand.u32 $0xFE00, s30  }
0x20: {  	s31 =	sand.u32 $0x70, s4;
	s30 =	sshrl.u32 s30, $0x2  }
0x21: {  	s30 =	sor.u32 s31, s30  }
0x22: {  	[tilespmem:s30+$0x2A00] =	vst v0  }
0x23: {  	[spmem:s9] =	stream.linear.scatter [tilespmem:s22], [sflag:$0x2], $0x4000, $0x38;
	[tilespmem:$0x1AA00] =	vst v63  }
0x24: {  	_ =	swait.ge [sflag:s21], $0x4000  }
0x25: {  	[sflag:s21] =	ssyncset.done $0x0  }
0x26: {  	[sflag:s21] =	ssyncadd.s32 $0xFFFFC000  }
0x27: {  	[spmem:s10] =	stream.linear.scatter [tilespmem:s22], [sflag:$0x2], $0x4000, $0x38;
	[tilespmem:$0x1AA00] =	vst v63  }
0x28: {  	_ =	swait.ge [sflag:s21], $0x4000  }
0x29: {  	[sflag:s21] =	ssyncset.done $0x0  }
0x2a: {  	[sflag:s21] =	ssyncadd.s32 $0xFFFFC000  }
0x2b: {  	[spmem:s11] =	stream.linear.scatter [tilespmem:s22], [sflag:$0x2], $0x4000, $0x38;
	[tilespmem:$0x1AA00] =	vst v63  }
0x2c: {  	_ =	swait.ge [sflag:s21], $0x4000  }
0x2d: {  	[sflag:s21] =	ssyncset.done $0x0  }
0x2e: {  	[sflag:s21] =	ssyncadd.s32 $0xFFFFC000  }
0x2f: {  	[spmem:s12] =	stream.linear.scatter [tilespmem:s22], [sflag:$0x2], $0x4000, $0x38;
	[tilespmem:$0x1AA00] =	vst v63  }
0x30: {  	_ =	swait.ge [sflag:s21], $0x4000  }
0x31: {  	[sflag:s21] =	ssyncset.done $0x0  }
0x32: {  	[sflag:s21] =	ssyncadd.s32 $0xFFFFC000  }
0x33: {  	[spmem:s13] =	stream.linear.scatter [tilespmem:s22], [sflag:$0x2], $0x4000, $0x38;
	[tilespmem:$0x1AA00] =	vst v63  }
0x34: {  	_ =	swait.ge [sflag:s21], $0x4000  }
0x35: {  	[sflag:s21] =	ssyncset.done $0x0  }
0x36: {  	[sflag:s21] =	ssyncadd.s32 $0xFFFFC000  }
0x37: {  	s30 =	simm.s32 $0x0;
	s31 =	simm.s32 $0x0;
	[bflag:$0x0] =	sbarrier.arrive $0xFFFF  }
.LBB2_4:
0x38: {  	s0 =	sadd.s32 s14, s31  }
0x39: {  	s0 =	sshll.u32 s0, $0x4  }
0x3a: {  	s4 =	sadd.s32 s1, s0  }
0x3b: {  	[tilespmem:s23], [sflag:$0x2] =	stream.linear.gather [hbm4b:s4+s30], $0x80, $0x38;
	[tilespmem:$0x1AA00] =	vst v63  }
0x3c: {  	_ =	swait.ge [sflag:s21], $0x80  }
0x3d: {  	[sflag:s21] =	ssyncset.done $0x0  }
0x3e: {  	s7 =	sadd.s32 s5, s0;
	[sflag:s21] =	ssyncadd.s32 $0xFFFFFF80  }
0x3f: {  	[tilespmem:s24], [sflag:$0x2] =	stream.linear.gather [hbm4b:s7+s30], $0x80, $0x38;
	[tilespmem:$0x1AA00] =	vst v63  }
0x40: {  	_ =	swait.ge [sflag:s21], $0x80  }
0x41: {  	[sflag:s21] =	ssyncset.done $0x0  }
0x42: {  	s0 =	sadd.s32 s6, s0;
	[sflag:s21] =	ssyncadd.s32 $0xFFFFFF80  }
0x43: {  	[tilespmem:s25], [sflag:$0x2] =	stream.linear.gather [hbm4b:s0+s30], $0x80, $0x38;
	[tilespmem:$0x1AA00] =	vst v63  }
0x44: {  	_ =	swait.ge [sflag:s21], $0x80  }
0x45: {  	[sflag:s21] =	ssyncset.done $0x0  }
0x46: {  	[sflag:s21] =	ssyncadd.s32 $0xFFFFFF80  }
0x47: {  	[tilespmem:s22], [sflag:$0x1] =	stream.indirect.gather [hbm4b:s8+s26], $0x80, s23, s26, $0xb8;
	[tilespmem:$0x1AA00] =	vst v63  }
0x48: {  	v1 =	vld [tilespmem:$0x2800];
	_ =	sdelay $0x1  }
0x49: {  	v2 =	vld [tilespmem:$0x2880];
	_ =	sdelay $0x4  }
0x4a: {  	v3 =	vld [tilespmem:$0x2900]  }
0x4b: {  	v1 =	vld.idx.msk [tilespmem:v1+s30+$0x0], $0xffff  }
0x4c: {  	v4 =	vld [tilespmem:$0x2810]  }
0x4d: {  	v2 =	vld.idx.msk [tilespmem:v2+s30+$0x0], $0xffff;
	_ =	sdelay $0x1  }
0x4e: {  	v5 =	vld [tilespmem:$0x2890]  }
0x4f: {  	v1 =	vmul.f32 v3, v1;
	_ =	sdelay $0x1  }
0x50: {  	v1 =	vmul.f32 v1, v2;
	_ =	sdelay $0x1  }
0x51: {  	v2 =	vld [tilespmem:$0x2910];
	[tilespmem:$0x2980] =	vst v1  }
0x52: {  	v1 =	vld.idx.msk [tilespmem:v4+s30+$0x0], $0xffff  }
0x53: {  	v10 =	vld [tilespmem:$0x2820]  }
0x54: {  	v3 =	vld.idx.msk [tilespmem:v5+s30+$0x0], $0xffff;
	_ =	sdelay $0x1  }
0x55: {  	v11 =	vld [tilespmem:$0x28A0]  }
0x56: {  	v1 =	vmul.f32 v2, v1;
	_ =	sdelay $0x1  }
0x57: {  	v1 =	vmul.f32 v1, v3;
	_ =	sdelay $0x1  }
0x58: {  	v2 =	vld [tilespmem:$0x2920];
	[tilespmem:$0x2990] =	vst v1  }
0x59: {  	v1 =	vld.idx.msk [tilespmem:v10+s30+$0x0], $0xffff  }
0x5a: {  	v12 =	vld [tilespmem:$0x2830]  }
0x5b: {  	v3 =	vld.idx.msk [tilespmem:v11+s30+$0x0], $0xffff;
	_ =	sdelay $0x1  }
0x5c: {  	v13 =	vld [tilespmem:$0x28B0]  }
0x5d: {  	v1 =	vmul.f32 v2, v1;
	_ =	sdelay $0x1  }
0x5e: {  	v1 =	vmul.f32 v1, v3;
	_ =	sdelay $0x1  }
0x5f: {  	v2 =	vld [tilespmem:$0x2930];
	[tilespmem:$0x29A0] =	vst v1  }
0x60: {  	v1 =	vld.idx.msk [tilespmem:v12+s30+$0x0], $0xffff  }
0x61: {  	v14 =	vld [tilespmem:$0x2840]  }
0x62: {  	v3 =	vld.idx.msk [tilespmem:v13+s30+$0x0], $0xffff;
	_ =	sdelay $0x1  }
0x63: {  	v15 =	vld [tilespmem:$0x28C0]  }
0x64: {  	v1 =	vmul.f32 v2, v1;
	_ =	sdelay $0x1  }
0x65: {  	v1 =	vmul.f32 v1, v3;
	_ =	sdelay $0x1  }
0x66: {  	v2 =	vld [tilespmem:$0x2940];
	[tilespmem:$0x29B0] =	vst v1  }
0x67: {  	v1 =	vld.idx.msk [tilespmem:v14+s30+$0x0], $0xffff  }
0x68: {  	v16 =	vld [tilespmem:$0x2850]  }
0x69: {  	v3 =	vld.idx.msk [tilespmem:v15+s30+$0x0], $0xffff;
	_ =	sdelay $0x1  }
0x6a: {  	v17 =	vld [tilespmem:$0x28D0]  }
0x6b: {  	v1 =	vmul.f32 v2, v1;
	_ =	sdelay $0x1  }
0x6c: {  	v1 =	vmul.f32 v1, v3;
	_ =	sdelay $0x1  }
0x6d: {  	v2 =	vld [tilespmem:$0x2950];
	[tilespmem:$0x29C0] =	vst v1  }
0x6e: {  	v1 =	vld.idx.msk [tilespmem:v16+s30+$0x0], $0xffff  }
0x6f: {  	v18 =	vld [tilespmem:$0x2860]  }
0x70: {  	v3 =	vld.idx.msk [tilespmem:v17+s30+$0x0], $0xffff;
	_ =	sdelay $0x2  }
0x71: {  	v19 =	vld [tilespmem:$0x28E0];
	v1 =	vmul.f32 v2, v1;
	_ =	sdelay $0x1  }
0x72: {  	v1 =	vmul.f32 v1, v3;
	_ =	sdelay $0x1  }
0x73: {  	v2 =	vld [tilespmem:$0x2960];
	[tilespmem:$0x29D0] =	vst v1  }
0x74: {  	v1 =	vld.idx.msk [tilespmem:v18+s30+$0x0], $0xffff;
	_ =	sdelay $0x1  }
0x75: {  	v20 =	vld [tilespmem:$0x2870]  }
0x76: {  	v3 =	vld.idx.msk [tilespmem:v19+s30+$0x0], $0xffff;
	_ =	sdelay $0x1  }
0x77: {  	v1 =	vmul.f32 v2, v1;
	v2 =	vld [tilespmem:$0x28F0];
	_ =	sdelay $0x2  }
0x78: {  	v1 =	vmul.f32 v1, v3;
	_ =	sdelay $0x1  }
0x79: {  	v3 =	vld [tilespmem:$0x2970];
	[tilespmem:$0x29E0] =	vst v1  }
0x7a: {  	v1 =	vld.idx.msk [tilespmem:v20+s30+$0x0], $0xffff;
	_ =	sdelay $0x1  }
0x7b: {  	v2 =	vld.idx.msk [tilespmem:v2+s30+$0x0], $0xffff;
	_ =	sdelay $0x2  }
0x7c: {  	v1 =	vmul.f32 v3, v1;
	_ =	sdelay $0x1  }
0x7d: {  	v1 =	vmul.f32 v1, v2;
	_ =	sdelay $0x1  }
0x7e: {  	[tilespmem:$0x29F0] =	vst v1  }
0x7f: {  	_ =	swait.ge [sflag:s28], $0x4000  }
0x80: {  	s4 =	simm.s32 $0x0;
	[sflag:s28] =	ssyncset.done $0x0  }
0x81: {  	s0 =	sand.u32 $0x3FFFFFF0, s4;
	[sflag:s28] =	ssyncadd.s32 $0xFFFFC000  }
0x82: {  	s7 =	simm.s32 $0x0;
	v1 =	vld [tilespmem:s0+$0x2980]  }
0x83: {  	s0 =	sand.u32 $0x3FFFF800, s7  }
0x84: {  	v3 =	vld [tilespmem:s0+$0x2A20]  }
0x85: {  	v21 =	vld [tilespmem:s0+$0x2A30]  }
0x86: {  	v10 =	vld [tilespmem:s0+$0x2A60]  }
0x87: {  	v11 =	vld [tilespmem:s0+$0x2A70];
	v2 =	vbroadcast v1, $0x0  }
0x88: {  	v12 =	vld [tilespmem:s0+$0x2A80]  }
0x89: {  	v13 =	vld [tilespmem:s0+$0x2A90];
	v3 =	vmul.f32 v3, v2  }
0x8a: {  	v14 =	vld [tilespmem:s0+$0x2AA0];
	v4 =	vmul.f32 v21, v2  }
0x8b: {  	v9 =	vld [tilespmem:s0+$0x2AB0];
	v23 =	vbroadcast v1, $0x1;
	v22 =	vmul.f32 v10, v2;
	[tilespmem:s0+$0x2A20] =	vst v3  }
0x8c: {  	v7 =	vld [tilespmem:s0+$0x2AC0];
	v11 =	vmul.f32 v11, v2;
	[tilespmem:s0+$0x2A30] =	vst v4  }
0x8d: {  	v8 =	vld [tilespmem:s0+$0x2AD0];
	v12 =	vmul.f32 v12, v23;
	[tilespmem:s0+$0x2A60] =	vst v22  }
0x8e: {  	v25 =	vld [tilespmem:s0+$0x2AF0];
	v13 =	vmul.f32 v13, v23;
	[tilespmem:s0+$0x2A70] =	vst v11  }
0x8f: {  	v26 =	vld [tilespmem:s0+$0x2B00];
	v14 =	vmul.f32 v14, v23;
	[tilespmem:s0+$0x2A80] =	vst v12  }
0x90: {  	v27 =	vld [tilespmem:s0+$0x2B10];
	v9 =	vmul.f32 v9, v23;
	[tilespmem:s0+$0x2A90] =	vst v13  }
0x91: {  	v6 =	vld [tilespmem:s0+$0x2F70];
	v7 =	vmul.f32 v7, v23;
	[tilespmem:s0+$0x2AA0] =	vst v14  }
0x92: {  	v24 =	vld [tilespmem:s0+$0x2AE0];
	v15 =	vbroadcast v1, $0x2;
	v8 =	vmul.f32 v8, v23;
	[tilespmem:s0+$0x2AB0] =	vst v9  }
0x93: {  	v28 =	vld [tilespmem:s0+$0x2B20];
	v10 =	vmul.f32 v25, v23;
	[tilespmem:s0+$0x2AC0] =	vst v7  }
0x94: {  	v29 =	vld [tilespmem:s0+$0x2B30];
	v5 =	vbroadcast v1, $0xA;
	v32 =	vmul.f32 v26, v15;
	[tilespmem:s0+$0x2AD0] =	vst v8  }
0x95: {  	v30 =	vld [tilespmem:s0+$0x2B40];
	v34 =	vmul.f32 v27, v15;
	[tilespmem:s0+$0x2AF0] =	vst v10  }
0x96: {  	v33 =	vld [tilespmem:s0+$0x2B60];
	v3 =	vmul.f32 v6, v5;
	[tilespmem:s0+$0x2B00] =	vst v32  }
0x97: {  	v35 =	vld [tilespmem:s0+$0x2B70];
	v11 =	vmul.f32 v24, v23;
	[tilespmem:s0+$0x2B10] =	vst v34  }
0x98: {  	v36 =	vld [tilespmem:s0+$0x2B80];
	v9 =	vmul.f32 v28, v15;
	[tilespmem:s0+$0x2F70] =	vst v3  }
0x99: {  	v31 =	vld [tilespmem:s0+$0x2B50];
	v7 =	vmul.f32 v29, v15;
	[tilespmem:s0+$0x2AE0] =	vst v11  }
0x9a: {  	v37 =	vld [tilespmem:s0+$0x2B90];
	v8 =	vmul.f32 v30, v15;
	[tilespmem:s0+$0x2B20] =	vst v9  }
0x9b: {  	v38 =	vld [tilespmem:s0+$0x2BA0];
	v41 =	vbroadcast v1, $0x3;
	v10 =	vmul.f32 v33, v15;
	[tilespmem:s0+$0x2B30] =	vst v7  }
0x9c: {  	v39 =	vld [tilespmem:s0+$0x2BB0];
	v12 =	vmul.f32 v35, v15;
	[tilespmem:s0+$0x2B40] =	vst v8  }
0x9d: {  	v42 =	vld [tilespmem:s0+$0x2BD0];
	v13 =	vmul.f32 v36, v41;
	[tilespmem:s0+$0x2B60] =	vst v10  }
0x9e: {  	v43 =	vld [tilespmem:s0+$0x2BE0];
	v11 =	vmul.f32 v31, v15;
	[tilespmem:s0+$0x2B70] =	vst v12  }
0x9f: {  	v44 =	vld [tilespmem:s0+$0x2BF0];
	v9 =	vmul.f32 v37, v41;
	[tilespmem:s0+$0x2B80] =	vst v13  }
0xa0: {  	v40 =	vld [tilespmem:s0+$0x2BC0];
	v7 =	vmul.f32 v38, v41;
	[tilespmem:s0+$0x2B50] =	vst v11  }
0xa1: {  	v45 =	vld [tilespmem:s0+$0x2C00];
	v8 =	vmul.f32 v39, v41;
	[tilespmem:s0+$0x2B90] =	vst v9  }
0xa2: {  	v46 =	vld [tilespmem:s0+$0x2C10];
	v10 =	vmul.f32 v42, v41;
	[tilespmem:s0+$0x2BA0] =	vst v7  }
0xa3: {  	v47 =	vld [tilespmem:s0+$0x2C20];
	v12 =	vmul.f32 v43, v41;
	[tilespmem:s0+$0x2BB0] =	vst v8  }
0xa4: {  	v49 =	vld [tilespmem:s0+$0x2C40];
	v50 =	vbroadcast v1, $0x4;
	v13 =	vmul.f32 v44, v41;
	[tilespmem:s0+$0x2BD0] =	vst v10  }
0xa5: {  	v51 =	vld [tilespmem:s0+$0x2C50];
	v11 =	vmul.f32 v40, v41;
	[tilespmem:s0+$0x2BE0] =	vst v12  }
0xa6: {  	v52 =	vld [tilespmem:s0+$0x2C60];
	v9 =	vmul.f32 v45, v50;
	[tilespmem:s0+$0x2BF0] =	vst v13  }
0xa7: {  	v48 =	vld [tilespmem:s0+$0x2C30];
	v7 =	vmul.f32 v46, v50;
	[tilespmem:s0+$0x2BC0] =	vst v11  }
0xa8: {  	v53 =	vld [tilespmem:s0+$0x2C70];
	v8 =	vmul.f32 v47, v50;
	[tilespmem:s0+$0x2C00] =	vst v9  }
0xa9: {  	v54 =	vld [tilespmem:s0+$0x2C80];
	v10 =	vmul.f32 v49, v50;
	[tilespmem:s0+$0x2C10] =	vst v7  }
0xaa: {  	v55 =	vld [tilespmem:s0+$0x2C90];
	v12 =	vmul.f32 v51, v50;
	[tilespmem:s0+$0x2C20] =	vst v8  }
0xab: {  	v57 =	vld [tilespmem:s0+$0x2CB0];
	v13 =	vmul.f32 v52, v50;
	[tilespmem:s0+$0x2C40] =	vst v10  }
0xac: {  	v58 =	vld [tilespmem:s0+$0x2CC0];
	v59 =	vbroadcast v1, $0x5;
	v11 =	vmul.f32 v48, v50;
	[tilespmem:s0+$0x2C50] =	vst v12  }
0xad: {  	v60 =	vld [tilespmem:s0+$0x2CD0];
	v9 =	vmul.f32 v53, v50;
	[tilespmem:s0+$0x2C60] =	vst v13  }
0xae: {  	v56 =	vld [tilespmem:s0+$0x2CA0];
	v7 =	vmul.f32 v54, v59;
	[tilespmem:s0+$0x2C30] =	vst v11  }
0xaf: {  	v61 =	vld [tilespmem:s0+$0x2CE0];
	v8 =	vmul.f32 v55, v59;
	[tilespmem:s0+$0x2C70] =	vst v9  }
0xb0: {  	v62 =	vld [tilespmem:s0+$0x2CF0];
	v10 =	vmul.f32 v57, v59;
	[tilespmem:s0+$0x2C80] =	vst v7  }
0xb1: {  	v63 =	vld [tilespmem:s0+$0x2D00];
	v12 =	vmul.f32 v58, v59;
	[tilespmem:s0+$0x2C90] =	vst v8  }
0xb2: {  	v19 =	vld [tilespmem:s0+$0x2D20];
	v13 =	vmul.f32 v60, v59;
	[tilespmem:s0+$0x2CB0] =	vst v10  }
0xb3: {  	v20 =	vld [tilespmem:s0+$0x2D30];
	v11 =	vmul.f32 v56, v59;
	[tilespmem:s0+$0x2CC0] =	vst v12  }
0xb4: {  	v21 =	vld [tilespmem:s0+$0x2D40];
	v22 =	vbroadcast v1, $0x6;
	v9 =	vmul.f32 v61, v59;
	[tilespmem:s0+$0x2CD0] =	vst v13  }
0xb5: {  	v18 =	vld [tilespmem:s0+$0x2D10];
	v7 =	vmul.f32 v62, v59;
	[tilespmem:s0+$0x2CA0] =	vst v11  }
0xb6: {  	v23 =	vld [tilespmem:s0+$0x2D50];
	v8 =	vmul.f32 v63, v22;
	[tilespmem:s0+$0x2CE0] =	vst v9  }
0xb7: {  	v24 =	vld [tilespmem:s0+$0x2D60];
	v10 =	vmul.f32 v19, v22;
	[tilespmem:s0+$0x2CF0] =	vst v7  }
0xb8: {  	v25 =	vld [tilespmem:s0+$0x2D70];
	v12 =	vmul.f32 v20, v22;
	[tilespmem:s0+$0x2D00] =	vst v8  }
0xb9: {  	v27 =	vld [tilespmem:s0+$0x2D90];
	v13 =	vmul.f32 v21, v22;
	[tilespmem:s0+$0x2D20] =	vst v10  }
0xba: {  	v28 =	vld [tilespmem:s0+$0x2DA0];
	v11 =	vmul.f32 v18, v22;
	[tilespmem:s0+$0x2D30] =	vst v12  }
0xbb: {  	v29 =	vld [tilespmem:s0+$0x2DB0];
	v9 =	vmul.f32 v23, v22;
	[tilespmem:s0+$0x2D40] =	vst v13  }
0xbc: {  	v31 =	vbroadcast v1, $0x7;
	v53 =	vld [tilespmem:s0+$0x2F00];
	v7 =	vmul.f32 v24, v22;
	[tilespmem:s0+$0x2D10] =	vst v11  }
0xbd: {  	v57 =	vld [tilespmem:s0+$0x2F40];
	v8 =	vmul.f32 v25, v22;
	[tilespmem:s0+$0x2D50] =	vst v9  }
0xbe: {  	v58 =	vld [tilespmem:s0+$0x2F50];
	v10 =	vmul.f32 v27, v31;
	[tilespmem:s0+$0x2D60] =	vst v7  }
0xbf: {  	v26 =	vld [tilespmem:s0+$0x2D80];
	v12 =	vmul.f32 v28, v31;
	[tilespmem:s0+$0x2D70] =	vst v8  }
0xc0: {  	v30 =	vld [tilespmem:s0+$0x2DC0];
	v13 =	vmul.f32 v29, v31;
	[tilespmem:s0+$0x2D90] =	vst v10  }
0xc1: {  	v32 =	vld [tilespmem:s0+$0x2DD0];
	v59 =	vmul.f32 v53, v5;
	[tilespmem:s0+$0x2DA0] =	vst v12  }
0xc2: {  	v33 =	vld [tilespmem:s0+$0x2DE0];
	v18 =	vmul.f32 v57, v5;
	[tilespmem:s0+$0x2DB0] =	vst v13  }
0xc3: {  	v35 =	vld [tilespmem:s0+$0x2E00];
	v20 =	vmul.f32 v58, v5;
	[tilespmem:s0+$0x2F00] =	vst v59  }
0xc4: {  	v36 =	vld [tilespmem:s0+$0x2E10];
	v11 =	vmul.f32 v26, v31;
	[tilespmem:s0+$0x2F40] =	vst v18  }
0xc5: {  	v37 =	vld [tilespmem:s0+$0x2E20];
	v9 =	vmul.f32 v30, v31;
	[tilespmem:s0+$0x2F50] =	vst v20  }
0xc6: {  	v4 =	vld [tilespmem:s0+$0x2F80];
	v40 =	vbroadcast v1, $0x8;
	v7 =	vmul.f32 v32, v31;
	[tilespmem:s0+$0x2D80] =	vst v11  }
0xc7: {  	v6 =	vld [tilespmem:s0+$0x2F90];
	v8 =	vmul.f32 v33, v31;
	[tilespmem:s0+$0x2DC0] =	vst v9  }
0xc8: {  	v3 =	vld [tilespmem:s0+$0x31D0];
	v10 =	vmul.f32 v35, v40;
	[tilespmem:s0+$0x2DD0] =	vst v7  }
0xc9: {  	v61 =	vld [tilespmem:s0+$0x2A00];
	v23 =	vbroadcast v1, $0xB;
	v12 =	vmul.f32 v36, v40;
	[tilespmem:s0+$0x2DE0] =	vst v8  }
0xca: {  	v34 =	vld [tilespmem:s0+$0x2DF0];
	v13 =	vmul.f32 v37, v40;
	[tilespmem:s0+$0x2E00] =	vst v10  }
0xcb: {  	v38 =	vld [tilespmem:s0+$0x2E30];
	v27 =	vbroadcast v1, $0xF;
	v4 =	vmul.f32 v4, v23;
	[tilespmem:s0+$0x2E10] =	vst v12  }
0xcc: {  	v39 =	vld [tilespmem:s0+$0x2E40];
	v6 =	vmul.f32 v6, v23;
	[tilespmem:s0+$0x2E20] =	vst v13  }
0xcd: {  	v41 =	vld [tilespmem:s0+$0x2E50];
	v3 =	vmul.f32 v3, v27;
	[tilespmem:s0+$0x2F80] =	vst v4  }
0xce: {  	v43 =	vld [tilespmem:s0+$0x2E70];
	v24 =	vmul.f32 v2, v61;
	[tilespmem:s0+$0x2F90] =	vst v6  }
0xcf: {  	v44 =	vld [tilespmem:s0+$0x2E80];
	v11 =	vmul.f32 v34, v31;
	[tilespmem:s0+$0x31D0] =	vst v3  }
0xd0: {  	v45 =	vld [tilespmem:s0+$0x2E90];
	v9 =	vmul.f32 v38, v40;
	[tilespmem:s0+$0x2A00] =	vst v24  }
0xd1: {  	v63 =	vld [tilespmem:s0+$0x2A40];
	v7 =	vmul.f32 v39, v40;
	[tilespmem:s0+$0x2DF0] =	vst v11  }
0xd2: {  	v49 =	vbroadcast v1, $0x9;
	v29 =	vld [tilespmem:s0+$0x2FF0];
	v8 =	vmul.f32 v41, v40;
	[tilespmem:s0+$0x2E30] =	vst v9  }
0xd3: {  	v42 =	vld [tilespmem:s0+$0x2E60];
	v10 =	vmul.f32 v43, v40;
	[tilespmem:s0+$0x2E40] =	vst v7  }
0xd4: {  	v46 =	vld [tilespmem:s0+$0x2EA0];
	v12 =	vmul.f32 v44, v49;
	[tilespmem:s0+$0x2E50] =	vst v8  }
0xd5: {  	v47 =	vld [tilespmem:s0+$0x2EB0];
	v13 =	vmul.f32 v45, v49;
	[tilespmem:s0+$0x2E70] =	vst v10  }
0xd6: {  	v48 =	vld [tilespmem:s0+$0x2EC0];
	v3 =	vmul.f32 v63, v2;
	[tilespmem:s0+$0x2E80] =	vst v12  }
0xd7: {  	v51 =	vld [tilespmem:s0+$0x2EE0];
	v6 =	vmul.f32 v29, v23;
	[tilespmem:s0+$0x2E90] =	vst v13  }
0xd8: {  	v52 =	vld [tilespmem:s0+$0x2EF0];
	v11 =	vmul.f32 v42, v40;
	[tilespmem:s0+$0x2A40] =	vst v3  }
0xd9: {  	v28 =	vld [tilespmem:s0+$0x2FE0];
	v9 =	vmul.f32 v46, v49;
	[tilespmem:s0+$0x2FF0] =	vst v6  }
0xda: {  	v26 =	vld [tilespmem:s0+$0x2FD0];
	v7 =	vmul.f32 v47, v49;
	[tilespmem:s0+$0x2E60] =	vst v11  }
0xdb: {  	v30 =	vld [tilespmem:s0+$0x3000];
	v8 =	vmul.f32 v48, v49;
	[tilespmem:s0+$0x2EA0] =	vst v9  }
0xdc: {  	v50 =	vld [tilespmem:s0+$0x2ED0];
	v10 =	vmul.f32 v51, v49;
	[tilespmem:s0+$0x2EB0] =	vst v7  }
0xdd: {  	v54 =	vld [tilespmem:s0+$0x2F10];
	v12 =	vmul.f32 v52, v49;
	[tilespmem:s0+$0x2EC0] =	vst v8  }
0xde: {  	v55 =	vld [tilespmem:s0+$0x2F20];
	v35 =	vbroadcast v1, $0xC;
	v40 =	vmul.f32 v28, v23;
	[tilespmem:s0+$0x2EE0] =	vst v10  }
0xdf: {  	v56 =	vld [tilespmem:s0+$0x2F30];
	v32 =	vmul.f32 v26, v23;
	[tilespmem:s0+$0x2EF0] =	vst v12  }
0xe0: {  	v60 =	vld [tilespmem:s0+$0x2F60];
	v15 =	vmul.f32 v30, v35;
	[tilespmem:s0+$0x2FE0] =	vst v40  }
0xe1: {  	v62 =	vld [tilespmem:s0+$0x2A10];
	v11 =	vmul.f32 v50, v49;
	[tilespmem:s0+$0x2FD0] =	vst v32  }
0xe2: {  	v19 =	vld [tilespmem:s0+$0x2A50];
	v9 =	vmul.f32 v54, v5;
	[tilespmem:s0+$0x3000] =	vst v15  }
0xe3: {  	v33 =	vld [tilespmem:s0+$0x3030];
	v7 =	vmul.f32 v55, v5;
	[tilespmem:s0+$0x2ED0] =	vst v11  }
0xe4: {  	v61 =	vld [tilespmem:s0+$0x31F0];
	v8 =	vmul.f32 v56, v5;
	[tilespmem:s0+$0x2F10] =	vst v9  }
0xe5: {  	v38 =	vld [tilespmem:s0+$0x3070];
	v5 =	vmul.f32 v60, v5;
	[tilespmem:s0+$0x2F20] =	vst v7  }
0xe6: {  	v21 =	vld [tilespmem:s0+$0x2FA0];
	v12 =	vmul.f32 v62, v2;
	[tilespmem:s0+$0x2F30] =	vst v8  }
0xe7: {  	v22 =	vld [tilespmem:s0+$0x2FB0];
	v2 =	vmul.f32 v19, v2;
	[tilespmem:s0+$0x2F60] =	vst v5  }
0xe8: {  	v25 =	vld [tilespmem:s0+$0x2FC0];
	v62 =	vmul.f32 v33, v35;
	[tilespmem:s0+$0x2A10] =	vst v12  }
0xe9: {  	v31 =	vld [tilespmem:s0+$0x3010];
	v63 =	vmul.f32 v61, v27;
	[tilespmem:s0+$0x2A50] =	vst v2  }
0xea: {  	v34 =	vld [tilespmem:s0+$0x3040];
	v15 =	vmul.f32 v38, v35;
	[tilespmem:s0+$0x3030] =	vst v62  }
0xeb: {  	v41 =	vld [tilespmem:s0+$0x30A0];
	v7 =	vmul.f32 v21, v23;
	[tilespmem:s0+$0x31F0] =	vst v63  }
0xec: {  	v46 =	vld [tilespmem:s0+$0x30E0];
	v8 =	vmul.f32 v22, v23;
	[tilespmem:s0+$0x3070] =	vst v15  }
0xed: {  	v36 =	vld [tilespmem:s0+$0x3050];
	v5 =	vmul.f32 v25, v23;
	[tilespmem:s0+$0x2FA0] =	vst v7  }
0xee: {  	v44 =	vbroadcast v1, $0xD;
	v9 =	vmul.f32 v31, v35;
	v2 =	vld [tilespmem:s0+$0x3090];
	[tilespmem:s0+$0x2FB0] =	vst v8  }
0xef: {  	v37 =	vld [tilespmem:s0+$0x3060];
	v12 =	vmul.f32 v34, v35;
	[tilespmem:s0+$0x2FC0] =	vst v5  }
0xf0: {  	v39 =	vld [tilespmem:s0+$0x3080];
	v11 =	vmul.f32 v41, v44;
	[tilespmem:s0+$0x3010] =	vst v9  }
0xf1: {  	v42 =	vld [tilespmem:s0+$0x30B0];
	v51 =	vmul.f32 v46, v44;
	[tilespmem:s0+$0x3040] =	vst v12  }
0xf2: {  	v48 =	vld [tilespmem:s0+$0x3110];
	v8 =	vmul.f32 v36, v35;
	[tilespmem:s0+$0x30A0] =	vst v11  }
0xf3: {  	v49 =	vld [tilespmem:s0+$0x3120];
	[tilespmem:s0+$0x30E0] =	vst v51;
	v2 =	vmul.f32 v2, v44  }
0xf4: {  	v50 =	vld [tilespmem:s0+$0x3130];
	v5 =	vmul.f32 v37, v35;
	[tilespmem:s0+$0x3050] =	vst v8  }
0xf5: {  	v1 =	vbroadcast v1, $0xE;
	v9 =	vmul.f32 v39, v44;
	[tilespmem:s0+$0x3090] =	vst v2;
	v2 =	vld [tilespmem:s0+$0x3100]  }
0xf6: {  	v60 =	vld [tilespmem:s0+$0x31E0];
	v12 =	vmul.f32 v42, v44;
	[tilespmem:s0+$0x3060] =	vst v5  }
0xf7: {  	v45 =	vld [tilespmem:s0+$0x30D0];
	v11 =	vmul.f32 v48, v1;
	[tilespmem:s0+$0x3080] =	vst v9  }
0xf8: {  	v47 =	vld [tilespmem:s0+$0x30F0];
	v10 =	vmul.f32 v49, v1;
	[tilespmem:s0+$0x30B0] =	vst v12  }
0xf9: {  	v43 =	vld [tilespmem:s0+$0x30C0];
	v6 =	vmul.f32 v50, v1;
	[tilespmem:s0+$0x3110] =	vst v11  }
0xfa: {  	v55 =	vld [tilespmem:s0+$0x3180];
	[tilespmem:s0+$0x3120] =	vst v10;
	v2 =	vmul.f32 v2, v1  }
0xfb: {  	v57 =	vld [tilespmem:s0+$0x31A0];
	v4 =	vmul.f32 v60, v27;
	[tilespmem:s0+$0x3130] =	vst v6  }
0xfc: {  	v5 =	vmul.f32 v45, v44;
	[tilespmem:s0+$0x3100] =	vst v2;
	v2 =	vld [tilespmem:s0+$0x3170]  }
0xfd: {  	v52 =	vld [tilespmem:s0+$0x3140];
	v9 =	vmul.f32 v47, v44;
	[tilespmem:s0+$0x31E0] =	vst v4  }
0xfe: {  	v56 =	vld [tilespmem:s0+$0x3190];
	v8 =	vmul.f32 v43, v44;
	[tilespmem:s0+$0x30D0] =	vst v5  }
0xff: {  	v54 =	vld [tilespmem:s0+$0x3160];
	v11 =	vmul.f32 v55, v27;
	[tilespmem:s0+$0x30F0] =	vst v9  }
0x100: {  	v58 =	vld [tilespmem:s0+$0x31B0];
	v6 =	vmul.f32 v57, v27;
	[tilespmem:s0+$0x30C0] =	vst v8  }
0x101: {  	v53 =	vld [tilespmem:s0+$0x3150];
	[tilespmem:s0+$0x3180] =	vst v11;
	v2 =	vmul.f32 v2, v1  }
0x102: {  	v59 =	vld [tilespmem:s0+$0x31C0];
	v5 =	vmul.f32 v52, v1;
	[tilespmem:s0+$0x31A0] =	vst v6  }
0x103: {  	[tilespmem:s0+$0x3170] =	vst v2;
	v2 =	vmul.f32 v56, v27  }
0x104: {  	v3 =	vld [tilespmem:s0+$0x3020];
	v9 =	vmul.f32 v54, v1;
	[tilespmem:s0+$0x3140] =	vst v5  }
0x105: {  	[tilespmem:s0+$0x3190] =	vst v2;
	v2 =	vmul.f32 v58, v27  }
0x106: {  	[tilespmem:s0+$0x3160] =	vst v9;
	v1 =	vmul.f32 v53, v1  }
0x107: {  	[tilespmem:s0+$0x31B0] =	vst v2;
	v2 =	vmul.f32 v59, v27  }
0x108: {  	[tilespmem:s0+$0x3150] =	vst v1  }
0x109: {  	s4 =	simm.s32 $0x1;
	[tilespmem:s0+$0x31C0] =	vst v2;
	v2 =	vmul.f32 v3, v35  }
.LBB2_5:
0x10a: {  	s7 =	sshll.u32 s4, $0x4  }
0x10b: {  	p0 =	sne.s32 s4, $0x7;
	[tilespmem:s0+$0x3020] =	vst v2;
	s0 =	smov.u32 s4;
	s4 =	sadd.s32 $0x1, s4  }
0x10c: {  	s7 =	sand.u32 $0x3FFFFFF0, s7  }
0x10d: {  	s0 =	sshll.u32 s0, $0xB;
	v1 =	vld [tilespmem:s7+$0x2980]  }
0x10e: {  	s0 =	sand.u32 $0x3FFFF800, s0  }
0x10f: {  	v8 =	vld [tilespmem:s0+$0x2AC0]  }
0x110: {  	v9 =	vld [tilespmem:s0+$0x2AD0]  }
0x111: {  	v10 =	vld [tilespmem:s0+$0x2AB0]  }
0x112: {  	v2 =	vbroadcast v1, $0x0;
	v3 =	vld [tilespmem:s0+$0x2A20];
	v7 =	vbroadcast v1, $0x4  }
0x113: {  	v5 =	vld [tilespmem:s0+$0x2A30]  }
0x114: {  	v6 =	vld [tilespmem:s0+$0x2F70]  }
0x115: {  	v11 =	vld [tilespmem:s0+$0x2A60]  }
0x116: {  	v12 =	vld [tilespmem:s0+$0x2A70]  }
0x117: {  	v4 =	vbroadcast v1, $0xA;
	v3 =	vmul.f32 v3, v2;
	v13 =	vld [tilespmem:s0+$0x2A80]  }
0x118: {  	v5 =	vmul.f32 v5, v2;
	v14 =	vld [tilespmem:s0+$0x2A90]  }
0x119: {  	[tilespmem:s0+$0x2A20] =	vst v3;
	v15 =	vld [tilespmem:s0+$0x2AA0];
	v3 =	vmul.f32 v6, v4  }
0x11a: {  	[tilespmem:s0+$0x2A30] =	vst v5;
	v6 =	vmul.f32 v11, v2;
	v11 =	vbroadcast v1, $0x1;
	v5 =	vld [tilespmem:s0+$0x2F80]  }
0x11b: {  	v12 =	vmul.f32 v12, v2;
	[tilespmem:s0+$0x2F70] =	vst v3;
	v3 =	vld [tilespmem:s0+$0x31D0]  }
0x11c: {  	[tilespmem:s0+$0x2A60] =	vst v6;
	v13 =	vmul.f32 v13, v11;
	v6 =	vld [tilespmem:s0+$0x2F90]  }
0x11d: {  	[tilespmem:s0+$0x2A70] =	vst v12;
	v12 =	vmul.f32 v14, v11;
	v14 =	vld [tilespmem:s0+$0x2AE0]  }
0x11e: {  	[tilespmem:s0+$0x2A80] =	vst v13;
	v13 =	vmul.f32 v15, v11;
	v15 =	vld [tilespmem:s0+$0x2AF0]  }
0x11f: {  	v10 =	vmul.f32 v10, v11;
	[tilespmem:s0+$0x2A90] =	vst v12;
	v12 =	vld [tilespmem:s0+$0x2B00]  }
0x120: {  	v8 =	vmul.f32 v8, v11;
	[tilespmem:s0+$0x2AA0] =	vst v13;
	v13 =	vld [tilespmem:s0+$0x2B10]  }
0x121: {  	v9 =	vmul.f32 v9, v11;
	[tilespmem:s0+$0x2AB0] =	vst v10;
	v10 =	vld [tilespmem:s0+$0x2B20]  }
0x122: {  	[tilespmem:s0+$0x2AC0] =	vst v8;
	v8 =	vmul.f32 v14, v11;
	v14 =	vbroadcast v1, $0x2;
	v16 =	vld [tilespmem:s0+$0x2B30]  }
0x123: {  	[tilespmem:s0+$0x2AD0] =	vst v9;
	v9 =	vmul.f32 v15, v11;
	v11 =	vld [tilespmem:s0+$0x2B40]  }
0x124: {  	[tilespmem:s0+$0x2AE0] =	vst v8;
	v8 =	vmul.f32 v12, v14;
	v12 =	vld [tilespmem:s0+$0x2B50]  }
0x125: {  	[tilespmem:s0+$0x2AF0] =	vst v9;
	v9 =	vmul.f32 v13, v14;
	v13 =	vld [tilespmem:s0+$0x2B60]  }
0x126: {  	[tilespmem:s0+$0x2B00] =	vst v8;
	v8 =	vmul.f32 v10, v14;
	v10 =	vld [tilespmem:s0+$0x2B70]  }
0x127: {  	[tilespmem:s0+$0x2B10] =	vst v9;
	v9 =	vmul.f32 v16, v14;
	v15 =	vld [tilespmem:s0+$0x2B80]  }
0x128: {  	[tilespmem:s0+$0x2B20] =	vst v8;
	v8 =	vmul.f32 v11, v14;
	v11 =	vld [tilespmem:s0+$0x2B90]  }
0x129: {  	[tilespmem:s0+$0x2B30] =	vst v9;
	v9 =	vmul.f32 v12, v14;
	v12 =	vld [tilespmem:s0+$0x2BA0]  }
0x12a: {  	[tilespmem:s0+$0x2B40] =	vst v8;
	v8 =	vmul.f32 v13, v14;
	v13 =	vbroadcast v1, $0x3;
	v16 =	vld [tilespmem:s0+$0x2BB0]  }
0x12b: {  	[tilespmem:s0+$0x2B50] =	vst v9;
	v9 =	vmul.f32 v10, v14;
	v10 =	vld [tilespmem:s0+$0x2BC0]  }
0x12c: {  	[tilespmem:s0+$0x2B60] =	vst v8;
	v8 =	vmul.f32 v15, v13;
	v14 =	vld [tilespmem:s0+$0x2BD0]  }
0x12d: {  	[tilespmem:s0+$0x2B70] =	vst v9;
	v9 =	vmul.f32 v11, v13;
	v11 =	vld [tilespmem:s0+$0x2BE0]  }
0x12e: {  	[tilespmem:s0+$0x2B80] =	vst v8;
	v8 =	vmul.f32 v12, v13;
	v12 =	vld [tilespmem:s0+$0x2BF0]  }
0x12f: {  	[tilespmem:s0+$0x2B90] =	vst v9;
	v9 =	vmul.f32 v16, v13;
	v15 =	vld [tilespmem:s0+$0x2C00]  }
0x130: {  	[tilespmem:s0+$0x2BA0] =	vst v8;
	v8 =	vmul.f32 v10, v13;
	v10 =	vld [tilespmem:s0+$0x2C10]  }
0x131: {  	[tilespmem:s0+$0x2BB0] =	vst v9;
	v9 =	vmul.f32 v14, v13;
	v14 =	vld [tilespmem:s0+$0x2C20]  }
0x132: {  	[tilespmem:s0+$0x2BC0] =	vst v8;
	v8 =	vmul.f32 v11, v13;
	v11 =	vld [tilespmem:s0+$0x2C30]  }
0x133: {  	[tilespmem:s0+$0x2BD0] =	vst v9;
	v9 =	vmul.f32 v12, v13;
	v12 =	vld [tilespmem:s0+$0x2C40]  }
0x134: {  	[tilespmem:s0+$0x2BE0] =	vst v8;
	v8 =	vmul.f32 v15, v7;
	v13 =	vld [tilespmem:s0+$0x2C50]  }
0x135: {  	[tilespmem:s0+$0x2BF0] =	vst v9;
	v9 =	vmul.f32 v10, v7;
	v10 =	vld [tilespmem:s0+$0x2C60]  }
0x136: {  	[tilespmem:s0+$0x2C00] =	vst v8;
	v8 =	vmul.f32 v14, v7;
	v14 =	vld [tilespmem:s0+$0x2C70]  }
0x137: {  	[tilespmem:s0+$0x2C10] =	vst v9;
	v9 =	vmul.f32 v11, v7;
	v11 =	vld [tilespmem:s0+$0x2C80]  }
0x138: {  	[tilespmem:s0+$0x2C20] =	vst v8;
	v8 =	vmul.f32 v12, v7;
	v12 =	vld [tilespmem:s0+$0x2C90]  }
0x139: {  	[tilespmem:s0+$0x2C30] =	vst v9;
	v9 =	vmul.f32 v13, v7;
	v13 =	vld [tilespmem:s0+$0x2CA0]  }
0x13a: {  	[tilespmem:s0+$0x2C40] =	vst v8;
	v8 =	vmul.f32 v10, v7;
	v10 =	vbroadcast v1, $0x5;
	v15 =	vld [tilespmem:s0+$0x2CB0]  }
0x13b: {  	[tilespmem:s0+$0x2C50] =	vst v9;
	v7 =	vmul.f32 v14, v7;
	v9 =	vld [tilespmem:s0+$0x2CC0]  }
0x13c: {  	[tilespmem:s0+$0x2C60] =	vst v8;
	v8 =	vmul.f32 v11, v10;
	v11 =	vld [tilespmem:s0+$0x2CD0]  }
0x13d: {  	[tilespmem:s0+$0x2C70] =	vst v7;
	v7 =	vmul.f32 v12, v10;
	v12 =	vld [tilespmem:s0+$0x2CE0]  }
0x13e: {  	[tilespmem:s0+$0x2C80] =	vst v8;
	v8 =	vmul.f32 v13, v10;
	v13 =	vld [tilespmem:s0+$0x2CF0]  }
0x13f: {  	[tilespmem:s0+$0x2C90] =	vst v7;
	v7 =	vmul.f32 v15, v10;
	v14 =	vld [tilespmem:s0+$0x2D00]  }
0x140: {  	[tilespmem:s0+$0x2CA0] =	vst v8;
	v8 =	vmul.f32 v9, v10;
	v9 =	vld [tilespmem:s0+$0x2D10]  }
0x141: {  	[tilespmem:s0+$0x2CB0] =	vst v7;
	v7 =	vmul.f32 v11, v10;
	v11 =	vld [tilespmem:s0+$0x2D20]  }
0x142: {  	[tilespmem:s0+$0x2CC0] =	vst v8;
	v8 =	vmul.f32 v12, v10;
	v12 =	vbroadcast v1, $0x6;
	v15 =	vld [tilespmem:s0+$0x2D30]  }
0x143: {  	[tilespmem:s0+$0x2CD0] =	vst v7;
	v7 =	vmul.f32 v13, v10;
	v10 =	vld [tilespmem:s0+$0x2D40]  }
0x144: {  	[tilespmem:s0+$0x2CE0] =	vst v8;
	v8 =	vmul.f32 v14, v12;
	v13 =	vld [tilespmem:s0+$0x2D50]  }
0x145: {  	[tilespmem:s0+$0x2CF0] =	vst v7;
	v7 =	vmul.f32 v9, v12;
	v9 =	vld [tilespmem:s0+$0x2D60]  }
0x146: {  	[tilespmem:s0+$0x2D00] =	vst v8;
	v8 =	vmul.f32 v11, v12;
	v11 =	vld [tilespmem:s0+$0x2D70]  }
0x147: {  	[tilespmem:s0+$0x2D10] =	vst v7;
	v7 =	vmul.f32 v15, v12;
	v14 =	vld [tilespmem:s0+$0x2D80]  }
0x148: {  	[tilespmem:s0+$0x2D20] =	vst v8;
	v8 =	vmul.f32 v10, v12;
	v10 =	vld [tilespmem:s0+$0x2D90]  }
0x149: {  	[tilespmem:s0+$0x2D30] =	vst v7;
	v7 =	vmul.f32 v13, v12;
	v13 =	vld [tilespmem:s0+$0x2DA0]  }
0x14a: {  	[tilespmem:s0+$0x2D40] =	vst v8;
	v8 =	vmul.f32 v9, v12;
	v9 =	vbroadcast v1, $0x7;
	v15 =	vld [tilespmem:s0+$0x2DB0]  }
0x14b: {  	[tilespmem:s0+$0x2D50] =	vst v7;
	v7 =	vmul.f32 v11, v12;
	v11 =	vld [tilespmem:s0+$0x2DC0]  }
0x14c: {  	[tilespmem:s0+$0x2D60] =	vst v8;
	v8 =	vmul.f32 v14, v9;
	v12 =	vld [tilespmem:s0+$0x2DD0]  }
0x14d: {  	[tilespmem:s0+$0x2D70] =	vst v7;
	v7 =	vmul.f32 v10, v9;
	v10 =	vld [tilespmem:s0+$0x2DE0]  }
0x14e: {  	[tilespmem:s0+$0x2D80] =	vst v8;
	v8 =	vmul.f32 v13, v9;
	v13 =	vld [tilespmem:s0+$0x2DF0]  }
0x14f: {  	[tilespmem:s0+$0x2D90] =	vst v7;
	v7 =	vmul.f32 v15, v9;
	v14 =	vld [tilespmem:s0+$0x2E00]  }
0x150: {  	[tilespmem:s0+$0x2DA0] =	vst v8;
	v8 =	vmul.f32 v11, v9;
	v11 =	vld [tilespmem:s0+$0x2E10]  }
0x151: {  	[tilespmem:s0+$0x2DB0] =	vst v7;
	v7 =	vmul.f32 v12, v9;
	v12 =	vld [tilespmem:s0+$0x2E20]  }
0x152: {  	[tilespmem:s0+$0x2DC0] =	vst v8;
	v8 =	vmul.f32 v10, v9;
	v10 =	vbroadcast v1, $0x8;
	v15 =	vld [tilespmem:s0+$0x2E30]  }
0x153: {  	[tilespmem:s0+$0x2DD0] =	vst v7;
	v7 =	vmul.f32 v13, v9;
	v9 =	vld [tilespmem:s0+$0x2E40]  }
0x154: {  	[tilespmem:s0+$0x2DE0] =	vst v8;
	v8 =	vmul.f32 v14, v10;
	v13 =	vld [tilespmem:s0+$0x2E50]  }
0x155: {  	[tilespmem:s0+$0x2DF0] =	vst v7;
	v7 =	vmul.f32 v11, v10;
	v11 =	vld [tilespmem:s0+$0x2E60]  }
0x156: {  	[tilespmem:s0+$0x2E00] =	vst v8;
	v8 =	vmul.f32 v12, v10;
	v12 =	vld [tilespmem:s0+$0x2E70]  }
0x157: {  	[tilespmem:s0+$0x2E10] =	vst v7;
	v7 =	vmul.f32 v15, v10;
	v14 =	vld [tilespmem:s0+$0x2E80]  }
0x158: {  	[tilespmem:s0+$0x2E20] =	vst v8;
	v8 =	vmul.f32 v9, v10;
	v9 =	vld [tilespmem:s0+$0x2E90]  }
0x159: {  	[tilespmem:s0+$0x2E30] =	vst v7;
	v7 =	vmul.f32 v13, v10;
	v13 =	vld [tilespmem:s0+$0x2EA0]  }
0x15a: {  	[tilespmem:s0+$0x2E40] =	vst v8;
	v8 =	vmul.f32 v11, v10;
	v11 =	vbroadcast v1, $0x9;
	v15 =	vld [tilespmem:s0+$0x2EB0]  }
0x15b: {  	[tilespmem:s0+$0x2E50] =	vst v7;
	v7 =	vmul.f32 v12, v10;
	v10 =	vld [tilespmem:s0+$0x2EC0]  }
0x15c: {  	[tilespmem:s0+$0x2E60] =	vst v8;
	v8 =	vmul.f32 v14, v11;
	v12 =	vld [tilespmem:s0+$0x2ED0]  }
0x15d: {  	[tilespmem:s0+$0x2E70] =	vst v7;
	v7 =	vmul.f32 v9, v11;
	v9 =	vld [tilespmem:s0+$0x2EE0]  }
0x15e: {  	[tilespmem:s0+$0x2E80] =	vst v8;
	v8 =	vmul.f32 v13, v11;
	v13 =	vld [tilespmem:s0+$0x2EF0]  }
0x15f: {  	[tilespmem:s0+$0x2E90] =	vst v7;
	v7 =	vmul.f32 v15, v11;
	v14 =	vld [tilespmem:s0+$0x2F00]  }
0x160: {  	[tilespmem:s0+$0x2EA0] =	vst v8;
	v8 =	vmul.f32 v10, v11;
	v10 =	vld [tilespmem:s0+$0x2F10]  }
0x161: {  	[tilespmem:s0+$0x2EB0] =	vst v7;
	v7 =	vmul.f32 v12, v11;
	v12 =	vld [tilespmem:s0+$0x2F20]  }
0x162: {  	[tilespmem:s0+$0x2EC0] =	vst v8;
	v8 =	vmul.f32 v9, v11;
	v9 =	vld [tilespmem:s0+$0x2F30]  }
0x163: {  	[tilespmem:s0+$0x2ED0] =	vst v7;
	v7 =	vmul.f32 v13, v11;
	v11 =	vld [tilespmem:s0+$0x2F40]  }
0x164: {  	[tilespmem:s0+$0x2EE0] =	vst v8;
	v8 =	vmul.f32 v14, v4;
	v13 =	vld [tilespmem:s0+$0x2F50]  }
0x165: {  	[tilespmem:s0+$0x2EF0] =	vst v7;
	v7 =	vmul.f32 v10, v4;
	v10 =	vld [tilespmem:s0+$0x2F60]  }
0x166: {  	v14 =	vld [tilespmem:s0+$0x2A00];
	[tilespmem:s0+$0x2F00] =	vst v8;
	v8 =	vmul.f32 v12, v4  }
0x167: {  	v12 =	vld [tilespmem:s0+$0x2A10];
	[tilespmem:s0+$0x2F10] =	vst v7;
	v7 =	vmul.f32 v9, v4  }
0x168: {  	v9 =	vld [tilespmem:s0+$0x2A40];
	[tilespmem:s0+$0x2F20] =	vst v8;
	v8 =	vmul.f32 v11, v4  }
0x169: {  	v11 =	vld [tilespmem:s0+$0x2A50];
	[tilespmem:s0+$0x2F30] =	vst v7;
	v7 =	vmul.f32 v13, v4  }
0x16a: {  	[tilespmem:s0+$0x2F40] =	vst v8;
	v8 =	vmul.f32 v10, v4;
	v10 =	vbroadcast v1, $0xB;
	v13 =	vld [tilespmem:s0+$0x2FA0]  }
0x16b: {  	v4 =	vbroadcast v1, $0xF;
	v14 =	vmul.f32 v2, v14;
	[tilespmem:s0+$0x2F50] =	vst v7;
	v7 =	vld [tilespmem:s0+$0x2FB0]  }
0x16c: {  	v12 =	vmul.f32 v12, v2;
	[tilespmem:s0+$0x2F60] =	vst v8;
	v5 =	vmul.f32 v5, v10;
	v8 =	vld [tilespmem:s0+$0x2FC0]  }
0x16d: {  	v6 =	vmul.f32 v6, v10;
	[tilespmem:s0+$0x2A00] =	vst v14;
	v9 =	vmul.f32 v9, v2;
	v14 =	vld [tilespmem:s0+$0x2FD0]  }
0x16e: {  	v3 =	vmul.f32 v3, v4;
	v11 =	vmul.f32 v11, v2;
	[tilespmem:s0+$0x2F80] =	vst v5;
	v2 =	vld [tilespmem:s0+$0x2FE0]  }
0x16f: {  	[tilespmem:s0+$0x2F90] =	vst v6;
	v5 =	vmul.f32 v13, v10;
	v6 =	vld [tilespmem:s0+$0x2FF0]  }
0x170: {  	v7 =	vmul.f32 v7, v10;
	v13 =	vld [tilespmem:s0+$0x3000];
	[tilespmem:s0+$0x31D0] =	vst v3  }
0x171: {  	[tilespmem:s0+$0x2A10] =	vst v12;
	v3 =	vmul.f32 v8, v10;
	v8 =	vld [tilespmem:s0+$0x3010]  }
0x172: {  	[tilespmem:s0+$0x2A40] =	vst v9;
	v9 =	vmul.f32 v14, v10;
	v12 =	vld [tilespmem:s0+$0x3020]  }
0x173: {  	v14 =	vbroadcast v1, $0xC;
	[tilespmem:s0+$0x2FA0] =	vst v5;
	v5 =	vmul.f32 v2, v10;
	v15 =	vld [tilespmem:s0+$0x3030]  }
0x174: {  	[tilespmem:s0+$0x2FD0] =	vst v9;
	v6 =	vmul.f32 v6, v10;
	v9 =	vld [tilespmem:s0+$0x3040]  }
0x175: {  	[tilespmem:s0+$0x2FB0] =	vst v7;
	v2 =	vmul.f32 v13, v14;
	v7 =	vld [tilespmem:s0+$0x3050]  }
0x176: {  	[tilespmem:s0+$0x2FC0] =	vst v3;
	v3 =	vmul.f32 v8, v14;
	v8 =	vld [tilespmem:s0+$0x3060]  }
0x177: {  	[tilespmem:s0+$0x3000] =	vst v2;
	v2 =	vmul.f32 v12, v14;
	v10 =	vld [tilespmem:s0+$0x3070]  }
0x178: {  	[tilespmem:s0+$0x3010] =	vst v3;
	v3 =	vld [tilespmem:s0+$0x3080]  }
0x179: {  	[tilespmem:s0+$0x2A50] =	vst v11;
	v9 =	vmul.f32 v9, v14;
	v11 =	vld [tilespmem:s0+$0x3090]  }
0x17a: {  	[tilespmem:s0+$0x2FE0] =	vst v5;
	v5 =	vmul.f32 v7, v14;
	v7 =	vld [tilespmem:s0+$0x30A0]  }
0x17b: {  	[tilespmem:s0+$0x3040] =	vst v9;
	v8 =	vmul.f32 v8, v14;
	v9 =	vbroadcast v1, $0xD;
	v12 =	vld [tilespmem:s0+$0x30B0]  }
0x17c: {  	[tilespmem:s0+$0x3050] =	vst v5;
	v5 =	vmul.f32 v10, v14;
	v10 =	vld [tilespmem:s0+$0x30C0]  }
0x17d: {  	[tilespmem:s0+$0x3060] =	vst v8;
	v3 =	vmul.f32 v3, v9;
	v8 =	vld [tilespmem:s0+$0x30D0]  }
0x17e: {  	[tilespmem:s0+$0x3070] =	vst v5;
	v5 =	vmul.f32 v11, v9;
	v11 =	vld [tilespmem:s0+$0x30E0]  }
0x17f: {  	[tilespmem:s0+$0x3080] =	vst v3;
	v3 =	vmul.f32 v7, v9;
	v7 =	vld [tilespmem:s0+$0x30F0]  }
0x180: {  	[tilespmem:s0+$0x3090] =	vst v5;
	v5 =	vmul.f32 v12, v9;
	v12 =	vld [tilespmem:s0+$0x3100]  }
0x181: {  	[tilespmem:s0+$0x30A0] =	vst v3;
	v3 =	vmul.f32 v10, v9;
	v10 =	vld [tilespmem:s0+$0x3110]  }
0x182: {  	[tilespmem:s0+$0x30B0] =	vst v5;
	v5 =	vmul.f32 v8, v9;
	v8 =	vld [tilespmem:s0+$0x3120]  }
0x183: {  	v1 =	vbroadcast v1, $0xE;
	[tilespmem:s0+$0x2FF0] =	vst v6;
	v6 =	vmul.f32 v11, v9;
	v11 =	vld [tilespmem:s0+$0x3130]  }
0x184: {  	[tilespmem:s0+$0x30D0] =	vst v5;
	v5 =	vmul.f32 v7, v9;
	v7 =	vld [tilespmem:s0+$0x3140]  }
0x185: {  	[tilespmem:s0+$0x30E0] =	vst v6;
	v6 =	vmul.f32 v12, v1;
	v9 =	vld [tilespmem:s0+$0x3150]  }
0x186: {  	[tilespmem:s0+$0x30F0] =	vst v5;
	v5 =	vmul.f32 v10, v1;
	v10 =	vld [tilespmem:s0+$0x3160]  }
0x187: {  	[tilespmem:s0+$0x3100] =	vst v6;
	v6 =	vmul.f32 v8, v1;
	v8 =	vld [tilespmem:s0+$0x3170]  }
0x188: {  	[tilespmem:s0+$0x3110] =	vst v5;
	v5 =	vmul.f32 v11, v1;
	v11 =	vld [tilespmem:s0+$0x3180]  }
0x189: {  	[tilespmem:s0+$0x3120] =	vst v6;
	v6 =	vmul.f32 v7, v1;
	v7 =	vld [tilespmem:s0+$0x3190]  }
0x18a: {  	[tilespmem:s0+$0x3130] =	vst v5;
	v5 =	vmul.f32 v9, v1;
	v9 =	vld [tilespmem:s0+$0x31A0]  }
0x18b: {  	[tilespmem:s0+$0x3140] =	vst v6;
	v6 =	vmul.f32 v10, v1;
	v10 =	vld [tilespmem:s0+$0x31B0]  }
0x18c: {  	[tilespmem:s0+$0x30C0] =	vst v3;
	v1 =	vmul.f32 v8, v1;
	v3 =	vld [tilespmem:s0+$0x31C0]  }
0x18d: {  	[tilespmem:s0+$0x3160] =	vst v6;
	v6 =	vmul.f32 v11, v4;
	v8 =	vld [tilespmem:s0+$0x31E0]  }
0x18e: {  	[tilespmem:s0+$0x3170] =	vst v1;
	v1 =	vmul.f32 v7, v4;
	v7 =	vld [tilespmem:s0+$0x31F0]  }
0x18f: {  	[tilespmem:s0+$0x3180] =	vst v6;
	v6 =	vmul.f32 v9, v4  }
0x190: {  	[tilespmem:s0+$0x3190] =	vst v1;
	v1 =	vmul.f32 v10, v4  }
0x191: {  	v9 =	vmul.f32 v15, v14;
	[tilespmem:s0+$0x31A0] =	vst v6  }
0x192: {  	[tilespmem:s0+$0x31B0] =	vst v1;
	v1 =	vmul.f32 v3, v4  }
.Ltmp1:
0x193: {  	[tilespmem:s0+$0x3030] =	vst v9;
	v3 =	vmul.f32 v7, v4;
	(pc) =	sbr.rel @p0 .LBB2_5-.Ltmp1, $4  }
0x194: {  	[tilespmem:s0+$0x31C0] =	vst v1  }
0x195: {  	v1 =	vmul.f32 v8, v4;
	[tilespmem:s0+$0x31F0] =	vst v3  }
0x196: {  	[tilespmem:s0+$0x3150] =	vst v5  }
0x197: {  	[tilespmem:s0+$0x31E0] =	vst v1  }
0x198: {  	s31 =	sadd.s32 $0x1, s31  }
0x199: {  	p0 =	sne.s32 s31, $0x51  }
.Ltmp2:
0x19a: {  	[tilespmem:s0+$0x3020] =	vst v2;
	(pc) =	sbr.rel @p0 .LBB2_4-.Ltmp2, $4  }
0x19b: {  	[spmem:s2] =	stream.indirect.scatter.add.f32 [tilespmem:s22], [sflag:$0x2], $0x80, s24, s26, $0xb8;
	[tilespmem:$0x1AA00] =	vst v63  }
0x19c: {  	_ =	swait.ge [sflag:s21], $0x4000  }
0x19d: {  	[sflag:s21] =	ssyncset.done $0x0  }
0x19e: {  	[sflag:s21] =	ssyncadd.s32 $0xFFFFC000  }
0x19f: {  	[bflag:$0x0] =	sbarrier.arrive $0xFFFF  }
0x1a0: {  	[tilespmem:s22], [sflag:$0x2] =	stream.linear.gather [spmem:s9], $0x4000, $0x38;
	[tilespmem:$0x1AA00] =	vst v63  }
0x1a1: {  	_ =	swait.ge [sflag:s21], $0x4000  }
0x1a2: {  	[sflag:s21] =	ssyncset.done $0x0  }
0x1a3: {  	[sflag:s21] =	ssyncadd.s32 $0xFFFFC000  }
0x1a4: {  	[hbm4b:s15+s3] =	stream.linear.scatter [tilespmem:s22], [sflag:$0x2], $0x4000, $0x38;
	[tilespmem:$0x1AA00] =	vst v63  }
0x1a5: {  	_ =	swait.ge [sflag:s21], $0x4000  }
0x1a6: {  	[sflag:s21] =	ssyncset.done $0x0  }
0x1a7: {  	[sflag:s21] =	ssyncadd.s32 $0xFFFFC000  }
0x1a8: {  	[tilespmem:s22], [sflag:$0x2] =	stream.linear.gather [spmem:s10], $0x4000, $0x38;
	[tilespmem:$0x1AA00] =	vst v63  }
0x1a9: {  	_ =	swait.ge [sflag:s21], $0x4000  }
0x1aa: {  	[sflag:s21] =	ssyncset.done $0x0  }
0x1ab: {  	[sflag:s21] =	ssyncadd.s32 $0xFFFFC000  }
0x1ac: {  	[hbm4b:s16+s3] =	stream.linear.scatter [tilespmem:s22], [sflag:$0x2], $0x4000, $0x38;
	[tilespmem:$0x1AA00] =	vst v63  }
0x1ad: {  	_ =	swait.ge [sflag:s21], $0x4000  }
0x1ae: {  	[sflag:s21] =	ssyncset.done $0x0  }
0x1af: {  	[sflag:s21] =	ssyncadd.s32 $0xFFFFC000  }
0x1b0: {  	[tilespmem:s22], [sflag:$0x2] =	stream.linear.gather [spmem:s11], $0x4000, $0x38;
	[tilespmem:$0x1AA00] =	vst v63  }
0x1b1: {  	_ =	swait.ge [sflag:s21], $0x4000  }
0x1b2: {  	[sflag:s21] =	ssyncset.done $0x0  }
0x1b3: {  	[sflag:s21] =	ssyncadd.s32 $0xFFFFC000  }
0x1b4: {  	[hbm4b:s17+s3] =	stream.linear.scatter [tilespmem:s22], [sflag:$0x2], $0x4000, $0x38;
	[tilespmem:$0x1AA00] =	vst v63  }
0x1b5: {  	_ =	swait.ge [sflag:s21], $0x4000  }
0x1b6: {  	[sflag:s21] =	ssyncset.done $0x0  }
0x1b7: {  	[sflag:s21] =	ssyncadd.s32 $0xFFFFC000  }
0x1b8: {  	[tilespmem:s22], [sflag:$0x2] =	stream.linear.gather [spmem:s12], $0x4000, $0x38;
	[tilespmem:$0x1AA00] =	vst v63  }
0x1b9: {  	_ =	swait.ge [sflag:s21], $0x4000  }
0x1ba: {  	[sflag:s21] =	ssyncset.done $0x0  }
0x1bb: {  	[sflag:s21] =	ssyncadd.s32 $0xFFFFC000  }
0x1bc: {  	[hbm4b:s18+s3] =	stream.linear.scatter [tilespmem:s22], [sflag:$0x2], $0x4000, $0x38;
	[tilespmem:$0x1AA00] =	vst v63  }
0x1bd: {  	_ =	swait.ge [sflag:s21], $0x4000  }
0x1be: {  	[sflag:s21] =	ssyncset.done $0x0  }
0x1bf: {  	[sflag:s21] =	ssyncadd.s32 $0xFFFFC000  }
0x1c0: {  	[tilespmem:s22], [sflag:$0x2] =	stream.linear.gather [spmem:s13], $0x4000, $0x38;
	[tilespmem:$0x1AA00] =	vst v63  }
0x1c1: {  	s29 =	sadd.s32 $0x1, s29;
	_ =	swait.ge [sflag:s21], $0x4000  }
0x1c2: {  	p0 =	sne.s32 s29, s20;
	[sflag:s21] =	ssyncset.done $0x0  }
.Ltmp3:
0x1c3: {  	[sflag:s21] =	ssyncadd.s32 $0xFFFFC000;
	(pc) =	sbr.rel @p0 .LBB2_1-.Ltmp3, $4  }
0x1c4: {  	[hbm4b:s19+s3] =	stream.linear.scatter [tilespmem:s22], [sflag:$0x2], $0x4000, $0x38;
	[tilespmem:$0x1AA00] =	vst v63  }
0x1c5: {  	_ =	swait.ge [sflag:s21], $0x4000  }
0x1c6: {  	[sflag:s21] =	ssyncset.done $0x0  }
0x1c7: {  	[sflag:s21] =	ssyncadd.s32 $0xFFFFC000  }
0x1c8: {  	_ =	sfence.sel $0x180000  }
0x1c9: {  	[bflag:$0x0] =	sbarrier.arrive $0xFFFF  }
0x1ca: {  	_ =	strace $0x9000004A  }
0x1cb: {  	s0 =	stileid.u32;
	[bflag:$0x2] =	sbarrier.arrive $0xFFFF  }
0x1cc: {  	p0 =	sne.s32 s0, $0x0;
	s0 =	rddreg [dreg:$0x3]  }
0x1cd: {  	s0 =	sadd.s32 @!p0 $0x100000, s0  }
0x1ce: {  	[sflag:s0] =	ssyncadd.tile.s32 @!p0 $0x1;
	_ =	shalt  }
.Lfunc_end2:
_tile_overlayer_lowered:
.L_overlay_start_2:
0x1cf: {  	(tag) =	ssettag $0x2  }
0x1d0: {  	s0 =	rddreg [dreg:$0x0];
	s2 =	stileid.u32  }
0x1d1: {  	s1 =	rddreg [dreg:$0x1];
	p0 =	sne.s32 s2, $0x0  }
0x1d2: {  	s3 =	rddreg [dreg:$0x2];
	[bflag:$0x3] =	sbarrier.arrive $0xFFFF;
	s2 =	simm.s32 @!p0 $0x1C02  }
0x1d3: {  	[timem:s3], [sflag:s2] =	dma.local @!p0 [hbm:s0], s1  }
0x1d4: {  	s0 =	simm.s32 @!p0 $0x2  }
0x1d5: {  	_ =	swait.ge @!p0 [sflag:s0], s1  }
0x1d6: {  	s1 =	ssub.s32 @!p0 $0x0, s1;
	[sflag:s0] =	ssyncset.done @!p0 $0x0  }
0x1d7: {  	[sflag:s0] =	ssyncadd.s32 @!p0 s1  }
0x1d8: {  	[bflag:$0x3] =	sbarrier.arrive $0xFFFF  }
0x1d9: {  	_ =	shalt  }

// kernel: kernel.8.cloned.1.call-start
scs
__scs_entry_jumppad:
0x0: {  	(pc) =	sbr.rel $0x88, $3  }
0x1: {  	(tag) =	ssettag $0x0;
	lr =	simm.s32 $0x1  }
0x2: {  	[smem:$0x3F9A] =	sst lr;
	_ =	strace $0xD0000000  }
0x3: {  	_ = 	snop  }
0x4: {  	_ = 	snop  }
0x5: {  	_ = 	snop  }
0x6: {  	_ = 	snop  }
0x7: {  	_ = 	snop  }
__scs_overlays_trampoline_lowered:
0x8: {  	[smem:$0x3FA9] =	sst s0  }
0x9: {  	[smem:$0x3FAA] =	sst s1  }
0xa: {  	[smem:$0x3FAB] =	sst s2  }
0xb: {  	[smem:$0x3FAC] =	sst s3  }
0xc: {  	[smem:$0x3FAD] =	sst s4  }
0xd: {  	[smem:$0x3FAE] =	sst s5  }
0xe: {  	[smem:$0x3FAF] =	sst s6  }
0xf: {  	[smem:$0x3FB0] =	sst s7  }
0x10: {  	[smem:$0x3FB1] =	sst s8  }
0x11: {  	[smem:$0x3FB2] =	sst s9;
	s0 =	simm.s32 @!p0 $0x0  }
0x12: {  	s1 =	sld [smem:$0x3F98];
	s0 =	simm.s32 @p0 $0x1  }
0x13: {  	[smem:$0x3FB3] =	sst s0;
	s0 =	simm.s32 @!p1 $0x0  }
0x14: {  	s2 =	sld [smem:$0x3F97];
	s0 =	simm.s32 @p1 $0x1  }
0x15: {  	[smem:$0x3FB4] =	sst s0;
	s0 =	simm.s32 @!p2 $0x0  }
0x16: {  	s3 =	sld [smem:$0x3FDB];
	s0 =	simm.s32 @p2 $0x1  }
0x17: {  	s4 =	simm.s32 $0x1BF5;
	[smem:$0x3FB6] =	sst s0  }
0x18: {  	s0 =	sld [smem:$0x3F99];
	_ =	swait.ge [sflag:s4], $0x0  }
0x19: {  	s7 =	sld [smem:$0x3F9A]  }
0x1a: {  	s8 =	sadd.s32 $0xFFFFE003, lr  }
0x1b: {  	s9 =	sadd.s32 $0xFFFFFEF7, lr;
	s5 =	simm.s32 $0xFFFFFFFF;
	p2 =	slt.u32 s8, $0xFFFFF086  }
0x1c: {  	p1 =	slt.u32 s9, $0xF7A;
	s5 =	simm.s32 @!p2 $0x0  }
0x1d: {  	s5 =	simm.s32 @p1 $0x1;
	p0 =	seq.s32 s7, s2  }
0x1e: {  	s7 =	smul.u32 @!p0 $0xF7A, s2;
	p2 =	seq.s32 @!p0 s5, $0x0  }
0x1f: {  	s9 =	smul.u32 $0xF7A, s1;
	s8 =	simm.s32 @!p0 $0x1BF5;
	p2 =	por !p2, p0  }
0x20: {  	[sflag:s8] =	ssyncset.s32 @!p0 $0xFFFFF086;
	s6 =	sadd.s32 @!p0 s3, s7;
	s7 =	simm.s32 @!p0 $0x108  }
0x21: {  	s3 =	sadd.s32 s3, s9;
	s6 =	sadd.s32 @!p0 $0x88, s6;
	s7 =	simm.s32 @p2 $0x1082  }
0x22: {  	[simem:s7], [sflag:s8] =	dma.local @!p0 [hbm:s6], $0xF7A  }
0x23: {  	s9 =	sor.u32 $0xD0000000, s2;
	s6 =	simm.s32 $0x108;
	_ =	swait.ge @!p0 [sflag:s8], $0x0  }
0x24: {  	s3 =	sadd.s32 $0x88, s3;
	s6 =	simm.s32 @!p1 $0x1082;
	[sflag:s4] =	ssyncset.s32 $0xFFFFF086  }
0x25: {  	[simem:s6], [sflag:s4] =	dma.local [hbm:s3], $0xF7A  }
0x26: {  	[smem:$0x3F9A] =	sst s1;
	(tag) =	ssettag s2;
	_ =	strace s9  }
0x27: {  	s1 =	sld [smem:$0x3FAA]  }
0x28: {  	s2 =	sld [smem:$0x3FAB]  }
0x29: {  	s4 =	sld [smem:$0x3FAD]  }
0x2a: {  	p0 =	seq.s32 s5, $0x0;
	s5 =	sld [smem:$0x3FAE]  }
0x2b: {  	s6 =	sld [smem:$0x3FAF]  }
0x2c: {  	s7 =	sld [smem:$0x3FB0]  }
0x2d: {  	s3 =	simm.s32 $0x108;
	s8 =	sld [smem:$0x3FB1]  }
0x2e: {  	s3 =	simm.s32 @!p0 $0x1082;
	s9 =	sld [smem:$0x3FB2]  }
0x2f: {  	lr =	sadd.s32 s0, s3;
	s0 =	sld [smem:$0x3FA9]  }
0x30: {  	s3 =	sld [smem:$0x3FAC]  }
0x31: {  	[smem:$0x3FB5] =	sst s10  }
0x32: {  	s10 =	sld [smem:$0x3FB3];
	_ =	sdelay $0x3  }
0x33: {  	p0 =	seq.s32 s10, $0x1;
	s10 =	sld [smem:$0x3FB5];
	_ =	sdelay $0x3  }
0x34: {  	[smem:$0x3FB5] =	sst s10  }
0x35: {  	s10 =	sld [smem:$0x3FB4];
	_ =	sdelay $0x3  }
0x36: {  	p1 =	seq.s32 s10, $0x1;
	s10 =	sld [smem:$0x3FB5];
	_ =	sdelay $0x3  }
0x37: {  	[smem:$0x3FB5] =	sst s10  }
0x38: {  	s10 =	sld [smem:$0x3FB6]  }
0x39: {  	_ = 	snop;
	(pc) =	sbr.ind lr, $3  }
0x3a: {  	_ = 	snop  }
0x3b: {  	_ = 	snop  }
0x3c: {  	p2 =	seq.s32 s10, $0x1;
	s10 =	sld [smem:$0x3FB5]  }
0x3d: {  	_ =	shalt  }
0x3e: {  	_ =	shalt  }
0x3f: {  	_ =	shalt  }
0x40: {  	_ =	shalt  }
0x41: {  	_ =	shalt  }
0x42: {  	_ =	shalt  }
0x43: {  	_ =	shalt  }
0x44: {  	_ =	shalt  }
0x45: {  	_ =	shalt  }
0x46: {  	_ =	shalt  }
0x47: {  	_ =	shalt  }
0x48: {  	_ =	shalt  }
0x49: {  	_ =	shalt  }
0x4a: {  	_ =	shalt  }
0x4b: {  	_ =	shalt  }
0x4c: {  	_ =	shalt  }
0x4d: {  	_ =	shalt  }
0x4e: {  	_ =	shalt  }
0x4f: {  	_ =	shalt  }
0x50: {  	_ =	shalt  }
0x51: {  	_ =	shalt  }
0x52: {  	_ =	shalt  }
0x53: {  	_ =	shalt  }
0x54: {  	_ =	shalt  }
0x55: {  	_ =	shalt  }
0x56: {  	_ =	shalt  }
0x57: {  	_ =	shalt  }
0x58: {  	_ =	shalt  }
0x59: {  	_ =	shalt  }
0x5a: {  	_ =	shalt  }
0x5b: {  	_ =	shalt  }
0x5c: {  	_ =	shalt  }
0x5d: {  	_ =	shalt  }
0x5e: {  	_ =	shalt  }
0x5f: {  	_ =	shalt  }
0x60: {  	_ =	shalt  }
0x61: {  	_ =	shalt  }
0x62: {  	_ =	shalt  }
0x63: {  	_ =	shalt  }
0x64: {  	_ =	shalt  }
0x65: {  	_ =	shalt  }
0x66: {  	_ =	shalt  }
0x67: {  	_ =	shalt  }
0x68: {  	_ =	shalt  }
0x69: {  	_ =	shalt  }
0x6a: {  	_ =	shalt  }
0x6b: {  	_ =	shalt  }
0x6c: {  	_ =	shalt  }
0x6d: {  	_ =	shalt  }
0x6e: {  	_ =	shalt  }
0x6f: {  	_ =	shalt  }
0x70: {  	_ =	shalt  }
0x71: {  	_ =	shalt  }
0x72: {  	_ =	shalt  }
0x73: {  	_ =	shalt  }
0x74: {  	_ =	shalt  }
0x75: {  	_ =	shalt  }
0x76: {  	_ =	shalt  }
0x77: {  	_ =	shalt  }
0x78: {  	_ =	shalt  }
0x79: {  	_ =	shalt  }
0x7a: {  	_ =	shalt  }
0x7b: {  	_ =	shalt  }
0x7c: {  	_ =	shalt  }
0x7d: {  	_ =	shalt  }
0x7e: {  	_ =	shalt  }
0x7f: {  	_ =	shalt  }
0x80: {  	_ =	shalt  }
0x81: {  	_ =	shalt  }
0x82: {  	_ =	shalt  }
0x83: {  	_ =	shalt  }
0x84: {  	_ =	shalt  }
0x85: {  	_ =	shalt  }
0x86: {  	_ =	shalt  }
0x87: {  	_ =	shalt  }
.Lfunc_end0:
.L_simem_size_0:
called_computation_lowered:
.L_overlay_start_0:
0x88: {  	s2 =	sld [smem:$0x3FD9]  }
0x89: {  	s3 =	sld [smem:$0x3FFE];
	_ =	sdelay $0x1  }
0x8a: {  	s1 =	srdreg.scid  }
0x8b: {  	s0 =	sand.u32 $0x1, s1  }
0x8c: {  	s16 =	sshll.u32 s0, $0xA;
	s2 =	sadd.s32 s3, s2  }
0x8d: {  	s2 =	sadd.s32 s2, s16  }
0x8e: {  	[smem:$0x3FC1] =	sst s2  }
0x8f: {  	_ = 	snop  }
0x90: {  	(tm) =	ssettm $0x1  }
0x91: {  	s17 =	sld [smem:$0x3FFB];
	_ =	sdelay $0x3  }
0x92: {  	_ =	strace s17  }
0x93: {  	s2 =	sld [smem:$0x3FFC];
	_ =	sdelay $0x3  }
0x94: {  	_ =	strace s2  }
0x95: {  	s2 =	sld [smem:$0x3FFD];
	_ =	sdelay $0x3  }
0x96: {  	_ =	strace s2  }
0x97: {  	_ =	strace $0x8FFFFFFF  }
0x98: {  	s18 =	sld [smem:$0x3FDB];
	_ =	sdelay $0x1  }
0x99: {  	s19 =	simm.s32 $_scs_section_size  }
0x9a: {  	s4 =	simm.s32 $_size__tile_overlayer_lowered;
	s5 =	simm.s32 $_tile_overlayer_lowered  }
0x9b: {  	s22 =	simm.s32 $0x1BFF;
	s21 =	sshll.u32 s5, $0x1;
	s2 =	sadd.s32 s19, s18  }
0x9c: {  	s6 =	simm.s32 $0x0;
	s20 =	sshll.u32 s4, $0x1;
	s4 =	sadd.s32 s21, s2  }
0x9d: {  	[timem:s6], [sflag:s22] =	dma.local [hbm:s4], s20  }
0x9e: {  	_ =	swait.ge [sflag:s22], s20  }
0x9f: {  	s3 =	ssub.s32 $0x0, s20;
	[sflag:s22] =	ssyncset.done $0x0  }
0xa0: {  	[sflag:s22] =	ssyncadd.s32 s3;
	_ =	sdelay $0x1  }
0xa1: {  	s23 =	simm.s32 $0x1B8B  }
0xa2: {  	_ =	swait.ge [sflag:s23], $0x1  }
0xa3: {  	[sflag:s23] =	ssyncset.done $0x0  }
0xa4: {  	s25 =	simm.s32 $0x1B8E;
	s24 =	sld [smem:$0x3FFE];
	[sflag:s23] =	ssyncadd.s32 $0xFFFFFFFF  }
0xa5: {  	s26 =	simm.s32 $execute0_lowered;
	[smem:$0x3FD2] =	sst s25  }
0xa6: {  	s4 =	sshll.u32 s26, $0x1;
	_ =	strace $0x80000046;
	[dreg:$0x1] =	wrdreg $0xFFFFFFFF  }
0xa7: {  	s28 =	simm.s32 $_size_execute0_lowered;
	s2 =	sadd.s32 s2, s4;
	[dreg:$0x0] =	wrdreg $0x0  }
0xa8: {  	s4 =	sshll.u32 s28, $0x1;
	[dreg:$0x2] =	wrdreg s2  }
0xa9: {  	[dreg:$0x3] =	wrdreg s4  }
0xaa: {  	[dreg:$0x4] =	wrdreg $0xC0  }
0xab: {  	_ =	task [dreg:s6], $0x5FFFF  }
0xac: {  	[dreg:$0x1] =	wrdreg $0xFFFFFFFF  }
0xad: {  	[dreg:$0x0] =	wrdreg $0x60  }
0xae: {  	[dreg:$0x2] =	wrdreg s24  }
0xaf: {  	[dreg:$0x3] =	wrdreg $0x3800  }
0xb0: {  	[dreg:$0x4] =	wrdreg $0x9  }
0xb1: {  	_ =	task.clear_ibuf [dreg:s6], $0x5FFFF;
	_ =	strace $0x90000046  }
0xb2: {  	s29 =	simm.s32 $0x9;
	_ =	strace $0x80000048  }
0xb3: {  	_ =	swait.ge [sflag:s29], $0x1  }
0xb4: {  	[sflag:s29] =	ssyncadd.s32 $0xFFFFFFFF  }
0xb5: {  	_ =	strace $0x90000048  }
0xb6: {  	_ =	sfence  }
0xb7: {  	s30 =	sld [smem:$0x0];
	_ =	sdelay $0x2  }
0xb8: {  	s31 =	sshll.u32 s1, $0xD;
	s1 =	sshrl.u32 s1, $0x2  }
0xb9: {  	s3 =	sand.u32 $0x4000, s31;
	s1 =	sadd.s32 s1, s30  }
0xba: {  	s0 =	sor.u32 s3, s0;
	s1 =	sshll.u32 s1, $0x11  }
0xbb: {  	s0 =	sor.u32 s1, s0  }
0xbc: {  	s0 =	sadd.s32 $0x8F2B, s0  }
0xbd: {  	[sflag:s0] =	ssyncadd.remote.s32 $0x1  }
0xbe: {  	_ =	sfence.sel $0xFFFF  }
0xbf: {  	[dreg:$0x0] =	wrdreg $0xFFFFFFFF;
	(pc) =	sbr.abs _section_cstart, $3  }
0xc0: {  	[dreg:$0x1] =	wrdreg $0xFFFFFFFF  }
0xc1: {  	_ =	task.clear_ibuf [dreg:s6], $0x2FFFF;
	_ =	strace $0x9FFFFFFF  }
0xc2: {  	(tm) =	ssettm $0x7FFFFFFF  }
0xc3: {  	_ =	shalt  }
tec
execute0_lowered:
.L_overlay_start_1:
0x0: {  	(tag) =	ssettag $0x1  }
0x1: {  	s4 =	rddreg [dreg:$0x0]  }
0x2: {  	s2 =	rddreg [dreg:$0x1];
	s1 =	stileid.u32  }
0x3: {  	s0 =	rddreg [dreg:$0x2];
	s6 =	smul.u32 $0x500, s1  }
0x4: {  	s5 =	srdreg.scid;
	s3 =	simm.s32 $0x0;
	s30 =	smul.u32 $0xA00, s1  }
0x5: {  	s11 =	simm.s32 $0x80;
	s5 =	sand.u32 $0x1, s5;
	s10 =	smul.u32 $0x510, s1  }
0x6: {  	s12 =	simm.s32 $0x0;
	[smem:$0x7FF] =	sst s3;
	s7 =	smul.u32 $0x5100, s5  }
0x7: {  	s8 =	sshll.u32 s5, $0x7;
	_ =	strace $0x80000047;
	s5 =	ssub.s32 $0x2, s5  }
0x8: {  	s6 =	sor.u32 s8, s6;
	s9 =	sshrl.u32 s5, $0x1;
	s8 =	sshrl.u32 s30, $0x2  }
0x9: {  	s7 =	sadd.s32 s7, s4;
	s6 =	sshrl.u32 s6, $0x3;
	s9 =	ssub.s32 s5, s9  }
0xa: {  	s6 =	sadd.s32 s6, s4;
	s4 =	sadd.s32 s8, s2;
	s31 =	sadd.s32 s10, s7  }
0xb: {  	s10 =	simm.s32 $0x1;
	s5 =	sadd.s32 $0x15E00, s6;
	s6 =	smax.u32 s9, $0x1  }
0xc: {  	v0 =	vimm.f32 $0.0e+00;
	s7 =	sadd.s32 $0x1A00, s31;
	s8 =	sadd.s32 $0xBC00, s31;
	s9 =	simm.s32 $0x100  }
.LBB2_1:
0xd: {  	[tilespmem:$0x100] =	vst v0  }
0xe: {  	[tilespmem:$0x110] =	vst v0  }
0xf: {  	[tilespmem:$0x120] =	vst v0  }
0x10: {  	[tilespmem:$0x130] =	vst v0  }
0x11: {  	[tilespmem:$0x140] =	vst v0  }
0x12: {  	[tilespmem:$0x150] =	vst v0  }
0x13: {  	[tilespmem:$0x160] =	vst v0  }
0x14: {  	[tilespmem:$0x170] =	vst v0  }
0x15: {  	[tilespmem:$0x180] =	vst v0  }
0x16: {  	[tilespmem:$0x190] =	vst v0  }
0x17: {  	[tilespmem:$0x1A0] =	vst v0  }
0x18: {  	[tilespmem:$0x1B0] =	vst v0  }
0x19: {  	[tilespmem:$0x1C0] =	vst v0  }
0x1a: {  	[tilespmem:$0x1D0] =	vst v0  }
0x1b: {  	[tilespmem:$0x1E0] =	vst v0  }
0x1c: {  	[tilespmem:$0x1F0] =	vst v0  }
0x1d: {  	[tilespmem:$0x200] =	vst v0  }
0x1e: {  	[tilespmem:$0x210] =	vst v0  }
0x1f: {  	[tilespmem:$0x220] =	vst v0  }
0x20: {  	[tilespmem:$0x230] =	vst v0  }
0x21: {  	[tilespmem:$0x240] =	vst v0  }
0x22: {  	[tilespmem:$0x250] =	vst v0  }
0x23: {  	[tilespmem:$0x260] =	vst v0  }
0x24: {  	[tilespmem:$0x270] =	vst v0  }
0x25: {  	[tilespmem:$0x280] =	vst v0  }
0x26: {  	[tilespmem:$0x290] =	vst v0  }
0x27: {  	[tilespmem:$0x2A0] =	vst v0  }
0x28: {  	[tilespmem:$0x2B0] =	vst v0  }
0x29: {  	[tilespmem:$0x2C0] =	vst v0  }
0x2a: {  	[tilespmem:$0x2D0] =	vst v0  }
0x2b: {  	[tilespmem:$0x2E0] =	vst v0  }
0x2c: {  	[tilespmem:$0x2F0] =	vst v0  }
0x2d: {  	[tilespmem:$0x300] =	vst v0  }
0x2e: {  	[tilespmem:$0x310] =	vst v0  }
0x2f: {  	[tilespmem:$0x320] =	vst v0  }
0x30: {  	[tilespmem:$0x330] =	vst v0  }
0x31: {  	[tilespmem:$0x340] =	vst v0  }
0x32: {  	[tilespmem:$0x350] =	vst v0  }
0x33: {  	[tilespmem:$0x360] =	vst v0  }
0x34: {  	[tilespmem:$0x370] =	vst v0  }
0x35: {  	[spmem:s4] =	stream.linear.scatter [tilespmem:s9], [sflag:$0x1], $0x280, $0x38;
	[tilespmem:$0x600] =	vst v63  }
0x36: {  	_ =	swait.ge [sflag:s10], $0x280  }
0x37: {  	[sflag:s10] =	ssyncset.done $0x0  }
0x38: {  	[sflag:s10] =	ssyncadd.s32 $0xFFFFFD80  }
0x39: {  	s13 =	sadd.s32 $0x0, s8;
	[bflag:$0x0] =	sbarrier.arrive $0xFFFF  }
0x3a: {  	[tilespmem:s3], [sflag:$0x1] =	stream.linear.gather [hbm4b:s13+s3], $0x80, $0x38;
	[tilespmem:$0x600] =	vst v63  }
0x3b: {  	_ =	swait.ge [sflag:s10], $0x80  }
0x3c: {  	[sflag:s10] =	ssyncset.done $0x0  }
0x3d: {  	s31 =	sadd.s32 $0x0, s7;
	[sflag:s10] =	ssyncadd.s32 $0xFFFFFF80  }
0x3e: {  	[tilespmem:s11], [sflag:$0x1] =	stream.linear.gather [hbm4b:s31+s3], $0x80, $0x38;
	[tilespmem:$0x600] =	vst v63  }
0x3f: {  	_ =	swait.ge [sflag:s10], $0x80  }
0x40: {  	[sflag:s10] =	ssyncset.done $0x0  }
0x41: {  	[sflag:s10] =	ssyncadd.s32 $0xFFFFFF80  }
0x42: {  	[spmem:s2] =	stream.indirect.scatter.add.f32 [tilespmem:s11], [sflag:$0x1], $0x1, s3, s11, $0xb8;
	[tilespmem:$0x600] =	vst v63  }
0x43: {  	_ =	swait.ge [sflag:s10], $0x80  }
0x44: {  	s14 =	simm.s32 $0x20;
	s13 =	simm.s32 $0x10;
	[sflag:s10] =	ssyncset.done $0x0  }
.LBB2_2:
0x45: {  	s15 =	sadd.s32 s13, s8  }
0x46: {  	[sflag:s10] =	ssyncadd.s32 $0xFFFFFF80;
	s16 =	smov.u32 s14;
	s17 =	sadd.s32 $0x10, s14  }
0x47: {  	[tilespmem:s3], [sflag:$0x1] =	stream.linear.gather [hbm4b:s15+s3], $0x80, $0x38;
	[tilespmem:$0x600] =	vst v63  }
0x48: {  	p0 =	sne.s32 s14, $0x500;
	_ =	swait.ge [sflag:s10], $0x80  }
0x49: {  	[sflag:s10] =	ssyncset.done $0x0  }
0x4a: {  	s14 =	sadd.s32 s13, s7;
	s13 =	smov.u32 s16;
	[sflag:s10] =	ssyncadd.s32 $0xFFFFFF80  }
0x4b: {  	[tilespmem:s11], [sflag:$0x1] =	stream.linear.gather [hbm4b:s14+s3], $0x80, $0x38;
	[tilespmem:$0x600] =	vst v63  }
0x4c: {  	_ =	swait.ge [sflag:s10], $0x80  }
.Ltmp0:
0x4d: {  	[sflag:s10] =	ssyncset.done $0x0;
	(pc) =	sbr.rel @p0 .LBB2_2-.Ltmp0, $4  }
0x4e: {  	[sflag:s10] =	ssyncadd.s32 $0xFFFFFF80  }
0x4f: {  	[spmem:s2] =	stream.indirect.scatter.add.f32 [tilespmem:s11], [sflag:$0x1], $0x1, s3, s11, $0xb8;
	[tilespmem:$0x600] =	vst v63  }
0x50: {  	_ =	swait.ge [sflag:s10], $0x80  }
0x51: {  	s14 =	smov.u32 s17;
	[sflag:s10] =	ssyncset.done $0x0  }
0x52: {  	s14 =	sadd.s32 s13, s8;
	[sflag:s10] =	ssyncadd.s32 $0xFFFFFF80  }
0x53: {  	[tilespmem:s3], [sflag:$0x1] =	stream.linear.gather [hbm4b:s14+s3], $0x80, $0x38;
	[tilespmem:$0x600] =	vst v63  }
0x54: {  	_ =	swait.ge [sflag:s10], $0x80  }
0x55: {  	[sflag:s10] =	ssyncset.done $0x0  }
0x56: {  	s31 =	sadd.s32 s13, s7;
	[sflag:s10] =	ssyncadd.s32 $0xFFFFFF80  }
0x57: {  	[tilespmem:s11], [sflag:$0x1] =	stream.linear.gather [hbm4b:s31+s3], $0x80, $0x38;
	[tilespmem:$0x600] =	vst v63  }
0x58: {  	_ =	swait.ge [sflag:s10], $0x80  }
0x59: {  	[sflag:s10] =	ssyncset.done $0x0  }
0x5a: {  	[sflag:s10] =	ssyncadd.s32 $0xFFFFFF80  }
0x5b: {  	[spmem:s2] =	stream.indirect.scatter.add.f32 [tilespmem:s11], [sflag:$0x1], $0x1, s3, s11, $0xb8;
	[tilespmem:$0x600] =	vst v63  }
0x5c: {  	_ =	swait.ge [sflag:s10], $0x80  }
0x5d: {  	[sflag:s10] =	ssyncset.done $0x0  }
0x5e: {  	[sflag:s10] =	ssyncadd.s32 $0xFFFFFF80  }
0x5f: {  	[bflag:$0x0] =	sbarrier.arrive $0xFFFF  }
0x60: {  	[tilespmem:s9], [sflag:$0x1] =	stream.linear.gather [spmem:s4], $0x280, $0x38;
	[tilespmem:$0x600] =	vst v63  }
0x61: {  	s12 =	sadd.s32 $0x1, s12;
	_ =	swait.ge [sflag:s10], $0x280  }
0x62: {  	p0 =	sne.s32 s12, s6;
	[sflag:s10] =	ssyncset.done $0x0  }
.Ltmp1:
0x63: {  	[sflag:s10] =	ssyncadd.s32 $0xFFFFFD80;
	(pc) =	sbr.rel @p0 .LBB2_1-.Ltmp1, $4  }
0x64: {  	[hbm4b:s5+s11] =	stream.strided.scatter [tilespmem:s9], [sflag:$0x1], $0x280, s9, s11, $0x38;
	[tilespmem:$0x600] =	vst v63  }
0x65: {  	_ =	swait.ge [sflag:s10], $0x280  }
0x66: {  	[sflag:s10] =	ssyncset.done $0x0  }
0x67: {  	[sflag:s10] =	ssyncadd.s32 $0xFFFFFD80  }
0x68: {  	_ =	sfence.sel $0x180000  }
0x69: {  	[bflag:$0x0] =	sbarrier.arrive $0xFFFF  }
0x6a: {  	p0 =	sne.s32 s1, $0x0;
	_ =	strace $0x90000047  }
0x6b: {  	s0 =	sadd.s32 @!p0 $0x100000, s0;
	[bflag:$0x2] =	sbarrier.arrive $0xFFFF  }
0x6c: {  	[sflag:s0] =	ssyncadd.tile.s32 @!p0 $0x1;
	_ =	shalt  }
.Lfunc_end2:
_tile_overlayer_lowered:
.L_overlay_start_2:
0x6d: {  	(tag) =	ssettag $0x2  }
0x6e: {  	s0 =	rddreg [dreg:$0x0];
	s2 =	stileid.u32  }
0x6f: {  	s1 =	rddreg [dreg:$0x1];
	p0 =	sne.s32 s2, $0x0  }
0x70: {  	s3 =	rddreg [dreg:$0x2];
	[bflag:$0x3] =	sbarrier.arrive $0xFFFF;
	s2 =	simm.s32 @!p0 $0x1C01  }
0x71: {  	[timem:s3], [sflag:s2] =	dma.local @!p0 [hbm:s0], s1  }
0x72: {  	s0 =	simm.s32 @!p0 $0x1  }
0x73: {  	_ =	swait.ge @!p0 [sflag:s0], s1  }
0x74: {  	s1 =	ssub.s32 @!p0 $0x0, s1;
	[sflag:s0] =	ssyncset.done @!p0 $0x0  }
0x75: {  	[sflag:s0] =	ssyncadd.s32 @!p0 s1  }
0x76: {  	[bflag:$0x3] =	sbarrier.arrive $0xFFFF  }
0x77: {  	_ =	shalt  }

</sc_bundles>
